<compile_context>
chip_gen: v7x
topology: tpu7x:2x2x1
jax: 0.10.2.dev20260603
libtpu: 0.0.44.dev20260713+nightly
codegen_flags: <defaults>
</compile_context>

<pallas_src>
import functools

import jax
import jax.numpy as jnp
from jax import lax
from jax.experimental import pallas as pl
from jax.experimental.pallas import tpu as pltpu
from jax.experimental.pallas import tpu_sc as plsc

N = 10000
E = 160000
D = 256
DH = 128
NC = 2
NS = 16
EPT = E // NS
CH = 80
NCH = EPT // CH
RCH = 400
NRC = N // RCH

_SC_MESH = plsc.VectorSubcoreMesh(
    core_axis_name="c", subcore_axis_name="s", num_cores=NC, num_subcores=NS)


def _sc_scatter_body(xws, src, dst3, out, acc, rows, srcv, dstv, gsem, ssem):
    c = lax.axis_index("c")
    s = lax.axis_index("s")
    half0 = c * N

    pltpu.sync_copy(src.at[pl.ds(s * EPT, EPT)], srcv)
    pltpu.sync_copy(dst3.at[s], dstv)

    for t in range(2):
        cid = s + NS * t

        @pl.when(cid < NRC)
        def _():
            r = cid * RCH
            pltpu.sync_copy(xws.at[pl.ds(half0 + r, RCH)], acc.at[pl.ds(r, RCH)])

    plsc.subcore_barrier()

    tab = xws.at[pl.ds(half0, N)]

    pltpu.async_copy(tab.at[srcv.at[pl.ds(0, CH)]], rows.at[0], gsem)

    def step(k, carry):
        j = lax.rem(k, 2)

        @pl.when(k + 1 < NCH)
        def _():
            @pl.when(k >= 1)
            def _():
                pltpu.make_async_copy(
                    xws.at[pl.ds(0, CH)], rows.at[1 - j], ssem).wait()

            pltpu.async_copy(
                tab.at[srcv.at[pl.ds((k + 1) * CH, CH)]], rows.at[1 - j], gsem)

        pltpu.make_async_copy(xws.at[pl.ds(0, CH)], rows.at[j], gsem).wait()
        pltpu.async_copy(rows.at[j], acc.at[dstv.at[k]], ssem, add=True)
        return carry

    lax.fori_loop(0, NCH, step, 0)
    pltpu.make_async_copy(xws.at[pl.ds(0, 2 * CH)], rows, ssem).wait()
    plsc.subcore_barrier()

    for t in range(2):
        cid = s + NS * t

        @pl.when(cid < NRC)
        def _():
            r = cid * RCH
            pltpu.sync_copy(acc.at[pl.ds(r, RCH)], out.at[pl.ds(half0 + r, RCH)])


_sc_scatter = pl.kernel(
    _sc_scatter_body,
    out_type=jax.ShapeDtypeStruct((NC * N, DH), jnp.float32),
    mesh=_SC_MESH,
    scratch_types=[
        pltpu.VMEM_SHARED((N, DH), jnp.float32),
        pltpu.VMEM((2, CH, DH), jnp.float32),
        pltpu.VMEM((EPT,), jnp.int32),
        pltpu.VMEM((NCH, CH), jnp.int32),
        pltpu.SemaphoreType.DMA,
        pltpu.SemaphoreType.DMA,
    ],
)


def _sc_degrees_body(dsta, dstc, dega, degc, sh, buf, sidx):
    c = lax.axis_index("c")
    s = lax.axis_index("s")

    def fill(i, carry):
        buf[i, :] = jnp.ones((16,), jnp.float32)
        return carry

    lax.fori_loop(0, RCH, fill, 0)
    for t in range(2):
        cid = s + NS * t

        @pl.when(cid < NRC)
        def _():
            pltpu.sync_copy(buf, sh.at[pl.ds(cid * RCH, RCH)])

    plsc.subcore_barrier()

    def step(k, carry):
        base = s * EPT + k * CH

        @pl.when(c == 0)
        def _():
            pltpu.sync_copy(dsta.at[pl.ds(base, CH)], sidx.at[0])

        @pl.when(c == 1)
        def _():
            pltpu.sync_copy(dstc.at[pl.ds(base, CH)], sidx.at[0])

        pltpu.sync_copy(buf.at[pl.ds(0, CH)], sh.at[sidx.at[0]], add=True)
        return carry

    lax.fori_loop(0, NCH, step, 0)
    plsc.subcore_barrier()

    for t in range(2):
        cid = s + NS * t

        @pl.when(cid < NRC)
        def _():
            pltpu.sync_copy(sh.at[pl.ds(cid * RCH, RCH)], buf)

            @pl.when(c == 0)
            def _():
                pltpu.sync_copy(buf, dega.at[pl.ds(cid * RCH, RCH)])

            @pl.when(c == 1)
            def _():
                pltpu.sync_copy(buf, degc.at[pl.ds(cid * RCH, RCH)])


_sc_degrees = pl.kernel(
    _sc_degrees_body,
    out_type=(jax.ShapeDtypeStruct((N, 16), jnp.float32),
              jax.ShapeDtypeStruct((N, 16), jnp.float32)),
    mesh=_SC_MESH,
    scratch_types=[
        pltpu.VMEM_SHARED((N, 16), jnp.float32),
        pltpu.VMEM((RCH, 16), jnp.float32),
        pltpu.VMEM((1, CH), jnp.int32),
    ],
)



BR = 2000
GB = N // BR


def _mm_first_body(x_ref, w_ref, degn_ref, out_ref):
    xw = jnp.dot(x_ref[...], w_ref[...], preferred_element_type=jnp.float32)
    sc = lax.rsqrt(degn_ref[...])
    out_ref[0] = xw[:, :DH] * sc
    out_ref[1] = xw[:, DH:] * sc


_mm_first = pl.pallas_call(
    _mm_first_body,
    grid=(GB,),
    in_specs=[
        pl.BlockSpec((BR, D), lambda i: (i, 0)),
        pl.BlockSpec((D, D), lambda i: (0, 0)),
        pl.BlockSpec((BR, 1), lambda i: (i, 0)),
    ],
    out_specs=pl.BlockSpec((2, BR, DH), lambda i: (0, i, 0)),
    out_shape=jax.ShapeDtypeStruct((2, N, DH), jnp.float32),
)


def _mm_mid_body(agg_ref, degp_ref, bp_ref, w_ref, degn_ref, out_ref):
    dp = lax.rsqrt(degp_ref[...])
    h0 = jnp.maximum(agg_ref[0] * dp + bp_ref[:, :DH], 0.0)
    h1 = jnp.maximum(agg_ref[1] * dp + bp_ref[:, DH:], 0.0)
    xw = (jnp.dot(h0, w_ref[:DH, :], preferred_element_type=jnp.float32)
          + jnp.dot(h1, w_ref[DH:, :], preferred_element_type=jnp.float32))
    sc = lax.rsqrt(degn_ref[...])
    out_ref[0] = xw[:, :DH] * sc
    out_ref[1] = xw[:, DH:] * sc


_mm_mid = pl.pallas_call(
    _mm_mid_body,
    grid=(GB,),
    in_specs=[
        pl.BlockSpec((2, BR, DH), lambda i: (0, i, 0)),
        pl.BlockSpec((BR, 1), lambda i: (i, 0)),
        pl.BlockSpec((1, D), lambda i: (0, 0)),
        pl.BlockSpec((D, D), lambda i: (0, 0)),
        pl.BlockSpec((BR, 1), lambda i: (i, 0)),
    ],
    out_specs=pl.BlockSpec((2, BR, DH), lambda i: (0, i, 0)),
    out_shape=jax.ShapeDtypeStruct((2, N, DH), jnp.float32),
)


def _fin_body(agg_ref, deg_ref, b_ref, out_ref):
    dp = lax.rsqrt(deg_ref[...])
    out_ref[:, :DH] = agg_ref[0] * dp + b_ref[:, :DH]
    out_ref[:, DH:] = agg_ref[1] * dp + b_ref[:, DH:]


_finalize = pl.pallas_call(
    _fin_body,
    grid=(GB,),
    in_specs=[
        pl.BlockSpec((2, BR, DH), lambda i: (0, i, 0)),
        pl.BlockSpec((BR, 1), lambda i: (i, 0)),
        pl.BlockSpec((1, D), lambda i: (0, 0)),
    ],
    out_specs=pl.BlockSpec((BR, D), lambda i: (i, 0)),
    out_shape=jax.ShapeDtypeStruct((N, D), jnp.float32),
)


def _agg(xws, src, dst):
    return _sc_scatter(
        xws.reshape(NC * N, DH), src, dst.reshape(NS, NCH, CH)).reshape(NC, N, DH)


def kernel(x, edge_index, edge_index_cross, W1, b1, Wc1, bc1, W2, b2, Wc2, bc2, W3, b3):
    src_a = edge_index[0].astype(jnp.int32)
    dst_a = edge_index[1].astype(jnp.int32)
    src_c = edge_index_cross[0].astype(jnp.int32)
    dst_c = edge_index_cross[1].astype(jnp.int32)

    dega16, degc16 = _sc_degrees(dst_a, dst_c)
    deg_a = dega16[:, :1]
    deg_c = degc16[:, :1]

    b1r, bc1r, b2r, bc2r, b3r = (b.reshape(1, D) for b in (b1, bc1, b2, bc2, b3))

    xws = _mm_first(x, W1, deg_a)
    agg = _agg(xws, src_a, dst_a)
    xws = _mm_mid(agg, deg_a, b1r, Wc1, deg_c)
    agg = _agg(xws, src_c, dst_c)
    xws = _mm_mid(agg, deg_c, bc1r, W2, deg_a)
    agg = _agg(xws, src_a, dst_a)
    xws = _mm_mid(agg, deg_a, b2r, Wc2, deg_c)
    agg = _agg(xws, src_c, dst_c)
    xws = _mm_mid(agg, deg_c, bc2r, W3, deg_a)
    agg = _agg(xws, src_a, dst_a)
    return _finalize(agg, deg_a, b3r)

# --- scband reference (transcript-rebuilt; emitter-appended) ---
"""Pipeline reference for scband-cross-gcn-71871982731540 (READ-ONLY COPY).

The authoritative reference and input builder live on the scoring server;
editing this copy changes nothing except your own understanding.
"""

import jax, jax.numpy as jnp
import numpy as np

N_NODES = 10000
N_EDGES = 160000
D = 256


def gcn_conv(x, edge_index, W, b):
    # PyG-style GCNConv: add self-loops, symmetric normalization D^-1/2 (A+I) D^-1/2 X W + b
    n = x.shape[0]
    si = jnp.arange(n, dtype=edge_index.dtype)
    src = jnp.concatenate([edge_index[0], si])
    dst = jnp.concatenate([edge_index[1], si])
    deg = jnp.zeros((n,), dtype=x.dtype).at[dst].add(1.0)
    dinv = jnp.where(deg > 0, 1.0 / jnp.sqrt(deg), 0.0)
    norm = dinv[src] * dinv[dst]
    xw = x @ W
    msg = xw[src] * norm[:, None]
    out = jnp.zeros((n, W.shape[1]), dtype=x.dtype).at[dst].add(msg)
    return out + b


def setup_inputs(seed: int = 0):
    key = jax.random.key(seed)
    ks = jax.random.split(key, 14)
    x = jax.random.normal(ks[0], (N_NODES, D), dtype=jnp.float32)
    edge_index = jax.random.randint(ks[1], (2, N_EDGES), 0, N_NODES)
    edge_index_cross = jax.random.randint(ks[2], (2, N_EDGES), 0, N_NODES)
    s = 1.0 / np.sqrt(D)
    W1 = jax.random.normal(ks[3], (D, D), dtype=jnp.float32) * s
    b1 = jnp.zeros((D,), dtype=jnp.float32)
    Wc1 = jax.random.normal(ks[4], (D, D), dtype=jnp.float32) * s
    bc1 = jnp.zeros((D,), dtype=jnp.float32)
    W2 = jax.random.normal(ks[5], (D, D), dtype=jnp.float32) * s
    b2 = jnp.zeros((D,), dtype=jnp.float32)
    Wc2 = jax.random.normal(ks[6], (D, D), dtype=jnp.float32) * s
    bc2 = jnp.zeros((D,), dtype=jnp.float32)
    W3 = jax.random.normal(ks[7], (D, D), dtype=jnp.float32) * s
    b3 = jnp.zeros((D,), dtype=jnp.float32)
    return {"x": x, "edge_index": edge_index, "edge_index_cross": edge_index_cross,
            "W1": W1, "b1": b1, "Wc1": Wc1, "bc1": bc1,
            "W2": W2, "b2": b2, "Wc2": Wc2, "bc2": bc2,
            "W3": W3, "b3": b3}


def reference(x, edge_index, edge_index_cross, W1, b1, Wc1, bc1, W2, b2, Wc2, bc2, W3, b3):
    # Dropout treated as identity (eval/deterministic mode)
    h = gcn_conv(x, edge_index, W1, b1)
    h = jax.nn.relu(h)
    h = gcn_conv(h, edge_index_cross, Wc1, bc1)
    h = jax.nn.relu(h)
    h = gcn_conv(h, edge_index, W2, b2)
    h = jax.nn.relu(h)
    h = gcn_conv(h, edge_index_cross, Wc2, bc2)
    h = jax.nn.relu(h)
    h = gcn_conv(h, edge_index, W3, b3)
    return jnp.squeeze(h)

if __name__ == "__main__":
    import jax
    _d = setup_inputs()
    print(jax.jit(kernel)(*tuple(_d.values())))

</pallas_src>

<mosaic_0001>
#map = affine_map<(d0, d1) -> (0, 0)>
#map1 = affine_map<(d0, d1) -> (0)>
#map2 = affine_map<(d0, d1) -> (0, 0, 0)>
module attributes {stable_mosaic.version = 14 : i64} {
  func.func @_sc_scatter_body(%arg0: i32, %arg1: i32, %arg2: memref<20000x128xf32, #tpu.memory_space<hbm>>, %arg3: memref<160000xi32, #tpu.memory_space<hbm>>, %arg4: memref<16x125x80xi32, #tpu.memory_space<hbm>>, %arg5: memref<20000x128xf32, #tpu.memory_space<hbm>>, %arg6: memref<10000x128xf32, #tpu.memory_space<vmem_shared>>, %arg7: memref<2x80x128xf32, #tpu.memory_space<vmem>>, %arg8: memref<10000xi32, #tpu.memory_space<vmem>>, %arg9: memref<125x80xi32, #tpu.memory_space<vmem>>, %arg10: memref<!tpu.dma_semaphore, #tpu.memory_space<semaphore_mem>>, %arg11: memref<!tpu.dma_semaphore, #tpu.memory_space<semaphore_mem>>) attributes {dimension_semantics = [#tpu.dimension_semantics<core_parallel>, #tpu.dimension_semantics<subcore_parallel>], iteration_bounds = array<i64: 2, 16>, scalar_prefetch = 0 : i64, scratch_operands = 6 : i64, tpu.core_type = #tpu.core_type<sc_vector_subcore>, window_params = [{transform_indices = #map}, {transform_indices = #map1}, {transform_indices = #map2}, {transform_indices = #map}]} {
    %mul3A = arith.constant 10000 : i32
    %mul3A_0 = arith.muli %arg0, %mul3A : i32
    %mul3A_1 = arith.constant 10000 : i32
    %mul3A_2 = arith.muli %arg1, %mul3A_1 : i32
    "tpu.region"() ({
      %run_scoped3A = tpu.sem_alloc : memref<!tpu.dma_semaphore, #tpu.memory_space<semaphore_mem>>
      %dma_start3A_49 = tpu.memref_slice %arg3[%mul3A_2] : memref<160000xi32, #tpu.memory_space<hbm>> -> memref<10000xi32, #tpu.memory_space<hbm>>
      %dma_start3A_50 = tpu.memref_slice %arg3[%mul3A_2] : memref<160000xi32, #tpu.memory_space<hbm>> -> memref<10000xi32, #tpu.memory_space<hbm>>
      tpu.enqueue_dma source(%dma_start3A_50 : memref<10000xi32, #tpu.memory_space<hbm>>) target(%arg8 : memref<10000xi32, #tpu.memory_space<vmem>>) target_semaphore(%run_scoped3A : memref<!tpu.dma_semaphore, #tpu.memory_space<semaphore_mem>>)
      %dma_wait3A_51 = tpu.memref_slice %arg3[%mul3A_2] : memref<160000xi32, #tpu.memory_space<hbm>> -> memref<10000xi32, #tpu.memory_space<hbm>>
      %dma_wait3A_52 = tpu.memref_slice %arg3[%mul3A_2] : memref<160000xi32, #tpu.memory_space<hbm>> -> memref<10000xi32, #tpu.memory_space<hbm>>
      tpu.wait_dma2 semaphore(%run_scoped3A : memref<!tpu.dma_semaphore, #tpu.memory_space<semaphore_mem>>) src(%dma_wait3A_52 : memref<10000xi32, #tpu.memory_space<hbm>>) dst(%arg8 : memref<10000xi32, #tpu.memory_space<vmem>>)
      tpu.yield
    }) : () -> ()
    "tpu.region"() ({
      %run_scoped3A = tpu.sem_alloc : memref<!tpu.dma_semaphore, #tpu.memory_space<semaphore_mem>>
      %dma_start3A_49 = arith.constant 0 : i32
      %dma_start3A_50 = arith.constant 0 : i32
      %dma_start3A_51 = tpu.memref_slice %arg4[%arg1, %dma_start3A_49, %dma_start3A_50] : memref<16x125x80xi32, #tpu.memory_space<hbm>> -> memref<1x125x80xi32, #tpu.memory_space<hbm>>
      %dma_start3A_52 = tpu.memref_squeeze %dma_start3A_51 : memref<1x125x80xi32, #tpu.memory_space<hbm>> -> memref<125x80xi32, #tpu.memory_space<hbm>>
      %dma_start3A_53 = arith.constant 0 : i32
      %dma_start3A_54 = arith.constant 0 : i32
      %dma_start3A_55 = tpu.memref_slice %arg4[%arg1, %dma_start3A_53, %dma_start3A_54] : memref<16x125x80xi32, #tpu.memory_space<hbm>> -> memref<1x125x80xi32, #tpu.memory_space<hbm>>
      %dma_start3A_56 = tpu.memref_squeeze %dma_start3A_55 : memref<1x125x80xi32, #tpu.memory_space<hbm>> -> memref<125x80xi32, #tpu.memory_space<hbm>>
      tpu.enqueue_dma source(%dma_start3A_56 : memref<125x80xi32, #tpu.memory_space<hbm>>) target(%arg9 : memref<125x80xi32, #tpu.memory_space<vmem>>) target_semaphore(%run_scoped3A : memref<!tpu.dma_semaphore, #tpu.memory_space<semaphore_mem>>)
      %dma_wait3A_57 = arith.constant 0 : i32
      %dma_wait3A_58 = arith.constant 0 : i32
      %dma_wait3A_59 = tpu.memref_slice %arg4[%arg1, %dma_wait3A_57, %dma_wait3A_58] : memref<16x125x80xi32, #tpu.memory_space<hbm>> -> memref<1x125x80xi32, #tpu.memory_space<hbm>>
      %dma_wait3A_60 = tpu.memref_squeeze %dma_wait3A_59 : memref<1x125x80xi32, #tpu.memory_space<hbm>> -> memref<125x80xi32, #tpu.memory_space<hbm>>
      %dma_wait3A_61 = arith.constant 0 : i32
      %dma_wait3A_62 = arith.constant 0 : i32
      %dma_wait3A_63 = tpu.memref_slice %arg4[%arg1, %dma_wait3A_61, %dma_wait3A_62] : memref<16x125x80xi32, #tpu.memory_space<hbm>> -> memref<1x125x80xi32, #tpu.memory_space<hbm>>
      %dma_wait3A_64 = tpu.memref_squeeze %dma_wait3A_63 : memref<1x125x80xi32, #tpu.memory_space<hbm>> -> memref<125x80xi32, #tpu.memory_space<hbm>>
      tpu.wait_dma2 semaphore(%run_scoped3A : memref<!tpu.dma_semaphore, #tpu.memory_space<semaphore_mem>>) src(%dma_wait3A_64 : memref<125x80xi32, #tpu.memory_space<hbm>>) dst(%arg9 : memref<125x80xi32, #tpu.memory_space<vmem>>)
      tpu.yield
    }) : () -> ()
    %add3A = arith.constant 0 : i32
    %add3A_3 = arith.addi %arg1, %add3A : i32
    %lt3A = arith.constant 25 : i32
    %lt3A_4 = arith.cmpi slt, %add3A_3, %lt3A : i32
    %convert_element_type3A = arith.extui %lt3A_4 : i1 to i32
    %cond3A = arith.constant 0 : i32
    %cond3A_5 = arith.cmpi ne, %convert_element_type3A, %cond3A : i32
    scf.if %cond3A_5 {
      %mul3A_49 = arith.constant 400 : i32
      %mul3A_50 = arith.muli %add3A_3, %mul3A_49 : i32
      %add3A_51 = arith.addi %mul3A_0, %mul3A_50 : i32
      "tpu.region"() ({
        %run_scoped3A = tpu.sem_alloc : memref<!tpu.dma_semaphore, #tpu.memory_space<semaphore_mem>>
        %dma_start3A_52 = arith.constant 0 : i32
        %dma_start3A_53 = tpu.memref_slice %arg6[%mul3A_50, %dma_start3A_52] : memref<10000x128xf32, #tpu.memory_space<vmem_shared>> -> memref<400x128xf32, #tpu.memory_space<vmem_shared>>
        %dma_start3A_54 = arith.constant 0 : i32
        %dma_start3A_55 = tpu.memref_slice %arg2[%add3A_51, %dma_start3A_54] : memref<20000x128xf32, #tpu.memory_space<hbm>> -> memref<400x128xf32, #tpu.memory_space<hbm>>
        tpu.enqueue_dma source(%dma_start3A_55 : memref<400x128xf32, #tpu.memory_space<hbm>>) target(%dma_start3A_53 : memref<400x128xf32, #tpu.memory_space<vmem_shared>>) target_semaphore(%run_scoped3A : memref<!tpu.dma_semaphore, #tpu.memory_space<semaphore_mem>>)
        %dma_wait3A_56 = arith.constant 0 : i32
        %dma_wait3A_57 = tpu.memref_slice %arg6[%mul3A_50, %dma_wait3A_56] : memref<10000x128xf32, #tpu.memory_space<vmem_shared>> -> memref<400x128xf32, #tpu.memory_space<vmem_shared>>
        %dma_wait3A_58 = arith.constant 0 : i32
        %dma_wait3A_59 = tpu.memref_slice %arg2[%add3A_51, %dma_wait3A_58] : memref<20000x128xf32, #tpu.memory_space<hbm>> -> memref<400x128xf32, #tpu.memory_space<hbm>>
        tpu.wait_dma2 semaphore(%run_scoped3A : memref<!tpu.dma_semaphore, #tpu.memory_space<semaphore_mem>>) src(%dma_wait3A_59 : memref<400x128xf32, #tpu.memory_space<hbm>>) dst(%dma_wait3A_57 : memref<400x128xf32, #tpu.memory_space<vmem_shared>>)
        tpu.yield
      }) : () -> ()
    } else {
    }
    %add3A_6 = arith.constant 16 : i32
    %add3A_7 = arith.addi %arg1, %add3A_6 : i32
    %lt3A_8 = arith.constant 25 : i32
    %lt3A_9 = arith.cmpi slt, %add3A_7, %lt3A_8 : i32
    %convert_element_type3A_10 = arith.extui %lt3A_9 : i1 to i32
    %cond3A_11 = arith.constant 0 : i32
    %cond3A_12 = arith.cmpi ne, %convert_element_type3A_10, %cond3A_11 : i32
    scf.if %cond3A_12 {
      %mul3A_49 = arith.constant 400 : i32
      %mul3A_50 = arith.muli %add3A_7, %mul3A_49 : i32
      %add3A_51 = arith.addi %mul3A_0, %mul3A_50 : i32
      "tpu.region"() ({
        %run_scoped3A = tpu.sem_alloc : memref<!tpu.dma_semaphore, #tpu.memory_space<semaphore_mem>>
        %dma_start3A_52 = arith.constant 0 : i32
        %dma_start3A_53 = tpu.memref_slice %arg6[%mul3A_50, %dma_start3A_52] : memref<10000x128xf32, #tpu.memory_space<vmem_shared>> -> memref<400x128xf32, #tpu.memory_space<vmem_shared>>
        %dma_start3A_54 = arith.constant 0 : i32
        %dma_start3A_55 = tpu.memref_slice %arg2[%add3A_51, %dma_start3A_54] : memref<20000x128xf32, #tpu.memory_space<hbm>> -> memref<400x128xf32, #tpu.memory_space<hbm>>
        tpu.enqueue_dma source(%dma_start3A_55 : memref<400x128xf32, #tpu.memory_space<hbm>>) target(%dma_start3A_53 : memref<400x128xf32, #tpu.memory_space<vmem_shared>>) target_semaphore(%run_scoped3A : memref<!tpu.dma_semaphore, #tpu.memory_space<semaphore_mem>>)
        %dma_wait3A_56 = arith.constant 0 : i32
        %dma_wait3A_57 = tpu.memref_slice %arg6[%mul3A_50, %dma_wait3A_56] : memref<10000x128xf32, #tpu.memory_space<vmem_shared>> -> memref<400x128xf32, #tpu.memory_space<vmem_shared>>
        %dma_wait3A_58 = arith.constant 0 : i32
        %dma_wait3A_59 = tpu.memref_slice %arg2[%add3A_51, %dma_wait3A_58] : memref<20000x128xf32, #tpu.memory_space<hbm>> -> memref<400x128xf32, #tpu.memory_space<hbm>>
        tpu.wait_dma2 semaphore(%run_scoped3A : memref<!tpu.dma_semaphore, #tpu.memory_space<semaphore_mem>>) src(%dma_wait3A_59 : memref<400x128xf32, #tpu.memory_space<hbm>>) dst(%dma_wait3A_57 : memref<400x128xf32, #tpu.memory_space<vmem_shared>>)
        tpu.yield
      }) : () -> ()
    } else {
    }
    %barrier3A = arith.constant 0 : index
    tpu.barrier barrier_id(%barrier3A)
    %dma_start3A = arith.constant 0 : i32
    %dma_start3A_13 = arith.constant 0 : i32
    %dma_start3A_14 = arith.constant 0 : i32
    %dma_start3A_15 = tpu.memref_slice %arg7[%dma_start3A, %dma_start3A_13, %dma_start3A_14] : memref<2x80x128xf32, #tpu.memory_space<vmem>> -> memref<1x80x128xf32, #tpu.memory_space<vmem>>
    %dma_start3A_16 = tpu.memref_squeeze %dma_start3A_15 : memref<1x80x128xf32, #tpu.memory_space<vmem>> -> memref<80x128xf32, #tpu.memory_space<vmem>>
    %dma_start3A_17 = arith.constant 0 : i32
    %dma_start3A_18 = tpu.memref_slice %arg8[%dma_start3A_17] : memref<10000xi32, #tpu.memory_space<vmem>> -> memref<80xi32, #tpu.memory_space<vmem>>
    %dma_start3A_19 = arith.constant 0 : i32
    %dma_start3A_20 = tpu.memref_slice %arg2[%mul3A_0, %dma_start3A_19] : memref<20000x128xf32, #tpu.memory_space<hbm>> -> memref<10000x128xf32, #tpu.memory_space<hbm>>
    %dma_start3A_21 = arith.constant 0 : i32
    %dma_start3A_22 = arith.constant 0 : i32
    %dma_start3A_23 = tpu.memref_slice %dma_start3A_20[%dma_start3A_21, %dma_start3A_22] : memref<10000x128xf32, #tpu.memory_space<hbm>> -> memref<10000x128xf32, #tpu.memory_space<hbm>>
    tpu.enqueue_indirect_dma source(%dma_start3A_23 : memref<10000x128xf32, #tpu.memory_space<hbm>>) target(%dma_start3A_16 : memref<80x128xf32, #tpu.memory_space<vmem>>) offsets(%dma_start3A_18 : memref<80xi32, #tpu.memory_space<vmem>>) semaphore(%arg10 : memref<!tpu.dma_semaphore, #tpu.memory_space<semaphore_mem>>)
    %scan3A = arith.constant 0 : i32
    %scan3A_24 = arith.constant 0 : i32
    %scan3A_25 = arith.constant 125 : i32
    %scan3A_26 = arith.addi %scan3A_24, %scan3A_25 : i32
    %scan3A_27 = arith.constant 1 : i32
    scf.for %scan3A_49 = %scan3A_24 to %scan3A_26 step %scan3A_27  : i32 {
      %rem3A = arith.constant 2 : i32
      %rem3A_50 = arith.remsi %scan3A_49, %rem3A : i32
      %add3A_51 = arith.constant 1 : i32
      %add3A_52 = arith.addi %scan3A_49, %add3A_51 : i32
      %lt3A_53 = arith.constant 125 : i32
      %lt3A_54 = arith.cmpi slt, %add3A_52, %lt3A_53 : i32
      %convert_element_type3A_55 = arith.extui %lt3A_54 : i1 to i32
      %cond3A_56 = arith.constant 0 : i32
      %cond3A_57 = arith.cmpi ne, %convert_element_type3A_55, %cond3A_56 : i32
      scf.if %cond3A_57 {
        %ge3A = arith.constant 1 : i32
        %ge3A_82 = arith.cmpi sge, %scan3A_49, %ge3A : i32
        %convert_element_type3A_83 = arith.extui %ge3A_82 : i1 to i32
        %cond3A_84 = arith.constant 0 : i32
        %cond3A_85 = arith.cmpi ne, %convert_element_type3A_83, %cond3A_84 : i32
        scf.if %cond3A_85 {
          %sub3A_101 = arith.constant 1 : i32
          %sub3A_102 = arith.subi %sub3A_101, %rem3A_50 : i32
          %dma_wait3A_103 = arith.constant 0 : i32
          %dma_wait3A_104 = arith.constant 0 : i32
          %dma_wait3A_105 = tpu.memref_slice %arg7[%sub3A_102, %dma_wait3A_103, %dma_wait3A_104] : memref<2x80x128xf32, #tpu.memory_space<vmem>> -> memref<1x80x128xf32, #tpu.memory_space<vmem>>
          %dma_wait3A_106 = tpu.memref_squeeze %dma_wait3A_105 : memref<1x80x128xf32, #tpu.memory_space<vmem>> -> memref<80x128xf32, #tpu.memory_space<vmem>>
          %dma_wait3A_107 = arith.constant 0 : i32
          %dma_wait3A_108 = arith.constant 0 : i32
          %dma_wait3A_109 = tpu.memref_slice %arg2[%dma_wait3A_107, %dma_wait3A_108] : memref<20000x128xf32, #tpu.memory_space<hbm>> -> memref<80x128xf32, #tpu.memory_space<hbm>>
          %dma_wait3A_110 = arith.constant 0 : i32
          %dma_wait3A_111 = arith.constant 0 : i32
          %dma_wait3A_112 = tpu.memref_slice %arg7[%sub3A_102, %dma_wait3A_110, %dma_wait3A_111] : memref<2x80x128xf32, #tpu.memory_space<vmem>> -> memref<1x80x128xf32, #tpu.memory_space<vmem>>
          %dma_wait3A_113 = tpu.memref_squeeze %dma_wait3A_112 : memref<1x80x128xf32, #tpu.memory_space<vmem>> -> memref<80x128xf32, #tpu.memory_space<vmem>>
          %dma_wait3A_114 = arith.constant 0 : i32
          %dma_wait3A_115 = arith.constant 0 : i32
          %dma_wait3A_116 = tpu.memref_slice %arg2[%dma_wait3A_114, %dma_wait3A_115] : memref<20000x128xf32, #tpu.memory_space<hbm>> -> memref<80x128xf32, #tpu.memory_space<hbm>>
          tpu.wait_dma2 semaphore(%arg11 : memref<!tpu.dma_semaphore, #tpu.memory_space<semaphore_mem>>) src(%dma_wait3A_116 : memref<80x128xf32, #tpu.memory_space<hbm>>) dst(%dma_wait3A_113 : memref<80x128xf32, #tpu.memory_space<vmem>>)
        } else {
        }
        %add3A_86 = arith.constant 1 : i32
        %add3A_87 = arith.addi %scan3A_49, %add3A_86 : i32
        %mul3A_88 = arith.constant 80 : i32
        %mul3A_89 = arith.muli %add3A_87, %mul3A_88 : i32
        %sub3A = arith.constant 1 : i32
        %sub3A_90 = arith.subi %sub3A, %rem3A_50 : i32
        %dma_start3A_91 = arith.constant 0 : i32
        %dma_start3A_92 = arith.constant 0 : i32
        %dma_start3A_93 = tpu.memref_slice %arg7[%sub3A_90, %dma_start3A_91, %dma_start3A_92] : memref<2x80x128xf32, #tpu.memory_space<vmem>> -> memref<1x80x128xf32, #tpu.memory_space<vmem>>
        %dma_start3A_94 = tpu.memref_squeeze %dma_start3A_93 : memref<1x80x128xf32, #tpu.memory_space<vmem>> -> memref<80x128xf32, #tpu.memory_space<vmem>>
        %dma_start3A_95 = tpu.memref_slice %arg8[%mul3A_89] : memref<10000xi32, #tpu.memory_space<vmem>> -> memref<80xi32, #tpu.memory_space<vmem>>
        %dma_start3A_96 = arith.constant 0 : i32
        %dma_start3A_97 = tpu.memref_slice %arg2[%mul3A_0, %dma_start3A_96] : memref<20000x128xf32, #tpu.memory_space<hbm>> -> memref<10000x128xf32, #tpu.memory_space<hbm>>
        %dma_start3A_98 = arith.constant 0 : i32
        %dma_start3A_99 = arith.constant 0 : i32
        %dma_start3A_100 = tpu.memref_slice %dma_start3A_97[%dma_start3A_98, %dma_start3A_99] : memref<10000x128xf32, #tpu.memory_space<hbm>> -> memref<10000x128xf32, #tpu.memory_space<hbm>>
        tpu.enqueue_indirect_dma source(%dma_start3A_100 : memref<10000x128xf32, #tpu.memory_space<hbm>>) target(%dma_start3A_94 : memref<80x128xf32, #tpu.memory_space<vmem>>) offsets(%dma_start3A_95 : memref<80xi32, #tpu.memory_space<vmem>>) semaphore(%arg10 : memref<!tpu.dma_semaphore, #tpu.memory_space<semaphore_mem>>)
      } else {
      }
      %dma_wait3A_58 = arith.constant 0 : i32
      %dma_wait3A_59 = arith.constant 0 : i32
      %dma_wait3A_60 = tpu.memref_slice %arg7[%rem3A_50, %dma_wait3A_58, %dma_wait3A_59] : memref<2x80x128xf32, #tpu.memory_space<vmem>> -> memref<1x80x128xf32, #tpu.memory_space<vmem>>
      %dma_wait3A_61 = tpu.memref_squeeze %dma_wait3A_60 : memref<1x80x128xf32, #tpu.memory_space<vmem>> -> memref<80x128xf32, #tpu.memory_space<vmem>>
      %dma_wait3A_62 = arith.constant 0 : i32
      %dma_wait3A_63 = arith.constant 0 : i32
      %dma_wait3A_64 = tpu.memref_slice %arg2[%dma_wait3A_62, %dma_wait3A_63] : memref<20000x128xf32, #tpu.memory_space<hbm>> -> memref<80x128xf32, #tpu.memory_space<hbm>>
      %dma_wait3A_65 = arith.constant 0 : i32
      %dma_wait3A_66 = arith.constant 0 : i32
      %dma_wait3A_67 = tpu.memref_slice %arg7[%rem3A_50, %dma_wait3A_65, %dma_wait3A_66] : memref<2x80x128xf32, #tpu.memory_space<vmem>> -> memref<1x80x128xf32, #tpu.memory_space<vmem>>
      %dma_wait3A_68 = tpu.memref_squeeze %dma_wait3A_67 : memref<1x80x128xf32, #tpu.memory_space<vmem>> -> memref<80x128xf32, #tpu.memory_space<vmem>>
      %dma_wait3A_69 = arith.constant 0 : i32
      %dma_wait3A_70 = arith.constant 0 : i32
      %dma_wait3A_71 = tpu.memref_slice %arg2[%dma_wait3A_69, %dma_wait3A_70] : memref<20000x128xf32, #tpu.memory_space<hbm>> -> memref<80x128xf32, #tpu.memory_space<hbm>>
      tpu.wait_dma2 semaphore(%arg10 : memref<!tpu.dma_semaphore, #tpu.memory_space<semaphore_mem>>) src(%dma_wait3A_71 : memref<80x128xf32, #tpu.memory_space<hbm>>) dst(%dma_wait3A_68 : memref<80x128xf32, #tpu.memory_space<vmem>>)
      %dma_start3A_72 = arith.constant 0 : i32
      %dma_start3A_73 = arith.constant 0 : i32
      %dma_start3A_74 = tpu.memref_slice %arg7[%rem3A_50, %dma_start3A_72, %dma_start3A_73] : memref<2x80x128xf32, #tpu.memory_space<vmem>> -> memref<1x80x128xf32, #tpu.memory_space<vmem>>
      %dma_start3A_75 = tpu.memref_squeeze %dma_start3A_74 : memref<1x80x128xf32, #tpu.memory_space<vmem>> -> memref<80x128xf32, #tpu.memory_space<vmem>>
      %dma_start3A_76 = arith.constant 0 : i32
      %dma_start3A_77 = tpu.memref_slice %arg9[%scan3A_49, %dma_start3A_76] : memref<125x80xi32, #tpu.memory_space<vmem>> -> memref<1x80xi32, #tpu.memory_space<vmem>>
      %dma_start3A_78 = tpu.memref_squeeze %dma_start3A_77 : memref<1x80xi32, #tpu.memory_space<vmem>> -> memref<80xi32, #tpu.memory_space<vmem>>
      %dma_start3A_79 = arith.constant 0 : i32
      %dma_start3A_80 = arith.constant 0 : i32
      %dma_start3A_81 = tpu.memref_slice %arg6[%dma_start3A_79, %dma_start3A_80] : memref<10000x128xf32, #tpu.memory_space<vmem_shared>> -> memref<10000x128xf32, #tpu.memory_space<vmem_shared>>
      tpu.enqueue_indirect_dma source(%dma_start3A_75 : memref<80x128xf32, #tpu.memory_space<vmem>>) target(%dma_start3A_81 : memref<10000x128xf32, #tpu.memory_space<vmem_shared>>) offsets(%dma_start3A_78 : memref<80xi32, #tpu.memory_space<vmem>>) semaphore(%arg11 : memref<!tpu.dma_semaphore, #tpu.memory_space<semaphore_mem>>) {add = true}
    }
    %scan3A_28 = arith.constant 125 : i32
    %dma_wait3A = arith.constant 0 : i32
    %dma_wait3A_29 = arith.constant 0 : i32
    %dma_wait3A_30 = tpu.memref_slice %arg2[%dma_wait3A, %dma_wait3A_29] : memref<20000x128xf32, #tpu.memory_space<hbm>> -> memref<160x128xf32, #tpu.memory_space<hbm>>
    %dma_wait3A_31 = arith.constant 0 : i32
    %dma_wait3A_32 = arith.constant 0 : i32
    %dma_wait3A_33 = tpu.memref_slice %arg2[%dma_wait3A_31, %dma_wait3A_32] : memref<20000x128xf32, #tpu.memory_space<hbm>> -> memref<160x128xf32, #tpu.memory_space<hbm>>
    tpu.wait_dma2 semaphore(%arg11 : memref<!tpu.dma_semaphore, #tpu.memory_space<semaphore_mem>>) src(%dma_wait3A_33 : memref<160x128xf32, #tpu.memory_space<hbm>>) dst(%arg7 : memref<2x80x128xf32, #tpu.memory_space<vmem>>)
    %barrier3A_34 = arith.constant 0 : index
    tpu.barrier barrier_id(%barrier3A_34)
    %add3A_35 = arith.constant 0 : i32
    %add3A_36 = arith.addi %arg1, %add3A_35 : i32
    %lt3A_37 = arith.constant 25 : i32
    %lt3A_38 = arith.cmpi slt, %add3A_36, %lt3A_37 : i32
    %convert_element_type3A_39 = arith.extui %lt3A_38 : i1 to i32
    %cond3A_40 = arith.constant 0 : i32
    %cond3A_41 = arith.cmpi ne, %convert_element_type3A_39, %cond3A_40 : i32
    scf.if %cond3A_41 {
      %mul3A_49 = arith.constant 400 : i32
      %mul3A_50 = arith.muli %add3A_36, %mul3A_49 : i32
      %add3A_51 = arith.addi %mul3A_0, %mul3A_50 : i32
      "tpu.region"() ({
        %run_scoped3A = tpu.sem_alloc : memref<!tpu.dma_semaphore, #tpu.memory_space<semaphore_mem>>
        %dma_start3A_52 = arith.constant 0 : i32
        %dma_start3A_53 = tpu.memref_slice %arg5[%add3A_51, %dma_start3A_52] : memref<20000x128xf32, #tpu.memory_space<hbm>> -> memref<400x128xf32, #tpu.memory_space<hbm>>
        %dma_start3A_54 = arith.constant 0 : i32
        %dma_start3A_55 = tpu.memref_slice %arg6[%mul3A_50, %dma_start3A_54] : memref<10000x128xf32, #tpu.memory_space<vmem_shared>> -> memref<400x128xf32, #tpu.memory_space<vmem_shared>>
        tpu.enqueue_dma source(%dma_start3A_55 : memref<400x128xf32, #tpu.memory_space<vmem_shared>>) target(%dma_start3A_53 : memref<400x128xf32, #tpu.memory_space<hbm>>) target_semaphore(%run_scoped3A : memref<!tpu.dma_semaphore, #tpu.memory_space<semaphore_mem>>)
        %dma_wait3A_56 = arith.constant 0 : i32
        %dma_wait3A_57 = tpu.memref_slice %arg5[%add3A_51, %dma_wait3A_56] : memref<20000x128xf32, #tpu.memory_space<hbm>> -> memref<400x128xf32, #tpu.memory_space<hbm>>
        %dma_wait3A_58 = arith.constant 0 : i32
        %dma_wait3A_59 = tpu.memref_slice %arg6[%mul3A_50, %dma_wait3A_58] : memref<10000x128xf32, #tpu.memory_space<vmem_shared>> -> memref<400x128xf32, #tpu.memory_space<vmem_shared>>
        tpu.wait_dma2 semaphore(%run_scoped3A : memref<!tpu.dma_semaphore, #tpu.memory_space<semaphore_mem>>) src(%dma_wait3A_59 : memref<400x128xf32, #tpu.memory_space<vmem_shared>>) dst(%dma_wait3A_57 : memref<400x128xf32, #tpu.memory_space<hbm>>)
        tpu.yield
      }) : () -> ()
    } else {
    }
    %add3A_42 = arith.constant 16 : i32
    %add3A_43 = arith.addi %arg1, %add3A_42 : i32
    %lt3A_44 = arith.constant 25 : i32
    %lt3A_45 = arith.cmpi slt, %add3A_43, %lt3A_44 : i32
    %convert_element_type3A_46 = arith.extui %lt3A_45 : i1 to i32
    %cond3A_47 = arith.constant 0 : i32
    %cond3A_48 = arith.cmpi ne, %convert_element_type3A_46, %cond3A_47 : i32
    scf.if %cond3A_48 {
      %mul3A_49 = arith.constant 400 : i32
      %mul3A_50 = arith.muli %add3A_43, %mul3A_49 : i32
      %add3A_51 = arith.addi %mul3A_0, %mul3A_50 : i32
      "tpu.region"() ({
        %run_scoped3A = tpu.sem_alloc : memref<!tpu.dma_semaphore, #tpu.memory_space<semaphore_mem>>
        %dma_start3A_52 = arith.constant 0 : i32
        %dma_start3A_53 = tpu.memref_slice %arg5[%add3A_51, %dma_start3A_52] : memref<20000x128xf32, #tpu.memory_space<hbm>> -> memref<400x128xf32, #tpu.memory_space<hbm>>
        %dma_start3A_54 = arith.constant 0 : i32
        %dma_start3A_55 = tpu.memref_slice %arg6[%mul3A_50, %dma_start3A_54] : memref<10000x128xf32, #tpu.memory_space<vmem_shared>> -> memref<400x128xf32, #tpu.memory_space<vmem_shared>>
        tpu.enqueue_dma source(%dma_start3A_55 : memref<400x128xf32, #tpu.memory_space<vmem_shared>>) target(%dma_start3A_53 : memref<400x128xf32, #tpu.memory_space<hbm>>) target_semaphore(%run_scoped3A : memref<!tpu.dma_semaphore, #tpu.memory_space<semaphore_mem>>)
        %dma_wait3A_56 = arith.constant 0 : i32
        %dma_wait3A_57 = tpu.memref_slice %arg5[%add3A_51, %dma_wait3A_56] : memref<20000x128xf32, #tpu.memory_space<hbm>> -> memref<400x128xf32, #tpu.memory_space<hbm>>
        %dma_wait3A_58 = arith.constant 0 : i32
        %dma_wait3A_59 = tpu.memref_slice %arg6[%mul3A_50, %dma_wait3A_58] : memref<10000x128xf32, #tpu.memory_space<vmem_shared>> -> memref<400x128xf32, #tpu.memory_space<vmem_shared>>
        tpu.wait_dma2 semaphore(%run_scoped3A : memref<!tpu.dma_semaphore, #tpu.memory_space<semaphore_mem>>) src(%dma_wait3A_59 : memref<400x128xf32, #tpu.memory_space<vmem_shared>>) dst(%dma_wait3A_57 : memref<400x128xf32, #tpu.memory_space<hbm>>)
        tpu.yield
      }) : () -> ()
    } else {
    }
    return
  }
}

#map = affine_map<(d0, d1) -> (0)>
#map1 = affine_map<(d0, d1) -> (0, 0)>
module attributes {stable_mosaic.version = 14 : i64} {
  func.func @_sc_degrees_body(%arg0: i32, %arg1: i32, %arg2: memref<160000xi32, #tpu.memory_space<hbm>>, %arg3: memref<160000xi32, #tpu.memory_space<hbm>>, %arg4: memref<10000x16xf32, #tpu.memory_space<hbm>>, %arg5: memref<10000x16xf32, #tpu.memory_space<hbm>>, %arg6: memref<10000x16xf32, #tpu.memory_space<vmem_shared>>, %arg7: memref<400x16xf32, #tpu.memory_space<vmem>>, %arg8: memref<1x80xi32, #tpu.memory_space<vmem>>) attributes {dimension_semantics = [#tpu.dimension_semantics<core_parallel>, #tpu.dimension_semantics<subcore_parallel>], iteration_bounds = array<i64: 2, 16>, scalar_prefetch = 0 : i64, scratch_operands = 3 : i64, tpu.core_type = #tpu.core_type<sc_vector_subcore>, window_params = [{transform_indices = #map}, {transform_indices = #map}, {transform_indices = #map1}, {transform_indices = #map1}]} {
    %scan3A = arith.constant 0 : i32
    %scan3A_0 = arith.constant 0 : i32
    %scan3A_1 = arith.constant 400 : i32
    %scan3A_2 = arith.addi %scan3A_0, %scan3A_1 : i32
    %scan3A_3 = arith.constant 1 : i32
    scf.for %scan3A_36 = %scan3A_0 to %scan3A_2 step %scan3A_3  : i32 {
      %broadcast_in_dim3A = arith.constant 1.000000e+00 : f32
      %broadcast_in_dim3A_37 = vector.broadcast %broadcast_in_dim3A : f32 to vector<16xf32>
      %swap3A = arith.index_cast %scan3A_36 : i32 to index
      %swap3A_38 = arith.constant 0 : index
      %swap3A_39 = tpu.vector_load %arg7[%swap3A, %swap3A_38] {strides = array<i32>} : memref<400x16xf32, #tpu.memory_space<vmem>>, vector<1x16xf32>,
      %swap3A_40 = vector.shape_cast %swap3A_39 : vector<1x16xf32> to vector<16xf32>
      %swap3A_41 = vector.shape_cast %broadcast_in_dim3A_37 : vector<16xf32> to vector<1x16xf32>
      tpu.vector_store %arg7[%swap3A, %swap3A_38], %swap3A_41 {strides = array<i32>} : memref<400x16xf32, #tpu.memory_space<vmem>>, vector<1x16xf32>,
    }
    %scan3A_4 = arith.constant 400 : i32
    %add3A = arith.constant 0 : i32
    %add3A_5 = arith.addi %arg1, %add3A : i32
    %lt3A = arith.constant 25 : i32
    %lt3A_6 = arith.cmpi slt, %add3A_5, %lt3A : i32
    %convert_element_type3A = arith.extui %lt3A_6 : i1 to i32
    %cond3A = arith.constant 0 : i32
    %cond3A_7 = arith.cmpi ne, %convert_element_type3A, %cond3A : i32
    scf.if %cond3A_7 {
      %mul3A = arith.constant 400 : i32
      %mul3A_36 = arith.muli %add3A_5, %mul3A : i32
      "tpu.region"() ({
        %run_scoped3A = tpu.sem_alloc : memref<!tpu.dma_semaphore, #tpu.memory_space<semaphore_mem>>
        %dma_start3A = arith.constant 0 : i32
        %dma_start3A_37 = tpu.memref_slice %arg6[%mul3A_36, %dma_start3A] : memref<10000x16xf32, #tpu.memory_space<vmem_shared>> -> memref<400x16xf32, #tpu.memory_space<vmem_shared>>
        %dma_start3A_38 = arith.constant 0 : i32
        %dma_start3A_39 = tpu.memref_slice %arg6[%mul3A_36, %dma_start3A_38] : memref<10000x16xf32, #tpu.memory_space<vmem_shared>> -> memref<400x16xf32, #tpu.memory_space<vmem_shared>>
        tpu.enqueue_dma source(%arg7 : memref<400x16xf32, #tpu.memory_space<vmem>>) target(%dma_start3A_39 : memref<400x16xf32, #tpu.memory_space<vmem_shared>>) target_semaphore(%run_scoped3A : memref<!tpu.dma_semaphore, #tpu.memory_space<semaphore_mem>>)
        %dma_wait3A = arith.constant 0 : i32
        %dma_wait3A_40 = tpu.memref_slice %arg6[%mul3A_36, %dma_wait3A] : memref<10000x16xf32, #tpu.memory_space<vmem_shared>> -> memref<400x16xf32, #tpu.memory_space<vmem_shared>>
        %dma_wait3A_41 = arith.constant 0 : i32
        %dma_wait3A_42 = tpu.memref_slice %arg6[%mul3A_36, %dma_wait3A_41] : memref<10000x16xf32, #tpu.memory_space<vmem_shared>> -> memref<400x16xf32, #tpu.memory_space<vmem_shared>>
        tpu.wait_dma2 semaphore(%run_scoped3A : memref<!tpu.dma_semaphore, #tpu.memory_space<semaphore_mem>>) src(%arg7 : memref<400x16xf32, #tpu.memory_space<vmem>>) dst(%dma_wait3A_42 : memref<400x16xf32, #tpu.memory_space<vmem_shared>>)
        tpu.yield
      }) : () -> ()
    } else {
    }
    %add3A_8 = arith.constant 16 : i32
    %add3A_9 = arith.addi %arg1, %add3A_8 : i32
    %lt3A_10 = arith.constant 25 : i32
    %lt3A_11 = arith.cmpi slt, %add3A_9, %lt3A_10 : i32
    %convert_element_type3A_12 = arith.extui %lt3A_11 : i1 to i32
    %cond3A_13 = arith.constant 0 : i32
    %cond3A_14 = arith.cmpi ne, %convert_element_type3A_12, %cond3A_13 : i32
    scf.if %cond3A_14 {
      %mul3A = arith.constant 400 : i32
      %mul3A_36 = arith.muli %add3A_9, %mul3A : i32
      "tpu.region"() ({
        %run_scoped3A = tpu.sem_alloc : memref<!tpu.dma_semaphore, #tpu.memory_space<semaphore_mem>>
        %dma_start3A = arith.constant 0 : i32
        %dma_start3A_37 = tpu.memref_slice %arg6[%mul3A_36, %dma_start3A] : memref<10000x16xf32, #tpu.memory_space<vmem_shared>> -> memref<400x16xf32, #tpu.memory_space<vmem_shared>>
        %dma_start3A_38 = arith.constant 0 : i32
        %dma_start3A_39 = tpu.memref_slice %arg6[%mul3A_36, %dma_start3A_38] : memref<10000x16xf32, #tpu.memory_space<vmem_shared>> -> memref<400x16xf32, #tpu.memory_space<vmem_shared>>
        tpu.enqueue_dma source(%arg7 : memref<400x16xf32, #tpu.memory_space<vmem>>) target(%dma_start3A_39 : memref<400x16xf32, #tpu.memory_space<vmem_shared>>) target_semaphore(%run_scoped3A : memref<!tpu.dma_semaphore, #tpu.memory_space<semaphore_mem>>)
        %dma_wait3A = arith.constant 0 : i32
        %dma_wait3A_40 = tpu.memref_slice %arg6[%mul3A_36, %dma_wait3A] : memref<10000x16xf32, #tpu.memory_space<vmem_shared>> -> memref<400x16xf32, #tpu.memory_space<vmem_shared>>
        %dma_wait3A_41 = arith.constant 0 : i32
        %dma_wait3A_42 = tpu.memref_slice %arg6[%mul3A_36, %dma_wait3A_41] : memref<10000x16xf32, #tpu.memory_space<vmem_shared>> -> memref<400x16xf32, #tpu.memory_space<vmem_shared>>
        tpu.wait_dma2 semaphore(%run_scoped3A : memref<!tpu.dma_semaphore, #tpu.memory_space<semaphore_mem>>) src(%arg7 : memref<400x16xf32, #tpu.memory_space<vmem>>) dst(%dma_wait3A_42 : memref<400x16xf32, #tpu.memory_space<vmem_shared>>)
        tpu.yield
      }) : () -> ()
    } else {
    }
    %barrier3A = arith.constant 0 : index
    tpu.barrier barrier_id(%barrier3A)
    %scan3A_15 = arith.constant 0 : i32
    %scan3A_16 = arith.constant 0 : i32
    %scan3A_17 = arith.constant 125 : i32
    %scan3A_18 = arith.addi %scan3A_16, %scan3A_17 : i32
    %scan3A_19 = arith.constant 1 : i32
    scf.for %scan3A_36 = %scan3A_16 to %scan3A_18 step %scan3A_19  : i32 {
      %mul3A = arith.constant 10000 : i32
      %mul3A_37 = arith.muli %arg1, %mul3A : i32
      %mul3A_38 = arith.constant 80 : i32
      %mul3A_39 = arith.muli %scan3A_36, %mul3A_38 : i32
      %add3A_40 = arith.addi %mul3A_37, %mul3A_39 : i32
      %eq3A = arith.constant 0 : i32
      %eq3A_41 = arith.cmpi eq, %arg0, %eq3A : i32
      %convert_element_type3A_42 = arith.extui %eq3A_41 : i1 to i32
      %cond3A_43 = arith.constant 0 : i32
      %cond3A_44 = arith.cmpi ne, %convert_element_type3A_42, %cond3A_43 : i32
      scf.if %cond3A_44 {
        %run_scoped3A_50 = arith.constant 0 : i32
        "tpu.region"() ({
          %run_scoped3A_51 = tpu.sem_alloc : memref<!tpu.dma_semaphore, #tpu.memory_space<semaphore_mem>>
          %dma_start3A = arith.constant 0 : i32
          %dma_start3A_52 = tpu.memref_slice %arg8[%run_scoped3A_50, %dma_start3A] : memref<1x80xi32, #tpu.memory_space<vmem>> -> memref<1x80xi32, #tpu.memory_space<vmem>>
          %dma_start3A_53 = tpu.memref_squeeze %dma_start3A_52 : memref<1x80xi32, #tpu.memory_space<vmem>> -> memref<80xi32, #tpu.memory_space<vmem>>
          %dma_start3A_54 = tpu.memref_slice %arg2[%add3A_40] : memref<160000xi32, #tpu.memory_space<hbm>> -> memref<80xi32, #tpu.memory_space<hbm>>
          %dma_start3A_55 = arith.constant 0 : i32
          %dma_start3A_56 = tpu.memref_slice %arg8[%run_scoped3A_50, %dma_start3A_55] : memref<1x80xi32, #tpu.memory_space<vmem>> -> memref<1x80xi32, #tpu.memory_space<vmem>>
          %dma_start3A_57 = tpu.memref_squeeze %dma_start3A_56 : memref<1x80xi32, #tpu.memory_space<vmem>> -> memref<80xi32, #tpu.memory_space<vmem>>
          %dma_start3A_58 = tpu.memref_slice %arg2[%add3A_40] : memref<160000xi32, #tpu.memory_space<hbm>> -> memref<80xi32, #tpu.memory_space<hbm>>
          tpu.enqueue_dma source(%dma_start3A_58 : memref<80xi32, #tpu.memory_space<hbm>>) target(%dma_start3A_57 : memref<80xi32, #tpu.memory_space<vmem>>) target_semaphore(%run_scoped3A_51 : memref<!tpu.dma_semaphore, #tpu.memory_space<semaphore_mem>>)
          %dma_wait3A = arith.constant 0 : i32
          %dma_wait3A_59 = tpu.memref_slice %arg8[%run_scoped3A_50, %dma_wait3A] : memref<1x80xi32, #tpu.memory_space<vmem>> -> memref<1x80xi32, #tpu.memory_space<vmem>>
          %dma_wait3A_60 = tpu.memref_squeeze %dma_wait3A_59 : memref<1x80xi32, #tpu.memory_space<vmem>> -> memref<80xi32, #tpu.memory_space<vmem>>
          %dma_wait3A_61 = tpu.memref_slice %arg2[%add3A_40] : memref<160000xi32, #tpu.memory_space<hbm>> -> memref<80xi32, #tpu.memory_space<hbm>>
          %dma_wait3A_62 = arith.constant 0 : i32
          %dma_wait3A_63 = tpu.memref_slice %arg8[%run_scoped3A_50, %dma_wait3A_62] : memref<1x80xi32, #tpu.memory_space<vmem>> -> memref<1x80xi32, #tpu.memory_space<vmem>>
          %dma_wait3A_64 = tpu.memref_squeeze %dma_wait3A_63 : memref<1x80xi32, #tpu.memory_space<vmem>> -> memref<80xi32, #tpu.memory_space<vmem>>
          %dma_wait3A_65 = tpu.memref_slice %arg2[%add3A_40] : memref<160000xi32, #tpu.memory_space<hbm>> -> memref<80xi32, #tpu.memory_space<hbm>>
          tpu.wait_dma2 semaphore(%run_scoped3A_51 : memref<!tpu.dma_semaphore, #tpu.memory_space<semaphore_mem>>) src(%dma_wait3A_65 : memref<80xi32, #tpu.memory_space<hbm>>) dst(%dma_wait3A_64 : memref<80xi32, #tpu.memory_space<vmem>>)
          tpu.yield
        }) : () -> ()
      } else {
      }
      %eq3A_45 = arith.constant 1 : i32
      %eq3A_46 = arith.cmpi eq, %arg0, %eq3A_45 : i32
      %convert_element_type3A_47 = arith.extui %eq3A_46 : i1 to i32
      %cond3A_48 = arith.constant 0 : i32
      %cond3A_49 = arith.cmpi ne, %convert_element_type3A_47, %cond3A_48 : i32
      scf.if %cond3A_49 {
        %run_scoped3A_50 = arith.constant 0 : i32
        "tpu.region"() ({
          %run_scoped3A_51 = tpu.sem_alloc : memref<!tpu.dma_semaphore, #tpu.memory_space<semaphore_mem>>
          %dma_start3A = arith.constant 0 : i32
          %dma_start3A_52 = tpu.memref_slice %arg8[%run_scoped3A_50, %dma_start3A] : memref<1x80xi32, #tpu.memory_space<vmem>> -> memref<1x80xi32, #tpu.memory_space<vmem>>
          %dma_start3A_53 = tpu.memref_squeeze %dma_start3A_52 : memref<1x80xi32, #tpu.memory_space<vmem>> -> memref<80xi32, #tpu.memory_space<vmem>>
          %dma_start3A_54 = tpu.memref_slice %arg3[%add3A_40] : memref<160000xi32, #tpu.memory_space<hbm>> -> memref<80xi32, #tpu.memory_space<hbm>>
          %dma_start3A_55 = arith.constant 0 : i32
          %dma_start3A_56 = tpu.memref_slice %arg8[%run_scoped3A_50, %dma_start3A_55] : memref<1x80xi32, #tpu.memory_space<vmem>> -> memref<1x80xi32, #tpu.memory_space<vmem>>
          %dma_start3A_57 = tpu.memref_squeeze %dma_start3A_56 : memref<1x80xi32, #tpu.memory_space<vmem>> -> memref<80xi32, #tpu.memory_space<vmem>>
          %dma_start3A_58 = tpu.memref_slice %arg3[%add3A_40] : memref<160000xi32, #tpu.memory_space<hbm>> -> memref<80xi32, #tpu.memory_space<hbm>>
          tpu.enqueue_dma source(%dma_start3A_58 : memref<80xi32, #tpu.memory_space<hbm>>) target(%dma_start3A_57 : memref<80xi32, #tpu.memory_space<vmem>>) target_semaphore(%run_scoped3A_51 : memref<!tpu.dma_semaphore, #tpu.memory_space<semaphore_mem>>)
          %dma_wait3A = arith.constant 0 : i32
          %dma_wait3A_59 = tpu.memref_slice %arg8[%run_scoped3A_50, %dma_wait3A] : memref<1x80xi32, #tpu.memory_space<vmem>> -> memref<1x80xi32, #tpu.memory_space<vmem>>
          %dma_wait3A_60 = tpu.memref_squeeze %dma_wait3A_59 : memref<1x80xi32, #tpu.memory_space<vmem>> -> memref<80xi32, #tpu.memory_space<vmem>>
          %dma_wait3A_61 = tpu.memref_slice %arg3[%add3A_40] : memref<160000xi32, #tpu.memory_space<hbm>> -> memref<80xi32, #tpu.memory_space<hbm>>
          %dma_wait3A_62 = arith.constant 0 : i32
          %dma_wait3A_63 = tpu.memref_slice %arg8[%run_scoped3A_50, %dma_wait3A_62] : memref<1x80xi32, #tpu.memory_space<vmem>> -> memref<1x80xi32, #tpu.memory_space<vmem>>
          %dma_wait3A_64 = tpu.memref_squeeze %dma_wait3A_63 : memref<1x80xi32, #tpu.memory_space<vmem>> -> memref<80xi32, #tpu.memory_space<vmem>>
          %dma_wait3A_65 = tpu.memref_slice %arg3[%add3A_40] : memref<160000xi32, #tpu.memory_space<hbm>> -> memref<80xi32, #tpu.memory_space<hbm>>
          tpu.wait_dma2 semaphore(%run_scoped3A_51 : memref<!tpu.dma_semaphore, #tpu.memory_space<semaphore_mem>>) src(%dma_wait3A_65 : memref<80xi32, #tpu.memory_space<hbm>>) dst(%dma_wait3A_64 : memref<80xi32, #tpu.memory_space<vmem>>)
          tpu.yield
        }) : () -> ()
      } else {
      }
      %run_scoped3A = arith.constant 0 : i32
      "tpu.region"() ({
        %run_scoped3A_50 = tpu.sem_alloc : memref<!tpu.dma_semaphore, #tpu.memory_space<semaphore_mem>>
        %dma_start3A = arith.constant 0 : i32
        %dma_start3A_51 = arith.constant 0 : i32
        %dma_start3A_52 = tpu.memref_slice %arg7[%dma_start3A, %dma_start3A_51] : memref<400x16xf32, #tpu.memory_space<vmem>> -> memref<80x16xf32, #tpu.memory_space<vmem>>
        %dma_start3A_53 = arith.constant 0 : i32
        %dma_start3A_54 = tpu.memref_slice %arg8[%run_scoped3A, %dma_start3A_53] : memref<1x80xi32, #tpu.memory_space<vmem>> -> memref<1x80xi32, #tpu.memory_space<vmem>>
        %dma_start3A_55 = tpu.memref_squeeze %dma_start3A_54 : memref<1x80xi32, #tpu.memory_space<vmem>> -> memref<80xi32, #tpu.memory_space<vmem>>
        %dma_start3A_56 = arith.constant 0 : i32
        %dma_start3A_57 = arith.constant 0 : i32
        %dma_start3A_58 = tpu.memref_slice %arg6[%dma_start3A_56, %dma_start3A_57] : memref<10000x16xf32, #tpu.memory_space<vmem_shared>> -> memref<10000x16xf32, #tpu.memory_space<vmem_shared>>
        tpu.enqueue_indirect_dma source(%dma_start3A_52 : memref<80x16xf32, #tpu.memory_space<vmem>>) target(%dma_start3A_58 : memref<10000x16xf32, #tpu.memory_space<vmem_shared>>) offsets(%dma_start3A_55 : memref<80xi32, #tpu.memory_space<vmem>>) semaphore(%run_scoped3A_50 : memref<!tpu.dma_semaphore, #tpu.memory_space<semaphore_mem>>) {add = true}
        %dma_wait3A = arith.constant 0 : i32
        %dma_wait3A_59 = arith.constant 0 : i32
        %dma_wait3A_60 = tpu.memref_slice %arg7[%dma_wait3A, %dma_wait3A_59] : memref<400x16xf32, #tpu.memory_space<vmem>> -> memref<80x16xf32, #tpu.memory_space<vmem>>
        %dma_wait3A_61 = arith.constant 0 : i32
        %dma_wait3A_62 = tpu.memref_slice %arg8[%run_scoped3A, %dma_wait3A_61] : memref<1x80xi32, #tpu.memory_space<vmem>> -> memref<1x80xi32, #tpu.memory_space<vmem>>
        %dma_wait3A_63 = tpu.memref_squeeze %dma_wait3A_62 : memref<1x80xi32, #tpu.memory_space<vmem>> -> memref<80xi32, #tpu.memory_space<vmem>>
        %dma_wait3A_64 = arith.constant 0 : i32
        %dma_wait3A_65 = arith.constant 0 : i32
        %dma_wait3A_66 = tpu.memref_slice %arg6[%dma_wait3A_64, %dma_wait3A_65] : memref<10000x16xf32, #tpu.memory_space<vmem_shared>> -> memref<10000x16xf32, #tpu.memory_space<vmem_shared>>
        tpu.wait_indirect_dma semaphore(%run_scoped3A_50 : memref<!tpu.dma_semaphore, #tpu.memory_space<semaphore_mem>>) src(%dma_wait3A_60 : memref<80x16xf32, #tpu.memory_space<vmem>>) dst(%dma_wait3A_66 : memref<10000x16xf32, #tpu.memory_space<vmem_shared>>)
        tpu.yield
      }) : () -> ()
    }
    %scan3A_20 = arith.constant 125 : i32
    %barrier3A_21 = arith.constant 0 : index
    tpu.barrier barrier_id(%barrier3A_21)
    %add3A_22 = arith.constant 0 : i32
    %add3A_23 = arith.addi %arg1, %add3A_22 : i32
    %lt3A_24 = arith.constant 25 : i32
    %lt3A_25 = arith.cmpi slt, %add3A_23, %lt3A_24 : i32
    %convert_element_type3A_26 = arith.extui %lt3A_25 : i1 to i32
    %cond3A_27 = arith.constant 0 : i32
    %cond3A_28 = arith.cmpi ne, %convert_element_type3A_26, %cond3A_27 : i32
    scf.if %cond3A_28 {
      %mul3A = arith.constant 400 : i32
      %mul3A_36 = arith.muli %add3A_23, %mul3A : i32
      "tpu.region"() ({
        %run_scoped3A = tpu.sem_alloc : memref<!tpu.dma_semaphore, #tpu.memory_space<semaphore_mem>>
        %dma_start3A = arith.constant 0 : i32
        %dma_start3A_46 = tpu.memref_slice %arg6[%mul3A_36, %dma_start3A] : memref<10000x16xf32, #tpu.memory_space<vmem_shared>> -> memref<400x16xf32, #tpu.memory_space<vmem_shared>>
        %dma_start3A_47 = arith.constant 0 : i32
        %dma_start3A_48 = tpu.memref_slice %arg6[%mul3A_36, %dma_start3A_47] : memref<10000x16xf32, #tpu.memory_space<vmem_shared>> -> memref<400x16xf32, #tpu.memory_space<vmem_shared>>
        tpu.enqueue_dma source(%dma_start3A_48 : memref<400x16xf32, #tpu.memory_space<vmem_shared>>) target(%arg7 : memref<400x16xf32, #tpu.memory_space<vmem>>) target_semaphore(%run_scoped3A : memref<!tpu.dma_semaphore, #tpu.memory_space<semaphore_mem>>)
        %dma_wait3A = arith.constant 0 : i32
        %dma_wait3A_49 = tpu.memref_slice %arg6[%mul3A_36, %dma_wait3A] : memref<10000x16xf32, #tpu.memory_space<vmem_shared>> -> memref<400x16xf32, #tpu.memory_space<vmem_shared>>
        %dma_wait3A_50 = arith.constant 0 : i32
        %dma_wait3A_51 = tpu.memref_slice %arg6[%mul3A_36, %dma_wait3A_50] : memref<10000x16xf32, #tpu.memory_space<vmem_shared>> -> memref<400x16xf32, #tpu.memory_space<vmem_shared>>
        tpu.wait_dma2 semaphore(%run_scoped3A : memref<!tpu.dma_semaphore, #tpu.memory_space<semaphore_mem>>) src(%dma_wait3A_51 : memref<400x16xf32, #tpu.memory_space<vmem_shared>>) dst(%arg7 : memref<400x16xf32, #tpu.memory_space<vmem>>)
        tpu.yield
      }) : () -> ()
      %eq3A = arith.constant 0 : i32
      %eq3A_37 = arith.cmpi eq, %arg0, %eq3A : i32
      %convert_element_type3A_38 = arith.extui %eq3A_37 : i1 to i32
      %cond3A_39 = arith.constant 0 : i32
      %cond3A_40 = arith.cmpi ne, %convert_element_type3A_38, %cond3A_39 : i32
      scf.if %cond3A_40 {
        %mul3A_46 = arith.constant 400 : i32
        %mul3A_47 = arith.muli %add3A_23, %mul3A_46 : i32
        "tpu.region"() ({
          %run_scoped3A = tpu.sem_alloc : memref<!tpu.dma_semaphore, #tpu.memory_space<semaphore_mem>>
          %dma_start3A = arith.constant 0 : i32
          %dma_start3A_48 = tpu.memref_slice %arg4[%mul3A_47, %dma_start3A] : memref<10000x16xf32, #tpu.memory_space<hbm>> -> memref<400x16xf32, #tpu.memory_space<hbm>>
          %dma_start3A_49 = arith.constant 0 : i32
          %dma_start3A_50 = tpu.memref_slice %arg4[%mul3A_47, %dma_start3A_49] : memref<10000x16xf32, #tpu.memory_space<hbm>> -> memref<400x16xf32, #tpu.memory_space<hbm>>
          tpu.enqueue_dma source(%arg7 : memref<400x16xf32, #tpu.memory_space<vmem>>) target(%dma_start3A_50 : memref<400x16xf32, #tpu.memory_space<hbm>>) target_semaphore(%run_scoped3A : memref<!tpu.dma_semaphore, #tpu.memory_space<semaphore_mem>>)
          %dma_wait3A = arith.constant 0 : i32
          %dma_wait3A_51 = tpu.memref_slice %arg4[%mul3A_47, %dma_wait3A] : memref<10000x16xf32, #tpu.memory_space<hbm>> -> memref<400x16xf32, #tpu.memory_space<hbm>>
          %dma_wait3A_52 = arith.constant 0 : i32
          %dma_wait3A_53 = tpu.memref_slice %arg4[%mul3A_47, %dma_wait3A_52] : memref<10000x16xf32, #tpu.memory_space<hbm>> -> memref<400x16xf32, #tpu.memory_space<hbm>>
          tpu.wait_dma2 semaphore(%run_scoped3A : memref<!tpu.dma_semaphore, #tpu.memory_space<semaphore_mem>>) src(%arg7 : memref<400x16xf32, #tpu.memory_space<vmem>>) dst(%dma_wait3A_53 : memref<400x16xf32, #tpu.memory_space<hbm>>)
          tpu.yield
        }) : () -> ()
      } else {
      }
      %eq3A_41 = arith.constant 1 : i32
      %eq3A_42 = arith.cmpi eq, %arg0, %eq3A_41 : i32
      %convert_element_type3A_43 = arith.extui %eq3A_42 : i1 to i32
      %cond3A_44 = arith.constant 0 : i32
      %cond3A_45 = arith.cmpi ne, %convert_element_type3A_43, %cond3A_44 : i32
      scf.if %cond3A_45 {
        %mul3A_46 = arith.constant 400 : i32
        %mul3A_47 = arith.muli %add3A_23, %mul3A_46 : i32
        "tpu.region"() ({
          %run_scoped3A = tpu.sem_alloc : memref<!tpu.dma_semaphore, #tpu.memory_space<semaphore_mem>>
          %dma_start3A = arith.constant 0 : i32
          %dma_start3A_48 = tpu.memref_slice %arg5[%mul3A_47, %dma_start3A] : memref<10000x16xf32, #tpu.memory_space<hbm>> -> memref<400x16xf32, #tpu.memory_space<hbm>>
          %dma_start3A_49 = arith.constant 0 : i32
          %dma_start3A_50 = tpu.memref_slice %arg5[%mul3A_47, %dma_start3A_49] : memref<10000x16xf32, #tpu.memory_space<hbm>> -> memref<400x16xf32, #tpu.memory_space<hbm>>
          tpu.enqueue_dma source(%arg7 : memref<400x16xf32, #tpu.memory_space<vmem>>) target(%dma_start3A_50 : memref<400x16xf32, #tpu.memory_space<hbm>>) target_semaphore(%run_scoped3A : memref<!tpu.dma_semaphore, #tpu.memory_space<semaphore_mem>>)
          %dma_wait3A = arith.constant 0 : i32
          %dma_wait3A_51 = tpu.memref_slice %arg5[%mul3A_47, %dma_wait3A] : memref<10000x16xf32, #tpu.memory_space<hbm>> -> memref<400x16xf32, #tpu.memory_space<hbm>>
          %dma_wait3A_52 = arith.constant 0 : i32
          %dma_wait3A_53 = tpu.memref_slice %arg5[%mul3A_47, %dma_wait3A_52] : memref<10000x16xf32, #tpu.memory_space<hbm>> -> memref<400x16xf32, #tpu.memory_space<hbm>>
          tpu.wait_dma2 semaphore(%run_scoped3A : memref<!tpu.dma_semaphore, #tpu.memory_space<semaphore_mem>>) src(%arg7 : memref<400x16xf32, #tpu.memory_space<vmem>>) dst(%dma_wait3A_53 : memref<400x16xf32, #tpu.memory_space<hbm>>)
          tpu.yield
        }) : () -> ()
      } else {
      }
    } else {
    }
    %add3A_29 = arith.constant 16 : i32
    %add3A_30 = arith.addi %arg1, %add3A_29 : i32
    %lt3A_31 = arith.constant 25 : i32
    %lt3A_32 = arith.cmpi slt, %add3A_30, %lt3A_31 : i32
    %convert_element_type3A_33 = arith.extui %lt3A_32 : i1 to i32
    %cond3A_34 = arith.constant 0 : i32
    %cond3A_35 = arith.cmpi ne, %convert_element_type3A_33, %cond3A_34 : i32
    scf.if %cond3A_35 {
      %mul3A = arith.constant 400 : i32
      %mul3A_36 = arith.muli %add3A_30, %mul3A : i32
      "tpu.region"() ({
        %run_scoped3A = tpu.sem_alloc : memref<!tpu.dma_semaphore, #tpu.memory_space<semaphore_mem>>
        %dma_start3A = arith.constant 0 : i32
        %dma_start3A_46 = tpu.memref_slice %arg6[%mul3A_36, %dma_start3A] : memref<10000x16xf32, #tpu.memory_space<vmem_shared>> -> memref<400x16xf32, #tpu.memory_space<vmem_shared>>
        %dma_start3A_47 = arith.constant 0 : i32
        %dma_start3A_48 = tpu.memref_slice %arg6[%mul3A_36, %dma_start3A_47] : memref<10000x16xf32, #tpu.memory_space<vmem_shared>> -> memref<400x16xf32, #tpu.memory_space<vmem_shared>>
        tpu.enqueue_dma source(%dma_start3A_48 : memref<400x16xf32, #tpu.memory_space<vmem_shared>>) target(%arg7 : memref<400x16xf32, #tpu.memory_space<vmem>>) target_semaphore(%run_scoped3A : memref<!tpu.dma_semaphore, #tpu.memory_space<semaphore_mem>>)
        %dma_wait3A = arith.constant 0 : i32
        %dma_wait3A_49 = tpu.memref_slice %arg6[%mul3A_36, %dma_wait3A] : memref<10000x16xf32, #tpu.memory_space<vmem_shared>> -> memref<400x16xf32, #tpu.memory_space<vmem_shared>>
        %dma_wait3A_50 = arith.constant 0 : i32
        %dma_wait3A_51 = tpu.memref_slice %arg6[%mul3A_36, %dma_wait3A_50] : memref<10000x16xf32, #tpu.memory_space<vmem_shared>> -> memref<400x16xf32, #tpu.memory_space<vmem_shared>>
        tpu.wait_dma2 semaphore(%run_scoped3A : memref<!tpu.dma_semaphore, #tpu.memory_space<semaphore_mem>>) src(%dma_wait3A_51 : memref<400x16xf32, #tpu.memory_space<vmem_shared>>) dst(%arg7 : memref<400x16xf32, #tpu.memory_space<vmem>>)
        tpu.yield
      }) : () -> ()
      %eq3A = arith.constant 0 : i32
      %eq3A_37 = arith.cmpi eq, %arg0, %eq3A : i32
      %convert_element_type3A_38 = arith.extui %eq3A_37 : i1 to i32
      %cond3A_39 = arith.constant 0 : i32
      %cond3A_40 = arith.cmpi ne, %convert_element_type3A_38, %cond3A_39 : i32
      scf.if %cond3A_40 {
        %mul3A_46 = arith.constant 400 : i32
        %mul3A_47 = arith.muli %add3A_30, %mul3A_46 : i32
        "tpu.region"() ({
          %run_scoped3A = tpu.sem_alloc : memref<!tpu.dma_semaphore, #tpu.memory_space<semaphore_mem>>
          %dma_start3A = arith.constant 0 : i32
          %dma_start3A_48 = tpu.memref_slice %arg4[%mul3A_47, %dma_start3A] : memref<10000x16xf32, #tpu.memory_space<hbm>> -> memref<400x16xf32, #tpu.memory_space<hbm>>
          %dma_start3A_49 = arith.constant 0 : i32
          %dma_start3A_50 = tpu.memref_slice %arg4[%mul3A_47, %dma_start3A_49] : memref<10000x16xf32, #tpu.memory_space<hbm>> -> memref<400x16xf32, #tpu.memory_space<hbm>>
          tpu.enqueue_dma source(%arg7 : memref<400x16xf32, #tpu.memory_space<vmem>>) target(%dma_start3A_50 : memref<400x16xf32, #tpu.memory_space<hbm>>) target_semaphore(%run_scoped3A : memref<!tpu.dma_semaphore, #tpu.memory_space<semaphore_mem>>)
          %dma_wait3A = arith.constant 0 : i32
          %dma_wait3A_51 = tpu.memref_slice %arg4[%mul3A_47, %dma_wait3A] : memref<10000x16xf32, #tpu.memory_space<hbm>> -> memref<400x16xf32, #tpu.memory_space<hbm>>
          %dma_wait3A_52 = arith.constant 0 : i32
          %dma_wait3A_53 = tpu.memref_slice %arg4[%mul3A_47, %dma_wait3A_52] : memref<10000x16xf32, #tpu.memory_space<hbm>> -> memref<400x16xf32, #tpu.memory_space<hbm>>
          tpu.wait_dma2 semaphore(%run_scoped3A : memref<!tpu.dma_semaphore, #tpu.memory_space<semaphore_mem>>) src(%arg7 : memref<400x16xf32, #tpu.memory_space<vmem>>) dst(%dma_wait3A_53 : memref<400x16xf32, #tpu.memory_space<hbm>>)
          tpu.yield
        }) : () -> ()
      } else {
      }
      %eq3A_41 = arith.constant 1 : i32
      %eq3A_42 = arith.cmpi eq, %arg0, %eq3A_41 : i32
      %convert_element_type3A_43 = arith.extui %eq3A_42 : i1 to i32
      %cond3A_44 = arith.constant 0 : i32
      %cond3A_45 = arith.cmpi ne, %convert_element_type3A_43, %cond3A_44 : i32
      scf.if %cond3A_45 {
        %mul3A_46 = arith.constant 400 : i32
        %mul3A_47 = arith.muli %add3A_30, %mul3A_46 : i32
        "tpu.region"() ({
          %run_scoped3A = tpu.sem_alloc : memref<!tpu.dma_semaphore, #tpu.memory_space<semaphore_mem>>
          %dma_start3A = arith.constant 0 : i32
          %dma_start3A_48 = tpu.memref_slice %arg5[%mul3A_47, %dma_start3A] : memref<10000x16xf32, #tpu.memory_space<hbm>> -> memref<400x16xf32, #tpu.memory_space<hbm>>
          %dma_start3A_49 = arith.constant 0 : i32
          %dma_start3A_50 = tpu.memref_slice %arg5[%mul3A_47, %dma_start3A_49] : memref<10000x16xf32, #tpu.memory_space<hbm>> -> memref<400x16xf32, #tpu.memory_space<hbm>>
          tpu.enqueue_dma source(%arg7 : memref<400x16xf32, #tpu.memory_space<vmem>>) target(%dma_start3A_50 : memref<400x16xf32, #tpu.memory_space<hbm>>) target_semaphore(%run_scoped3A : memref<!tpu.dma_semaphore, #tpu.memory_space<semaphore_mem>>)
          %dma_wait3A = arith.constant 0 : i32
          %dma_wait3A_51 = tpu.memref_slice %arg5[%mul3A_47, %dma_wait3A] : memref<10000x16xf32, #tpu.memory_space<hbm>> -> memref<400x16xf32, #tpu.memory_space<hbm>>
          %dma_wait3A_52 = arith.constant 0 : i32
          %dma_wait3A_53 = tpu.memref_slice %arg5[%mul3A_47, %dma_wait3A_52] : memref<10000x16xf32, #tpu.memory_space<hbm>> -> memref<400x16xf32, #tpu.memory_space<hbm>>
          tpu.wait_dma2 semaphore(%run_scoped3A : memref<!tpu.dma_semaphore, #tpu.memory_space<semaphore_mem>>) src(%arg7 : memref<400x16xf32, #tpu.memory_space<vmem>>) dst(%dma_wait3A_53 : memref<400x16xf32, #tpu.memory_space<hbm>>)
          tpu.yield
        }) : () -> ()
      } else {
      }
    } else {
    }
    return
  }
}

#map = affine_map<(d0, d1) -> (0, 0)>
#map1 = affine_map<(d0, d1) -> (0)>
#map2 = affine_map<(d0, d1) -> (0, 0, 0)>
module attributes {stable_mosaic.version = 14 : i64} {
  func.func @_sc_scatter_body(%arg0: i32, %arg1: i32, %arg2: memref<20000x128xf32, #tpu.memory_space<hbm>>, %arg3: memref<160000xi32, #tpu.memory_space<hbm>>, %arg4: memref<16x125x80xi32, #tpu.memory_space<hbm>>, %arg5: memref<20000x128xf32, #tpu.memory_space<hbm>>, %arg6: memref<10000x128xf32, #tpu.memory_space<vmem_shared>>, %arg7: memref<2x80x128xf32, #tpu.memory_space<vmem>>, %arg8: memref<10000xi32, #tpu.memory_space<vmem>>, %arg9: memref<125x80xi32, #tpu.memory_space<vmem>>, %arg10: memref<!tpu.dma_semaphore, #tpu.memory_space<semaphore_mem>>, %arg11: memref<!tpu.dma_semaphore, #tpu.memory_space<semaphore_mem>>) attributes {dimension_semantics = [#tpu.dimension_semantics<core_parallel>, #tpu.dimension_semantics<subcore_parallel>], iteration_bounds = array<i64: 2, 16>, scalar_prefetch = 0 : i64, scratch_operands = 6 : i64, tpu.core_type = #tpu.core_type<sc_vector_subcore>, window_params = [{transform_indices = #map}, {transform_indices = #map1}, {transform_indices = #map2}, {transform_indices = #map}]} {
    %mul3A = arith.constant 10000 : i32
    %mul3A_0 = arith.muli %arg0, %mul3A : i32
    %mul3A_1 = arith.constant 10000 : i32
    %mul3A_2 = arith.muli %arg1, %mul3A_1 : i32
    "tpu.region"() ({
      %run_scoped3A = tpu.sem_alloc : memref<!tpu.dma_semaphore, #tpu.memory_space<semaphore_mem>>
      %dma_start3A_49 = tpu.memref_slice %arg3[%mul3A_2] : memref<160000xi32, #tpu.memory_space<hbm>> -> memref<10000xi32, #tpu.memory_space<hbm>>
      %dma_start3A_50 = tpu.memref_slice %arg3[%mul3A_2] : memref<160000xi32, #tpu.memory_space<hbm>> -> memref<10000xi32, #tpu.memory_space<hbm>>
      tpu.enqueue_dma source(%dma_start3A_50 : memref<10000xi32, #tpu.memory_space<hbm>>) target(%arg8 : memref<10000xi32, #tpu.memory_space<vmem>>) target_semaphore(%run_scoped3A : memref<!tpu.dma_semaphore, #tpu.memory_space<semaphore_mem>>)
      %dma_wait3A_51 = tpu.memref_slice %arg3[%mul3A_2] : memref<160000xi32, #tpu.memory_space<hbm>> -> memref<10000xi32, #tpu.memory_space<hbm>>
      %dma_wait3A_52 = tpu.memref_slice %arg3[%mul3A_2] : memref<160000xi32, #tpu.memory_space<hbm>> -> memref<10000xi32, #tpu.memory_space<hbm>>
      tpu.wait_dma2 semaphore(%run_scoped3A : memref<!tpu.dma_semaphore, #tpu.memory_space<semaphore_mem>>) src(%dma_wait3A_52 : memref<10000xi32, #tpu.memory_space<hbm>>) dst(%arg8 : memref<10000xi32, #tpu.memory_space<vmem>>)
      tpu.yield
    }) : () -> ()
    "tpu.region"() ({
      %run_scoped3A = tpu.sem_alloc : memref<!tpu.dma_semaphore, #tpu.memory_space<semaphore_mem>>
      %dma_start3A_49 = arith.constant 0 : i32
      %dma_start3A_50 = arith.constant 0 : i32
      %dma_start3A_51 = tpu.memref_slice %arg4[%arg1, %dma_start3A_49, %dma_start3A_50] : memref<16x125x80xi32, #tpu.memory_space<hbm>> -> memref<1x125x80xi32, #tpu.memory_space<hbm>>
      %dma_start3A_52 = tpu.memref_squeeze %dma_start3A_51 : memref<1x125x80xi32, #tpu.memory_space<hbm>> -> memref<125x80xi32, #tpu.memory_space<hbm>>
      %dma_start3A_53 = arith.constant 0 : i32
      %dma_start3A_54 = arith.constant 0 : i32
      %dma_start3A_55 = tpu.memref_slice %arg4[%arg1, %dma_start3A_53, %dma_start3A_54] : memref<16x125x80xi32, #tpu.memory_space<hbm>> -> memref<1x125x80xi32, #tpu.memory_space<hbm>>
      %dma_start3A_56 = tpu.memref_squeeze %dma_start3A_55 : memref<1x125x80xi32, #tpu.memory_space<hbm>> -> memref<125x80xi32, #tpu.memory_space<hbm>>
      tpu.enqueue_dma source(%dma_start3A_56 : memref<125x80xi32, #tpu.memory_space<hbm>>) target(%arg9 : memref<125x80xi32, #tpu.memory_space<vmem>>) target_semaphore(%run_scoped3A : memref<!tpu.dma_semaphore, #tpu.memory_space<semaphore_mem>>)
      %dma_wait3A_57 = arith.constant 0 : i32
      %dma_wait3A_58 = arith.constant 0 : i32
      %dma_wait3A_59 = tpu.memref_slice %arg4[%arg1, %dma_wait3A_57, %dma_wait3A_58] : memref<16x125x80xi32, #tpu.memory_space<hbm>> -> memref<1x125x80xi32, #tpu.memory_space<hbm>>
      %dma_wait3A_60 = tpu.memref_squeeze %dma_wait3A_59 : memref<1x125x80xi32, #tpu.memory_space<hbm>> -> memref<125x80xi32, #tpu.memory_space<hbm>>
      %dma_wait3A_61 = arith.constant 0 : i32
      %dma_wait3A_62 = arith.constant 0 : i32
      %dma_wait3A_63 = tpu.memref_slice %arg4[%arg1, %dma_wait3A_61, %dma_wait3A_62] : memref<16x125x80xi32, #tpu.memory_space<hbm>> -> memref<1x125x80xi32, #tpu.memory_space<hbm>>
      %dma_wait3A_64 = tpu.memref_squeeze %dma_wait3A_63 : memref<1x125x80xi32, #tpu.memory_space<hbm>> -> memref<125x80xi32, #tpu.memory_space<hbm>>
      tpu.wait_dma2 semaphore(%run_scoped3A : memref<!tpu.dma_semaphore, #tpu.memory_space<semaphore_mem>>) src(%dma_wait3A_64 : memref<125x80xi32, #tpu.memory_space<hbm>>) dst(%arg9 : memref<125x80xi32, #tpu.memory_space<vmem>>)
      tpu.yield
    }) : () -> ()
    %add3A = arith.constant 0 : i32
    %add3A_3 = arith.addi %arg1, %add3A : i32
    %lt3A = arith.constant 25 : i32
    %lt3A_4 = arith.cmpi slt, %add3A_3, %lt3A : i32
    %convert_element_type3A = arith.extui %lt3A_4 : i1 to i32
    %cond3A = arith.constant 0 : i32
    %cond3A_5 = arith.cmpi ne, %convert_element_type3A, %cond3A : i32
    scf.if %cond3A_5 {
      %mul3A_49 = arith.constant 400 : i32
      %mul3A_50 = arith.muli %add3A_3, %mul3A_49 : i32
      %add3A_51 = arith.addi %mul3A_0, %mul3A_50 : i32
      "tpu.region"() ({
        %run_scoped3A = tpu.sem_alloc : memref<!tpu.dma_semaphore, #tpu.memory_space<semaphore_mem>>
        %dma_start3A_52 = arith.constant 0 : i32
        %dma_start3A_53 = tpu.memref_slice %arg6[%mul3A_50, %dma_start3A_52] : memref<10000x128xf32, #tpu.memory_space<vmem_shared>> -> memref<400x128xf32, #tpu.memory_space<vmem_shared>>
        %dma_start3A_54 = arith.constant 0 : i32
        %dma_start3A_55 = tpu.memref_slice %arg2[%add3A_51, %dma_start3A_54] : memref<20000x128xf32, #tpu.memory_space<hbm>> -> memref<400x128xf32, #tpu.memory_space<hbm>>
        tpu.enqueue_dma source(%dma_start3A_55 : memref<400x128xf32, #tpu.memory_space<hbm>>) target(%dma_start3A_53 : memref<400x128xf32, #tpu.memory_space<vmem_shared>>) target_semaphore(%run_scoped3A : memref<!tpu.dma_semaphore, #tpu.memory_space<semaphore_mem>>)
        %dma_wait3A_56 = arith.constant 0 : i32
        %dma_wait3A_57 = tpu.memref_slice %arg6[%mul3A_50, %dma_wait3A_56] : memref<10000x128xf32, #tpu.memory_space<vmem_shared>> -> memref<400x128xf32, #tpu.memory_space<vmem_shared>>
        %dma_wait3A_58 = arith.constant 0 : i32
        %dma_wait3A_59 = tpu.memref_slice %arg2[%add3A_51, %dma_wait3A_58] : memref<20000x128xf32, #tpu.memory_space<hbm>> -> memref<400x128xf32, #tpu.memory_space<hbm>>
        tpu.wait_dma2 semaphore(%run_scoped3A : memref<!tpu.dma_semaphore, #tpu.memory_space<semaphore_mem>>) src(%dma_wait3A_59 : memref<400x128xf32, #tpu.memory_space<hbm>>) dst(%dma_wait3A_57 : memref<400x128xf32, #tpu.memory_space<vmem_shared>>)
        tpu.yield
      }) : () -> ()
    } else {
    }
    %add3A_6 = arith.constant 16 : i32
    %add3A_7 = arith.addi %arg1, %add3A_6 : i32
    %lt3A_8 = arith.constant 25 : i32
    %lt3A_9 = arith.cmpi slt, %add3A_7, %lt3A_8 : i32
    %convert_element_type3A_10 = arith.extui %lt3A_9 : i1 to i32
    %cond3A_11 = arith.constant 0 : i32
    %cond3A_12 = arith.cmpi ne, %convert_element_type3A_10, %cond3A_11 : i32
    scf.if %cond3A_12 {
      %mul3A_49 = arith.constant 400 : i32
      %mul3A_50 = arith.muli %add3A_7, %mul3A_49 : i32
      %add3A_51 = arith.addi %mul3A_0, %mul3A_50 : i32
      "tpu.region"() ({
        %run_scoped3A = tpu.sem_alloc : memref<!tpu.dma_semaphore, #tpu.memory_space<semaphore_mem>>
        %dma_start3A_52 = arith.constant 0 : i32
        %dma_start3A_53 = tpu.memref_slice %arg6[%mul3A_50, %dma_start3A_52] : memref<10000x128xf32, #tpu.memory_space<vmem_shared>> -> memref<400x128xf32, #tpu.memory_space<vmem_shared>>
        %dma_start3A_54 = arith.constant 0 : i32
        %dma_start3A_55 = tpu.memref_slice %arg2[%add3A_51, %dma_start3A_54] : memref<20000x128xf32, #tpu.memory_space<hbm>> -> memref<400x128xf32, #tpu.memory_space<hbm>>
        tpu.enqueue_dma source(%dma_start3A_55 : memref<400x128xf32, #tpu.memory_space<hbm>>) target(%dma_start3A_53 : memref<400x128xf32, #tpu.memory_space<vmem_shared>>) target_semaphore(%run_scoped3A : memref<!tpu.dma_semaphore, #tpu.memory_space<semaphore_mem>>)
        %dma_wait3A_56 = arith.constant 0 : i32
        %dma_wait3A_57 = tpu.memref_slice %arg6[%mul3A_50, %dma_wait3A_56] : memref<10000x128xf32, #tpu.memory_space<vmem_shared>> -> memref<400x128xf32, #tpu.memory_space<vmem_shared>>
        %dma_wait3A_58 = arith.constant 0 : i32
        %dma_wait3A_59 = tpu.memref_slice %arg2[%add3A_51, %dma_wait3A_58] : memref<20000x128xf32, #tpu.memory_space<hbm>> -> memref<400x128xf32, #tpu.memory_space<hbm>>
        tpu.wait_dma2 semaphore(%run_scoped3A : memref<!tpu.dma_semaphore, #tpu.memory_space<semaphore_mem>>) src(%dma_wait3A_59 : memref<400x128xf32, #tpu.memory_space<hbm>>) dst(%dma_wait3A_57 : memref<400x128xf32, #tpu.memory_space<vmem_shared>>)
        tpu.yield
      }) : () -> ()
    } else {
    }
    %barrier3A = arith.constant 0 : index
    tpu.barrier barrier_id(%barrier3A)
    %dma_start3A = arith.constant 0 : i32
    %dma_start3A_13 = arith.constant 0 : i32
    %dma_start3A_14 = arith.constant 0 : i32
    %dma_start3A_15 = tpu.memref_slice %arg7[%dma_start3A, %dma_start3A_13, %dma_start3A_14] : memref<2x80x128xf32, #tpu.memory_space<vmem>> -> memref<1x80x128xf32, #tpu.memory_space<vmem>>
    %dma_start3A_16 = tpu.memref_squeeze %dma_start3A_15 : memref<1x80x128xf32, #tpu.memory_space<vmem>> -> memref<80x128xf32, #tpu.memory_space<vmem>>
    %dma_start3A_17 = arith.constant 0 : i32
    %dma_start3A_18 = tpu.memref_slice %arg8[%dma_start3A_17] : memref<10000xi32, #tpu.memory_space<vmem>> -> memref<80xi32, #tpu.memory_space<vmem>>
    %dma_start3A_19 = arith.constant 0 : i32
    %dma_start3A_20 = tpu.memref_slice %arg2[%mul3A_0, %dma_start3A_19] : memref<20000x128xf32, #tpu.memory_space<hbm>> -> memref<10000x128xf32, #tpu.memory_space<hbm>>
    %dma_start3A_21 = arith.constant 0 : i32
    %dma_start3A_22 = arith.constant 0 : i32
    %dma_start3A_23 = tpu.memref_slice %dma_start3A_20[%dma_start3A_21, %dma_start3A_22] : memref<10000x128xf32, #tpu.memory_space<hbm>> -> memref<10000x128xf32, #tpu.memory_space<hbm>>
    tpu.enqueue_indirect_dma source(%dma_start3A_23 : memref<10000x128xf32, #tpu.memory_space<hbm>>) target(%dma_start3A_16 : memref<80x128xf32, #tpu.memory_space<vmem>>) offsets(%dma_start3A_18 : memref<80xi32, #tpu.memory_space<vmem>>) semaphore(%arg10 : memref<!tpu.dma_semaphore, #tpu.memory_space<semaphore_mem>>)
    %scan3A = arith.constant 0 : i32
    %scan3A_24 = arith.constant 0 : i32
    %scan3A_25 = arith.constant 125 : i32
    %scan3A_26 = arith.addi %scan3A_24, %scan3A_25 : i32
    %scan3A_27 = arith.constant 1 : i32
    scf.for %scan3A_49 = %scan3A_24 to %scan3A_26 step %scan3A_27  : i32 {
      %rem3A = arith.constant 2 : i32
      %rem3A_50 = arith.remsi %scan3A_49, %rem3A : i32
      %add3A_51 = arith.constant 1 : i32
      %add3A_52 = arith.addi %scan3A_49, %add3A_51 : i32
      %lt3A_53 = arith.constant 125 : i32
      %lt3A_54 = arith.cmpi slt, %add3A_52, %lt3A_53 : i32
      %convert_element_type3A_55 = arith.extui %lt3A_54 : i1 to i32
      %cond3A_56 = arith.constant 0 : i32
      %cond3A_57 = arith.cmpi ne, %convert_element_type3A_55, %cond3A_56 : i32
      scf.if %cond3A_57 {
        %ge3A = arith.constant 1 : i32
        %ge3A_82 = arith.cmpi sge, %scan3A_49, %ge3A : i32
        %convert_element_type3A_83 = arith.extui %ge3A_82 : i1 to i32
        %cond3A_84 = arith.constant 0 : i32
        %cond3A_85 = arith.cmpi ne, %convert_element_type3A_83, %cond3A_84 : i32
        scf.if %cond3A_85 {
          %sub3A_101 = arith.constant 1 : i32
          %sub3A_102 = arith.subi %sub3A_101, %rem3A_50 : i32
          %dma_wait3A_103 = arith.constant 0 : i32
          %dma_wait3A_104 = arith.constant 0 : i32
          %dma_wait3A_105 = tpu.memref_slice %arg7[%sub3A_102, %dma_wait3A_103, %dma_wait3A_104] : memref<2x80x128xf32, #tpu.memory_space<vmem>> -> memref<1x80x128xf32, #tpu.memory_space<vmem>>
          %dma_wait3A_106 = tpu.memref_squeeze %dma_wait3A_105 : memref<1x80x128xf32, #tpu.memory_space<vmem>> -> memref<80x128xf32, #tpu.memory_space<vmem>>
          %dma_wait3A_107 = arith.constant 0 : i32
          %dma_wait3A_108 = arith.constant 0 : i32
          %dma_wait3A_109 = tpu.memref_slice %arg2[%dma_wait3A_107, %dma_wait3A_108] : memref<20000x128xf32, #tpu.memory_space<hbm>> -> memref<80x128xf32, #tpu.memory_space<hbm>>
          %dma_wait3A_110 = arith.constant 0 : i32
          %dma_wait3A_111 = arith.constant 0 : i32
          %dma_wait3A_112 = tpu.memref_slice %arg7[%sub3A_102, %dma_wait3A_110, %dma_wait3A_111] : memref<2x80x128xf32, #tpu.memory_space<vmem>> -> memref<1x80x128xf32, #tpu.memory_space<vmem>>
          %dma_wait3A_113 = tpu.memref_squeeze %dma_wait3A_112 : memref<1x80x128xf32, #tpu.memory_space<vmem>> -> memref<80x128xf32, #tpu.memory_space<vmem>>
          %dma_wait3A_114 = arith.constant 0 : i32
          %dma_wait3A_115 = arith.constant 0 : i32
          %dma_wait3A_116 = tpu.memref_slice %arg2[%dma_wait3A_114, %dma_wait3A_115] : memref<20000x128xf32, #tpu.memory_space<hbm>> -> memref<80x128xf32, #tpu.memory_space<hbm>>
          tpu.wait_dma2 semaphore(%arg11 : memref<!tpu.dma_semaphore, #tpu.memory_space<semaphore_mem>>) src(%dma_wait3A_116 : memref<80x128xf32, #tpu.memory_space<hbm>>) dst(%dma_wait3A_113 : memref<80x128xf32, #tpu.memory_space<vmem>>)
        } else {
        }
        %add3A_86 = arith.constant 1 : i32
        %add3A_87 = arith.addi %scan3A_49, %add3A_86 : i32
        %mul3A_88 = arith.constant 80 : i32
        %mul3A_89 = arith.muli %add3A_87, %mul3A_88 : i32
        %sub3A = arith.constant 1 : i32
        %sub3A_90 = arith.subi %sub3A, %rem3A_50 : i32
        %dma_start3A_91 = arith.constant 0 : i32
        %dma_start3A_92 = arith.constant 0 : i32
        %dma_start3A_93 = tpu.memref_slice %arg7[%sub3A_90, %dma_start3A_91, %dma_start3A_92] : memref<2x80x128xf32, #tpu.memory_space<vmem>> -> memref<1x80x128xf32, #tpu.memory_space<vmem>>
        %dma_start3A_94 = tpu.memref_squeeze %dma_start3A_93 : memref<1x80x128xf32, #tpu.memory_space<vmem>> -> memref<80x128xf32, #tpu.memory_space<vmem>>
        %dma_start3A_95 = tpu.memref_slice %arg8[%mul3A_89] : memref<10000xi32, #tpu.memory_space<vmem>> -> memref<80xi32, #tpu.memory_space<vmem>>
        %dma_start3A_96 = arith.constant 0 : i32
        %dma_start3A_97 = tpu.memref_slice %arg2[%mul3A_0, %dma_start3A_96] : memref<20000x128xf32, #tpu.memory_space<hbm>> -> memref<10000x128xf32, #tpu.memory_space<hbm>>
        %dma_start3A_98 = arith.constant 0 : i32
        %dma_start3A_99 = arith.constant 0 : i32
        %dma_start3A_100 = tpu.memref_slice %dma_start3A_97[%dma_start3A_98, %dma_start3A_99] : memref<10000x128xf32, #tpu.memory_space<hbm>> -> memref<10000x128xf32, #tpu.memory_space<hbm>>
        tpu.enqueue_indirect_dma source(%dma_start3A_100 : memref<10000x128xf32, #tpu.memory_space<hbm>>) target(%dma_start3A_94 : memref<80x128xf32, #tpu.memory_space<vmem>>) offsets(%dma_start3A_95 : memref<80xi32, #tpu.memory_space<vmem>>) semaphore(%arg10 : memref<!tpu.dma_semaphore, #tpu.memory_space<semaphore_mem>>)
      } else {
      }
      %dma_wait3A_58 = arith.constant 0 : i32
      %dma_wait3A_59 = arith.constant 0 : i32
      %dma_wait3A_60 = tpu.memref_slice %arg7[%rem3A_50, %dma_wait3A_58, %dma_wait3A_59] : memref<2x80x128xf32, #tpu.memory_space<vmem>> -> memref<1x80x128xf32, #tpu.memory_space<vmem>>
      %dma_wait3A_61 = tpu.memref_squeeze %dma_wait3A_60 : memref<1x80x128xf32, #tpu.memory_space<vmem>> -> memref<80x128xf32, #tpu.memory_space<vmem>>
      %dma_wait3A_62 = arith.constant 0 : i32
      %dma_wait3A_63 = arith.constant 0 : i32
      %dma_wait3A_64 = tpu.memref_slice %arg2[%dma_wait3A_62, %dma_wait3A_63] : memref<20000x128xf32, #tpu.memory_space<hbm>> -> memref<80x128xf32, #tpu.memory_space<hbm>>
      %dma_wait3A_65 = arith.constant 0 : i32
      %dma_wait3A_66 = arith.constant 0 : i32
      %dma_wait3A_67 = tpu.memref_slice %arg7[%rem3A_50, %dma_wait3A_65, %dma_wait3A_66] : memref<2x80x128xf32, #tpu.memory_space<vmem>> -> memref<1x80x128xf32, #tpu.memory_space<vmem>>
      %dma_wait3A_68 = tpu.memref_squeeze %dma_wait3A_67 : memref<1x80x128xf32, #tpu.memory_space<vmem>> -> memref<80x128xf32, #tpu.memory_space<vmem>>
      %dma_wait3A_69 = arith.constant 0 : i32
      %dma_wait3A_70 = arith.constant 0 : i32
      %dma_wait3A_71 = tpu.memref_slice %arg2[%dma_wait3A_69, %dma_wait3A_70] : memref<20000x128xf32, #tpu.memory_space<hbm>> -> memref<80x128xf32, #tpu.memory_space<hbm>>
      tpu.wait_dma2 semaphore(%arg10 : memref<!tpu.dma_semaphore, #tpu.memory_space<semaphore_mem>>) src(%dma_wait3A_71 : memref<80x128xf32, #tpu.memory_space<hbm>>) dst(%dma_wait3A_68 : memref<80x128xf32, #tpu.memory_space<vmem>>)
      %dma_start3A_72 = arith.constant 0 : i32
      %dma_start3A_73 = arith.constant 0 : i32
      %dma_start3A_74 = tpu.memref_slice %arg7[%rem3A_50, %dma_start3A_72, %dma_start3A_73] : memref<2x80x128xf32, #tpu.memory_space<vmem>> -> memref<1x80x128xf32, #tpu.memory_space<vmem>>
      %dma_start3A_75 = tpu.memref_squeeze %dma_start3A_74 : memref<1x80x128xf32, #tpu.memory_space<vmem>> -> memref<80x128xf32, #tpu.memory_space<vmem>>
      %dma_start3A_76 = arith.constant 0 : i32
      %dma_start3A_77 = tpu.memref_slice %arg9[%scan3A_49, %dma_start3A_76] : memref<125x80xi32, #tpu.memory_space<vmem>> -> memref<1x80xi32, #tpu.memory_space<vmem>>
      %dma_start3A_78 = tpu.memref_squeeze %dma_start3A_77 : memref<1x80xi32, #tpu.memory_space<vmem>> -> memref<80xi32, #tpu.memory_space<vmem>>
      %dma_start3A_79 = arith.constant 0 : i32
      %dma_start3A_80 = arith.constant 0 : i32
      %dma_start3A_81 = tpu.memref_slice %arg6[%dma_start3A_79, %dma_start3A_80] : memref<10000x128xf32, #tpu.memory_space<vmem_shared>> -> memref<10000x128xf32, #tpu.memory_space<vmem_shared>>
      tpu.enqueue_indirect_dma source(%dma_start3A_75 : memref<80x128xf32, #tpu.memory_space<vmem>>) target(%dma_start3A_81 : memref<10000x128xf32, #tpu.memory_space<vmem_shared>>) offsets(%dma_start3A_78 : memref<80xi32, #tpu.memory_space<vmem>>) semaphore(%arg11 : memref<!tpu.dma_semaphore, #tpu.memory_space<semaphore_mem>>) {add = true}
    }
    %scan3A_28 = arith.constant 125 : i32
    %dma_wait3A = arith.constant 0 : i32
    %dma_wait3A_29 = arith.constant 0 : i32
    %dma_wait3A_30 = tpu.memref_slice %arg2[%dma_wait3A, %dma_wait3A_29] : memref<20000x128xf32, #tpu.memory_space<hbm>> -> memref<160x128xf32, #tpu.memory_space<hbm>>
    %dma_wait3A_31 = arith.constant 0 : i32
    %dma_wait3A_32 = arith.constant 0 : i32
    %dma_wait3A_33 = tpu.memref_slice %arg2[%dma_wait3A_31, %dma_wait3A_32] : memref<20000x128xf32, #tpu.memory_space<hbm>> -> memref<160x128xf32, #tpu.memory_space<hbm>>
    tpu.wait_dma2 semaphore(%arg11 : memref<!tpu.dma_semaphore, #tpu.memory_space<semaphore_mem>>) src(%dma_wait3A_33 : memref<160x128xf32, #tpu.memory_space<hbm>>) dst(%arg7 : memref<2x80x128xf32, #tpu.memory_space<vmem>>)
    %barrier3A_34 = arith.constant 0 : index
    tpu.barrier barrier_id(%barrier3A_34)
    %add3A_35 = arith.constant 0 : i32
    %add3A_36 = arith.addi %arg1, %add3A_35 : i32
    %lt3A_37 = arith.constant 25 : i32
    %lt3A_38 = arith.cmpi slt, %add3A_36, %lt3A_37 : i32
    %convert_element_type3A_39 = arith.extui %lt3A_38 : i1 to i32
    %cond3A_40 = arith.constant 0 : i32
    %cond3A_41 = arith.cmpi ne, %convert_element_type3A_39, %cond3A_40 : i32
    scf.if %cond3A_41 {
      %mul3A_49 = arith.constant 400 : i32
      %mul3A_50 = arith.muli %add3A_36, %mul3A_49 : i32
      %add3A_51 = arith.addi %mul3A_0, %mul3A_50 : i32
      "tpu.region"() ({
        %run_scoped3A = tpu.sem_alloc : memref<!tpu.dma_semaphore, #tpu.memory_space<semaphore_mem>>
        %dma_start3A_52 = arith.constant 0 : i32
        %dma_start3A_53 = tpu.memref_slice %arg5[%add3A_51, %dma_start3A_52] : memref<20000x128xf32, #tpu.memory_space<hbm>> -> memref<400x128xf32, #tpu.memory_space<hbm>>
        %dma_start3A_54 = arith.constant 0 : i32
        %dma_start3A_55 = tpu.memref_slice %arg6[%mul3A_50, %dma_start3A_54] : memref<10000x128xf32, #tpu.memory_space<vmem_shared>> -> memref<400x128xf32, #tpu.memory_space<vmem_shared>>
        tpu.enqueue_dma source(%dma_start3A_55 : memref<400x128xf32, #tpu.memory_space<vmem_shared>>) target(%dma_start3A_53 : memref<400x128xf32, #tpu.memory_space<hbm>>) target_semaphore(%run_scoped3A : memref<!tpu.dma_semaphore, #tpu.memory_space<semaphore_mem>>)
        %dma_wait3A_56 = arith.constant 0 : i32
        %dma_wait3A_57 = tpu.memref_slice %arg5[%add3A_51, %dma_wait3A_56] : memref<20000x128xf32, #tpu.memory_space<hbm>> -> memref<400x128xf32, #tpu.memory_space<hbm>>
        %dma_wait3A_58 = arith.constant 0 : i32
        %dma_wait3A_59 = tpu.memref_slice %arg6[%mul3A_50, %dma_wait3A_58] : memref<10000x128xf32, #tpu.memory_space<vmem_shared>> -> memref<400x128xf32, #tpu.memory_space<vmem_shared>>
        tpu.wait_dma2 semaphore(%run_scoped3A : memref<!tpu.dma_semaphore, #tpu.memory_space<semaphore_mem>>) src(%dma_wait3A_59 : memref<400x128xf32, #tpu.memory_space<vmem_shared>>) dst(%dma_wait3A_57 : memref<400x128xf32, #tpu.memory_space<hbm>>)
        tpu.yield
      }) : () -> ()
    } else {
    }
    %add3A_42 = arith.constant 16 : i32
    %add3A_43 = arith.addi %arg1, %add3A_42 : i32
    %lt3A_44 = arith.constant 25 : i32
    %lt3A_45 = arith.cmpi slt, %add3A_43, %lt3A_44 : i32
    %convert_element_type3A_46 = arith.extui %lt3A_45 : i1 to i32
    %cond3A_47 = arith.constant 0 : i32
    %cond3A_48 = arith.cmpi ne, %convert_element_type3A_46, %cond3A_47 : i32
    scf.if %cond3A_48 {
      %mul3A_49 = arith.constant 400 : i32
      %mul3A_50 = arith.muli %add3A_43, %mul3A_49 : i32
      %add3A_51 = arith.addi %mul3A_0, %mul3A_50 : i32
      "tpu.region"() ({
        %run_scoped3A = tpu.sem_alloc : memref<!tpu.dma_semaphore, #tpu.memory_space<semaphore_mem>>
        %dma_start3A_52 = arith.constant 0 : i32
        %dma_start3A_53 = tpu.memref_slice %arg5[%add3A_51, %dma_start3A_52] : memref<20000x128xf32, #tpu.memory_space<hbm>> -> memref<400x128xf32, #tpu.memory_space<hbm>>
        %dma_start3A_54 = arith.constant 0 : i32
        %dma_start3A_55 = tpu.memref_slice %arg6[%mul3A_50, %dma_start3A_54] : memref<10000x128xf32, #tpu.memory_space<vmem_shared>> -> memref<400x128xf32, #tpu.memory_space<vmem_shared>>
        tpu.enqueue_dma source(%dma_start3A_55 : memref<400x128xf32, #tpu.memory_space<vmem_shared>>) target(%dma_start3A_53 : memref<400x128xf32, #tpu.memory_space<hbm>>) target_semaphore(%run_scoped3A : memref<!tpu.dma_semaphore, #tpu.memory_space<semaphore_mem>>)
        %dma_wait3A_56 = arith.constant 0 : i32
        %dma_wait3A_57 = tpu.memref_slice %arg5[%add3A_51, %dma_wait3A_56] : memref<20000x128xf32, #tpu.memory_space<hbm>> -> memref<400x128xf32, #tpu.memory_space<hbm>>
        %dma_wait3A_58 = arith.constant 0 : i32
        %dma_wait3A_59 = tpu.memref_slice %arg6[%mul3A_50, %dma_wait3A_58] : memref<10000x128xf32, #tpu.memory_space<vmem_shared>> -> memref<400x128xf32, #tpu.memory_space<vmem_shared>>
        tpu.wait_dma2 semaphore(%run_scoped3A : memref<!tpu.dma_semaphore, #tpu.memory_space<semaphore_mem>>) src(%dma_wait3A_59 : memref<400x128xf32, #tpu.memory_space<vmem_shared>>) dst(%dma_wait3A_57 : memref<400x128xf32, #tpu.memory_space<hbm>>)
        tpu.yield
      }) : () -> ()
    } else {
    }
    return
  }
}

#map = affine_map<(d0, d1) -> (0, 0)>
#map1 = affine_map<(d0, d1) -> (0)>
#map2 = affine_map<(d0, d1) -> (0, 0, 0)>
module attributes {stable_mosaic.version = 14 : i64} {
  func.func @_sc_scatter_body(%arg0: i32, %arg1: i32, %arg2: memref<20000x128xf32, #tpu.memory_space<hbm>>, %arg3: memref<160000xi32, #tpu.memory_space<hbm>>, %arg4: memref<16x125x80xi32, #tpu.memory_space<hbm>>, %arg5: memref<20000x128xf32, #tpu.memory_space<hbm>>, %arg6: memref<10000x128xf32, #tpu.memory_space<vmem_shared>>, %arg7: memref<2x80x128xf32, #tpu.memory_space<vmem>>, %arg8: memref<10000xi32, #tpu.memory_space<vmem>>, %arg9: memref<125x80xi32, #tpu.memory_space<vmem>>, %arg10: memref<!tpu.dma_semaphore, #tpu.memory_space<semaphore_mem>>, %arg11: memref<!tpu.dma_semaphore, #tpu.memory_space<semaphore_mem>>) attributes {dimension_semantics = [#tpu.dimension_semantics<core_parallel>, #tpu.dimension_semantics<subcore_parallel>], iteration_bounds = array<i64: 2, 16>, scalar_prefetch = 0 : i64, scratch_operands = 6 : i64, tpu.core_type = #tpu.core_type<sc_vector_subcore>, window_params = [{transform_indices = #map}, {transform_indices = #map1}, {transform_indices = #map2}, {transform_indices = #map}]} {
    %mul3A = arith.constant 10000 : i32
    %mul3A_0 = arith.muli %arg0, %mul3A : i32
    %mul3A_1 = arith.constant 10000 : i32
    %mul3A_2 = arith.muli %arg1, %mul3A_1 : i32
    "tpu.region"() ({
      %run_scoped3A = tpu.sem_alloc : memref<!tpu.dma_semaphore, #tpu.memory_space<semaphore_mem>>
      %dma_start3A_49 = tpu.memref_slice %arg3[%mul3A_2] : memref<160000xi32, #tpu.memory_space<hbm>> -> memref<10000xi32, #tpu.memory_space<hbm>>
      %dma_start3A_50 = tpu.memref_slice %arg3[%mul3A_2] : memref<160000xi32, #tpu.memory_space<hbm>> -> memref<10000xi32, #tpu.memory_space<hbm>>
      tpu.enqueue_dma source(%dma_start3A_50 : memref<10000xi32, #tpu.memory_space<hbm>>) target(%arg8 : memref<10000xi32, #tpu.memory_space<vmem>>) target_semaphore(%run_scoped3A : memref<!tpu.dma_semaphore, #tpu.memory_space<semaphore_mem>>)
      %dma_wait3A_51 = tpu.memref_slice %arg3[%mul3A_2] : memref<160000xi32, #tpu.memory_space<hbm>> -> memref<10000xi32, #tpu.memory_space<hbm>>
      %dma_wait3A_52 = tpu.memref_slice %arg3[%mul3A_2] : memref<160000xi32, #tpu.memory_space<hbm>> -> memref<10000xi32, #tpu.memory_space<hbm>>
      tpu.wait_dma2 semaphore(%run_scoped3A : memref<!tpu.dma_semaphore, #tpu.memory_space<semaphore_mem>>) src(%dma_wait3A_52 : memref<10000xi32, #tpu.memory_space<hbm>>) dst(%arg8 : memref<10000xi32, #tpu.memory_space<vmem>>)
      tpu.yield
    }) : () -> ()
    "tpu.region"() ({
      %run_scoped3A = tpu.sem_alloc : memref<!tpu.dma_semaphore, #tpu.memory_space<semaphore_mem>>
      %dma_start3A_49 = arith.constant 0 : i32
      %dma_start3A_50 = arith.constant 0 : i32
      %dma_start3A_51 = tpu.memref_slice %arg4[%arg1, %dma_start3A_49, %dma_start3A_50] : memref<16x125x80xi32, #tpu.memory_space<hbm>> -> memref<1x125x80xi32, #tpu.memory_space<hbm>>
      %dma_start3A_52 = tpu.memref_squeeze %dma_start3A_51 : memref<1x125x80xi32, #tpu.memory_space<hbm>> -> memref<125x80xi32, #tpu.memory_space<hbm>>
      %dma_start3A_53 = arith.constant 0 : i32
      %dma_start3A_54 = arith.constant 0 : i32
      %dma_start3A_55 = tpu.memref_slice %arg4[%arg1, %dma_start3A_53, %dma_start3A_54] : memref<16x125x80xi32, #tpu.memory_space<hbm>> -> memref<1x125x80xi32, #tpu.memory_space<hbm>>
      %dma_start3A_56 = tpu.memref_squeeze %dma_start3A_55 : memref<1x125x80xi32, #tpu.memory_space<hbm>> -> memref<125x80xi32, #tpu.memory_space<hbm>>
      tpu.enqueue_dma source(%dma_start3A_56 : memref<125x80xi32, #tpu.memory_space<hbm>>) target(%arg9 : memref<125x80xi32, #tpu.memory_space<vmem>>) target_semaphore(%run_scoped3A : memref<!tpu.dma_semaphore, #tpu.memory_space<semaphore_mem>>)
      %dma_wait3A_57 = arith.constant 0 : i32
      %dma_wait3A_58 = arith.constant 0 : i32
      %dma_wait3A_59 = tpu.memref_slice %arg4[%arg1, %dma_wait3A_57, %dma_wait3A_58] : memref<16x125x80xi32, #tpu.memory_space<hbm>> -> memref<1x125x80xi32, #tpu.memory_space<hbm>>
      %dma_wait3A_60 = tpu.memref_squeeze %dma_wait3A_59 : memref<1x125x80xi32, #tpu.memory_space<hbm>> -> memref<125x80xi32, #tpu.memory_space<hbm>>
      %dma_wait3A_61 = arith.constant 0 : i32
      %dma_wait3A_62 = arith.constant 0 : i32
      %dma_wait3A_63 = tpu.memref_slice %arg4[%arg1, %dma_wait3A_61, %dma_wait3A_62] : memref<16x125x80xi32, #tpu.memory_space<hbm>> -> memref<1x125x80xi32, #tpu.memory_space<hbm>>
      %dma_wait3A_64 = tpu.memref_squeeze %dma_wait3A_63 : memref<1x125x80xi32, #tpu.memory_space<hbm>> -> memref<125x80xi32, #tpu.memory_space<hbm>>
      tpu.wait_dma2 semaphore(%run_scoped3A : memref<!tpu.dma_semaphore, #tpu.memory_space<semaphore_mem>>) src(%dma_wait3A_64 : memref<125x80xi32, #tpu.memory_space<hbm>>) dst(%arg9 : memref<125x80xi32, #tpu.memory_space<vmem>>)
      tpu.yield
    }) : () -> ()
    %add3A = arith.constant 0 : i32
    %add3A_3 = arith.addi %arg1, %add3A : i32
    %lt3A = arith.constant 25 : i32
    %lt3A_4 = arith.cmpi slt, %add3A_3, %lt3A : i32
    %convert_element_type3A = arith.extui %lt3A_4 : i1 to i32
    %cond3A = arith.constant 0 : i32
    %cond3A_5 = arith.cmpi ne, %convert_element_type3A, %cond3A : i32
    scf.if %cond3A_5 {
      %mul3A_49 = arith.constant 400 : i32
      %mul3A_50 = arith.muli %add3A_3, %mul3A_49 : i32
      %add3A_51 = arith.addi %mul3A_0, %mul3A_50 : i32
      "tpu.region"() ({
        %run_scoped3A = tpu.sem_alloc : memref<!tpu.dma_semaphore, #tpu.memory_space<semaphore_mem>>
        %dma_start3A_52 = arith.constant 0 : i32
        %dma_start3A_53 = tpu.memref_slice %arg6[%mul3A_50, %dma_start3A_52] : memref<10000x128xf32, #tpu.memory_space<vmem_shared>> -> memref<400x128xf32, #tpu.memory_space<vmem_shared>>
        %dma_start3A_54 = arith.constant 0 : i32
        %dma_start3A_55 = tpu.memref_slice %arg2[%add3A_51, %dma_start3A_54] : memref<20000x128xf32, #tpu.memory_space<hbm>> -> memref<400x128xf32, #tpu.memory_space<hbm>>
        tpu.enqueue_dma source(%dma_start3A_55 : memref<400x128xf32, #tpu.memory_space<hbm>>) target(%dma_start3A_53 : memref<400x128xf32, #tpu.memory_space<vmem_shared>>) target_semaphore(%run_scoped3A : memref<!tpu.dma_semaphore, #tpu.memory_space<semaphore_mem>>)
        %dma_wait3A_56 = arith.constant 0 : i32
        %dma_wait3A_57 = tpu.memref_slice %arg6[%mul3A_50, %dma_wait3A_56] : memref<10000x128xf32, #tpu.memory_space<vmem_shared>> -> memref<400x128xf32, #tpu.memory_space<vmem_shared>>
        %dma_wait3A_58 = arith.constant 0 : i32
        %dma_wait3A_59 = tpu.memref_slice %arg2[%add3A_51, %dma_wait3A_58] : memref<20000x128xf32, #tpu.memory_space<hbm>> -> memref<400x128xf32, #tpu.memory_space<hbm>>
        tpu.wait_dma2 semaphore(%run_scoped3A : memref<!tpu.dma_semaphore, #tpu.memory_space<semaphore_mem>>) src(%dma_wait3A_59 : memref<400x128xf32, #tpu.memory_space<hbm>>) dst(%dma_wait3A_57 : memref<400x128xf32, #tpu.memory_space<vmem_shared>>)
        tpu.yield
      }) : () -> ()
    } else {
    }
    %add3A_6 = arith.constant 16 : i32
    %add3A_7 = arith.addi %arg1, %add3A_6 : i32
    %lt3A_8 = arith.constant 25 : i32
    %lt3A_9 = arith.cmpi slt, %add3A_7, %lt3A_8 : i32
    %convert_element_type3A_10 = arith.extui %lt3A_9 : i1 to i32
    %cond3A_11 = arith.constant 0 : i32
    %cond3A_12 = arith.cmpi ne, %convert_element_type3A_10, %cond3A_11 : i32
    scf.if %cond3A_12 {
      %mul3A_49 = arith.constant 400 : i32
      %mul3A_50 = arith.muli %add3A_7, %mul3A_49 : i32
      %add3A_51 = arith.addi %mul3A_0, %mul3A_50 : i32
      "tpu.region"() ({
        %run_scoped3A = tpu.sem_alloc : memref<!tpu.dma_semaphore, #tpu.memory_space<semaphore_mem>>
        %dma_start3A_52 = arith.constant 0 : i32
        %dma_start3A_53 = tpu.memref_slice %arg6[%mul3A_50, %dma_start3A_52] : memref<10000x128xf32, #tpu.memory_space<vmem_shared>> -> memref<400x128xf32, #tpu.memory_space<vmem_shared>>
        %dma_start3A_54 = arith.constant 0 : i32
        %dma_start3A_55 = tpu.memref_slice %arg2[%add3A_51, %dma_start3A_54] : memref<20000x128xf32, #tpu.memory_space<hbm>> -> memref<400x128xf32, #tpu.memory_space<hbm>>
        tpu.enqueue_dma source(%dma_start3A_55 : memref<400x128xf32, #tpu.memory_space<hbm>>) target(%dma_start3A_53 : memref<400x128xf32, #tpu.memory_space<vmem_shared>>) target_semaphore(%run_scoped3A : memref<!tpu.dma_semaphore, #tpu.memory_space<semaphore_mem>>)
        %dma_wait3A_56 = arith.constant 0 : i32
        %dma_wait3A_57 = tpu.memref_slice %arg6[%mul3A_50, %dma_wait3A_56] : memref<10000x128xf32, #tpu.memory_space<vmem_shared>> -> memref<400x128xf32, #tpu.memory_space<vmem_shared>>
        %dma_wait3A_58 = arith.constant 0 : i32
        %dma_wait3A_59 = tpu.memref_slice %arg2[%add3A_51, %dma_wait3A_58] : memref<20000x128xf32, #tpu.memory_space<hbm>> -> memref<400x128xf32, #tpu.memory_space<hbm>>
        tpu.wait_dma2 semaphore(%run_scoped3A : memref<!tpu.dma_semaphore, #tpu.memory_space<semaphore_mem>>) src(%dma_wait3A_59 : memref<400x128xf32, #tpu.memory_space<hbm>>) dst(%dma_wait3A_57 : memref<400x128xf32, #tpu.memory_space<vmem_shared>>)
        tpu.yield
      }) : () -> ()
    } else {
    }
    %barrier3A = arith.constant 0 : index
    tpu.barrier barrier_id(%barrier3A)
    %dma_start3A = arith.constant 0 : i32
    %dma_start3A_13 = arith.constant 0 : i32
    %dma_start3A_14 = arith.constant 0 : i32
    %dma_start3A_15 = tpu.memref_slice %arg7[%dma_start3A, %dma_start3A_13, %dma_start3A_14] : memref<2x80x128xf32, #tpu.memory_space<vmem>> -> memref<1x80x128xf32, #tpu.memory_space<vmem>>
    %dma_start3A_16 = tpu.memref_squeeze %dma_start3A_15 : memref<1x80x128xf32, #tpu.memory_space<vmem>> -> memref<80x128xf32, #tpu.memory_space<vmem>>
    %dma_start3A_17 = arith.constant 0 : i32
    %dma_start3A_18 = tpu.memref_slice %arg8[%dma_start3A_17] : memref<10000xi32, #tpu.memory_space<vmem>> -> memref<80xi32, #tpu.memory_space<vmem>>
    %dma_start3A_19 = arith.constant 0 : i32
    %dma_start3A_20 = tpu.memref_slice %arg2[%mul3A_0, %dma_start3A_19] : memref<20000x128xf32, #tpu.memory_space<hbm>> -> memref<10000x128xf32, #tpu.memory_space<hbm>>
    %dma_start3A_21 = arith.constant 0 : i32
    %dma_start3A_22 = arith.constant 0 : i32
    %dma_start3A_23 = tpu.memref_slice %dma_start3A_20[%dma_start3A_21, %dma_start3A_22] : memref<10000x128xf32, #tpu.memory_space<hbm>> -> memref<10000x128xf32, #tpu.memory_space<hbm>>
    tpu.enqueue_indirect_dma source(%dma_start3A_23 : memref<10000x128xf32, #tpu.memory_space<hbm>>) target(%dma_start3A_16 : memref<80x128xf32, #tpu.memory_space<vmem>>) offsets(%dma_start3A_18 : memref<80xi32, #tpu.memory_space<vmem>>) semaphore(%arg10 : memref<!tpu.dma_semaphore, #tpu.memory_space<semaphore_mem>>)
    %scan3A = arith.constant 0 : i32
    %scan3A_24 = arith.constant 0 : i32
    %scan3A_25 = arith.constant 125 : i32
    %scan3A_26 = arith.addi %scan3A_24, %scan3A_25 : i32
    %scan3A_27 = arith.constant 1 : i32
    scf.for %scan3A_49 = %scan3A_24 to %scan3A_26 step %scan3A_27  : i32 {
      %rem3A = arith.constant 2 : i32
      %rem3A_50 = arith.remsi %scan3A_49, %rem3A : i32
      %add3A_51 = arith.constant 1 : i32
      %add3A_52 = arith.addi %scan3A_49, %add3A_51 : i32
      %lt3A_53 = arith.constant 125 : i32
      %lt3A_54 = arith.cmpi slt, %add3A_52, %lt3A_53 : i32
      %convert_element_type3A_55 = arith.extui %lt3A_54 : i1 to i32
      %cond3A_56 = arith.constant 0 : i32
      %cond3A_57 = arith.cmpi ne, %convert_element_type3A_55, %cond3A_56 : i32
      scf.if %cond3A_57 {
        %ge3A = arith.constant 1 : i32
        %ge3A_82 = arith.cmpi sge, %scan3A_49, %ge3A : i32
        %convert_element_type3A_83 = arith.extui %ge3A_82 : i1 to i32
        %cond3A_84 = arith.constant 0 : i32
        %cond3A_85 = arith.cmpi ne, %convert_element_type3A_83, %cond3A_84 : i32
        scf.if %cond3A_85 {
          %sub3A_101 = arith.constant 1 : i32
          %sub3A_102 = arith.subi %sub3A_101, %rem3A_50 : i32
          %dma_wait3A_103 = arith.constant 0 : i32
          %dma_wait3A_104 = arith.constant 0 : i32
          %dma_wait3A_105 = tpu.memref_slice %arg7[%sub3A_102, %dma_wait3A_103, %dma_wait3A_104] : memref<2x80x128xf32, #tpu.memory_space<vmem>> -> memref<1x80x128xf32, #tpu.memory_space<vmem>>
          %dma_wait3A_106 = tpu.memref_squeeze %dma_wait3A_105 : memref<1x80x128xf32, #tpu.memory_space<vmem>> -> memref<80x128xf32, #tpu.memory_space<vmem>>
          %dma_wait3A_107 = arith.constant 0 : i32
          %dma_wait3A_108 = arith.constant 0 : i32
          %dma_wait3A_109 = tpu.memref_slice %arg2[%dma_wait3A_107, %dma_wait3A_108] : memref<20000x128xf32, #tpu.memory_space<hbm>> -> memref<80x128xf32, #tpu.memory_space<hbm>>
          %dma_wait3A_110 = arith.constant 0 : i32
          %dma_wait3A_111 = arith.constant 0 : i32
          %dma_wait3A_112 = tpu.memref_slice %arg7[%sub3A_102, %dma_wait3A_110, %dma_wait3A_111] : memref<2x80x128xf32, #tpu.memory_space<vmem>> -> memref<1x80x128xf32, #tpu.memory_space<vmem>>
          %dma_wait3A_113 = tpu.memref_squeeze %dma_wait3A_112 : memref<1x80x128xf32, #tpu.memory_space<vmem>> -> memref<80x128xf32, #tpu.memory_space<vmem>>
          %dma_wait3A_114 = arith.constant 0 : i32
          %dma_wait3A_115 = arith.constant 0 : i32
          %dma_wait3A_116 = tpu.memref_slice %arg2[%dma_wait3A_114, %dma_wait3A_115] : memref<20000x128xf32, #tpu.memory_space<hbm>> -> memref<80x128xf32, #tpu.memory_space<hbm>>
          tpu.wait_dma2 semaphore(%arg11 : memref<!tpu.dma_semaphore, #tpu.memory_space<semaphore_mem>>) src(%dma_wait3A_116 : memref<80x128xf32, #tpu.memory_space<hbm>>) dst(%dma_wait3A_113 : memref<80x128xf32, #tpu.memory_space<vmem>>)
        } else {
        }
        %add3A_86 = arith.constant 1 : i32
        %add3A_87 = arith.addi %scan3A_49, %add3A_86 : i32
        %mul3A_88 = arith.constant 80 : i32
        %mul3A_89 = arith.muli %add3A_87, %mul3A_88 : i32
        %sub3A = arith.constant 1 : i32
        %sub3A_90 = arith.subi %sub3A, %rem3A_50 : i32
        %dma_start3A_91 = arith.constant 0 : i32
        %dma_start3A_92 = arith.constant 0 : i32
        %dma_start3A_93 = tpu.memref_slice %arg7[%sub3A_90, %dma_start3A_91, %dma_start3A_92] : memref<2x80x128xf32, #tpu.memory_space<vmem>> -> memref<1x80x128xf32, #tpu.memory_space<vmem>>
        %dma_start3A_94 = tpu.memref_squeeze %dma_start3A_93 : memref<1x80x128xf32, #tpu.memory_space<vmem>> -> memref<80x128xf32, #tpu.memory_space<vmem>>
        %dma_start3A_95 = tpu.memref_slice %arg8[%mul3A_89] : memref<10000xi32, #tpu.memory_space<vmem>> -> memref<80xi32, #tpu.memory_space<vmem>>
        %dma_start3A_96 = arith.constant 0 : i32
        %dma_start3A_97 = tpu.memref_slice %arg2[%mul3A_0, %dma_start3A_96] : memref<20000x128xf32, #tpu.memory_space<hbm>> -> memref<10000x128xf32, #tpu.memory_space<hbm>>
        %dma_start3A_98 = arith.constant 0 : i32
        %dma_start3A_99 = arith.constant 0 : i32
        %dma_start3A_100 = tpu.memref_slice %dma_start3A_97[%dma_start3A_98, %dma_start3A_99] : memref<10000x128xf32, #tpu.memory_space<hbm>> -> memref<10000x128xf32, #tpu.memory_space<hbm>>
        tpu.enqueue_indirect_dma source(%dma_start3A_100 : memref<10000x128xf32, #tpu.memory_space<hbm>>) target(%dma_start3A_94 : memref<80x128xf32, #tpu.memory_space<vmem>>) offsets(%dma_start3A_95 : memref<80xi32, #tpu.memory_space<vmem>>) semaphore(%arg10 : memref<!tpu.dma_semaphore, #tpu.memory_space<semaphore_mem>>)
      } else {
      }
      %dma_wait3A_58 = arith.constant 0 : i32
      %dma_wait3A_59 = arith.constant 0 : i32
      %dma_wait3A_60 = tpu.memref_slice %arg7[%rem3A_50, %dma_wait3A_58, %dma_wait3A_59] : memref<2x80x128xf32, #tpu.memory_space<vmem>> -> memref<1x80x128xf32, #tpu.memory_space<vmem>>
      %dma_wait3A_61 = tpu.memref_squeeze %dma_wait3A_60 : memref<1x80x128xf32, #tpu.memory_space<vmem>> -> memref<80x128xf32, #tpu.memory_space<vmem>>
      %dma_wait3A_62 = arith.constant 0 : i32
      %dma_wait3A_63 = arith.constant 0 : i32
      %dma_wait3A_64 = tpu.memref_slice %arg2[%dma_wait3A_62, %dma_wait3A_63] : memref<20000x128xf32, #tpu.memory_space<hbm>> -> memref<80x128xf32, #tpu.memory_space<hbm>>
      %dma_wait3A_65 = arith.constant 0 : i32
      %dma_wait3A_66 = arith.constant 0 : i32
      %dma_wait3A_67 = tpu.memref_slice %arg7[%rem3A_50, %dma_wait3A_65, %dma_wait3A_66] : memref<2x80x128xf32, #tpu.memory_space<vmem>> -> memref<1x80x128xf32, #tpu.memory_space<vmem>>
      %dma_wait3A_68 = tpu.memref_squeeze %dma_wait3A_67 : memref<1x80x128xf32, #tpu.memory_space<vmem>> -> memref<80x128xf32, #tpu.memory_space<vmem>>
      %dma_wait3A_69 = arith.constant 0 : i32
      %dma_wait3A_70 = arith.constant 0 : i32
      %dma_wait3A_71 = tpu.memref_slice %arg2[%dma_wait3A_69, %dma_wait3A_70] : memref<20000x128xf32, #tpu.memory_space<hbm>> -> memref<80x128xf32, #tpu.memory_space<hbm>>
      tpu.wait_dma2 semaphore(%arg10 : memref<!tpu.dma_semaphore, #tpu.memory_space<semaphore_mem>>) src(%dma_wait3A_71 : memref<80x128xf32, #tpu.memory_space<hbm>>) dst(%dma_wait3A_68 : memref<80x128xf32, #tpu.memory_space<vmem>>)
      %dma_start3A_72 = arith.constant 0 : i32
      %dma_start3A_73 = arith.constant 0 : i32
      %dma_start3A_74 = tpu.memref_slice %arg7[%rem3A_50, %dma_start3A_72, %dma_start3A_73] : memref<2x80x128xf32, #tpu.memory_space<vmem>> -> memref<1x80x128xf32, #tpu.memory_space<vmem>>
      %dma_start3A_75 = tpu.memref_squeeze %dma_start3A_74 : memref<1x80x128xf32, #tpu.memory_space<vmem>> -> memref<80x128xf32, #tpu.memory_space<vmem>>
      %dma_start3A_76 = arith.constant 0 : i32
      %dma_start3A_77 = tpu.memref_slice %arg9[%scan3A_49, %dma_start3A_76] : memref<125x80xi32, #tpu.memory_space<vmem>> -> memref<1x80xi32, #tpu.memory_space<vmem>>
      %dma_start3A_78 = tpu.memref_squeeze %dma_start3A_77 : memref<1x80xi32, #tpu.memory_space<vmem>> -> memref<80xi32, #tpu.memory_space<vmem>>
      %dma_start3A_79 = arith.constant 0 : i32
      %dma_start3A_80 = arith.constant 0 : i32
      %dma_start3A_81 = tpu.memref_slice %arg6[%dma_start3A_79, %dma_start3A_80] : memref<10000x128xf32, #tpu.memory_space<vmem_shared>> -> memref<10000x128xf32, #tpu.memory_space<vmem_shared>>
      tpu.enqueue_indirect_dma source(%dma_start3A_75 : memref<80x128xf32, #tpu.memory_space<vmem>>) target(%dma_start3A_81 : memref<10000x128xf32, #tpu.memory_space<vmem_shared>>) offsets(%dma_start3A_78 : memref<80xi32, #tpu.memory_space<vmem>>) semaphore(%arg11 : memref<!tpu.dma_semaphore, #tpu.memory_space<semaphore_mem>>) {add = true}
    }
    %scan3A_28 = arith.constant 125 : i32
    %dma_wait3A = arith.constant 0 : i32
    %dma_wait3A_29 = arith.constant 0 : i32
    %dma_wait3A_30 = tpu.memref_slice %arg2[%dma_wait3A, %dma_wait3A_29] : memref<20000x128xf32, #tpu.memory_space<hbm>> -> memref<160x128xf32, #tpu.memory_space<hbm>>
    %dma_wait3A_31 = arith.constant 0 : i32
    %dma_wait3A_32 = arith.constant 0 : i32
    %dma_wait3A_33 = tpu.memref_slice %arg2[%dma_wait3A_31, %dma_wait3A_32] : memref<20000x128xf32, #tpu.memory_space<hbm>> -> memref<160x128xf32, #tpu.memory_space<hbm>>
    tpu.wait_dma2 semaphore(%arg11 : memref<!tpu.dma_semaphore, #tpu.memory_space<semaphore_mem>>) src(%dma_wait3A_33 : memref<160x128xf32, #tpu.memory_space<hbm>>) dst(%arg7 : memref<2x80x128xf32, #tpu.memory_space<vmem>>)
    %barrier3A_34 = arith.constant 0 : index
    tpu.barrier barrier_id(%barrier3A_34)
    %add3A_35 = arith.constant 0 : i32
    %add3A_36 = arith.addi %arg1, %add3A_35 : i32
    %lt3A_37 = arith.constant 25 : i32
    %lt3A_38 = arith.cmpi slt, %add3A_36, %lt3A_37 : i32
    %convert_element_type3A_39 = arith.extui %lt3A_38 : i1 to i32
    %cond3A_40 = arith.constant 0 : i32
    %cond3A_41 = arith.cmpi ne, %convert_element_type3A_39, %cond3A_40 : i32
    scf.if %cond3A_41 {
      %mul3A_49 = arith.constant 400 : i32
      %mul3A_50 = arith.muli %add3A_36, %mul3A_49 : i32
      %add3A_51 = arith.addi %mul3A_0, %mul3A_50 : i32
      "tpu.region"() ({
        %run_scoped3A = tpu.sem_alloc : memref<!tpu.dma_semaphore, #tpu.memory_space<semaphore_mem>>
        %dma_start3A_52 = arith.constant 0 : i32
        %dma_start3A_53 = tpu.memref_slice %arg5[%add3A_51, %dma_start3A_52] : memref<20000x128xf32, #tpu.memory_space<hbm>> -> memref<400x128xf32, #tpu.memory_space<hbm>>
        %dma_start3A_54 = arith.constant 0 : i32
        %dma_start3A_55 = tpu.memref_slice %arg6[%mul3A_50, %dma_start3A_54] : memref<10000x128xf32, #tpu.memory_space<vmem_shared>> -> memref<400x128xf32, #tpu.memory_space<vmem_shared>>
        tpu.enqueue_dma source(%dma_start3A_55 : memref<400x128xf32, #tpu.memory_space<vmem_shared>>) target(%dma_start3A_53 : memref<400x128xf32, #tpu.memory_space<hbm>>) target_semaphore(%run_scoped3A : memref<!tpu.dma_semaphore, #tpu.memory_space<semaphore_mem>>)
        %dma_wait3A_56 = arith.constant 0 : i32
        %dma_wait3A_57 = tpu.memref_slice %arg5[%add3A_51, %dma_wait3A_56] : memref<20000x128xf32, #tpu.memory_space<hbm>> -> memref<400x128xf32, #tpu.memory_space<hbm>>
        %dma_wait3A_58 = arith.constant 0 : i32
        %dma_wait3A_59 = tpu.memref_slice %arg6[%mul3A_50, %dma_wait3A_58] : memref<10000x128xf32, #tpu.memory_space<vmem_shared>> -> memref<400x128xf32, #tpu.memory_space<vmem_shared>>
        tpu.wait_dma2 semaphore(%run_scoped3A : memref<!tpu.dma_semaphore, #tpu.memory_space<semaphore_mem>>) src(%dma_wait3A_59 : memref<400x128xf32, #tpu.memory_space<vmem_shared>>) dst(%dma_wait3A_57 : memref<400x128xf32, #tpu.memory_space<hbm>>)
        tpu.yield
      }) : () -> ()
    } else {
    }
    %add3A_42 = arith.constant 16 : i32
    %add3A_43 = arith.addi %arg1, %add3A_42 : i32
    %lt3A_44 = arith.constant 25 : i32
    %lt3A_45 = arith.cmpi slt, %add3A_43, %lt3A_44 : i32
    %convert_element_type3A_46 = arith.extui %lt3A_45 : i1 to i32
    %cond3A_47 = arith.constant 0 : i32
    %cond3A_48 = arith.cmpi ne, %convert_element_type3A_46, %cond3A_47 : i32
    scf.if %cond3A_48 {
      %mul3A_49 = arith.constant 400 : i32
      %mul3A_50 = arith.muli %add3A_43, %mul3A_49 : i32
      %add3A_51 = arith.addi %mul3A_0, %mul3A_50 : i32
      "tpu.region"() ({
        %run_scoped3A = tpu.sem_alloc : memref<!tpu.dma_semaphore, #tpu.memory_space<semaphore_mem>>
        %dma_start3A_52 = arith.constant 0 : i32
        %dma_start3A_53 = tpu.memref_slice %arg5[%add3A_51, %dma_start3A_52] : memref<20000x128xf32, #tpu.memory_space<hbm>> -> memref<400x128xf32, #tpu.memory_space<hbm>>
        %dma_start3A_54 = arith.constant 0 : i32
        %dma_start3A_55 = tpu.memref_slice %arg6[%mul3A_50, %dma_start3A_54] : memref<10000x128xf32, #tpu.memory_space<vmem_shared>> -> memref<400x128xf32, #tpu.memory_space<vmem_shared>>
        tpu.enqueue_dma source(%dma_start3A_55 : memref<400x128xf32, #tpu.memory_space<vmem_shared>>) target(%dma_start3A_53 : memref<400x128xf32, #tpu.memory_space<hbm>>) target_semaphore(%run_scoped3A : memref<!tpu.dma_semaphore, #tpu.memory_space<semaphore_mem>>)
        %dma_wait3A_56 = arith.constant 0 : i32
        %dma_wait3A_57 = tpu.memref_slice %arg5[%add3A_51, %dma_wait3A_56] : memref<20000x128xf32, #tpu.memory_space<hbm>> -> memref<400x128xf32, #tpu.memory_space<hbm>>
        %dma_wait3A_58 = arith.constant 0 : i32
        %dma_wait3A_59 = tpu.memref_slice %arg6[%mul3A_50, %dma_wait3A_58] : memref<10000x128xf32, #tpu.memory_space<vmem_shared>> -> memref<400x128xf32, #tpu.memory_space<vmem_shared>>
        tpu.wait_dma2 semaphore(%run_scoped3A : memref<!tpu.dma_semaphore, #tpu.memory_space<semaphore_mem>>) src(%dma_wait3A_59 : memref<400x128xf32, #tpu.memory_space<vmem_shared>>) dst(%dma_wait3A_57 : memref<400x128xf32, #tpu.memory_space<hbm>>)
        tpu.yield
      }) : () -> ()
    } else {
    }
    return
  }
}

#map = affine_map<(d0, d1) -> (0, 0)>
#map1 = affine_map<(d0, d1) -> (0)>
#map2 = affine_map<(d0, d1) -> (0, 0, 0)>
module attributes {stable_mosaic.version = 14 : i64} {
  func.func @_sc_scatter_body(%arg0: i32, %arg1: i32, %arg2: memref<20000x128xf32, #tpu.memory_space<hbm>>, %arg3: memref<160000xi32, #tpu.memory_space<hbm>>, %arg4: memref<16x125x80xi32, #tpu.memory_space<hbm>>, %arg5: memref<20000x128xf32, #tpu.memory_space<hbm>>, %arg6: memref<10000x128xf32, #tpu.memory_space<vmem_shared>>, %arg7: memref<2x80x128xf32, #tpu.memory_space<vmem>>, %arg8: memref<10000xi32, #tpu.memory_space<vmem>>, %arg9: memref<125x80xi32, #tpu.memory_space<vmem>>, %arg10: memref<!tpu.dma_semaphore, #tpu.memory_space<semaphore_mem>>, %arg11: memref<!tpu.dma_semaphore, #tpu.memory_space<semaphore_mem>>) attributes {dimension_semantics = [#tpu.dimension_semantics<core_parallel>, #tpu.dimension_semantics<subcore_parallel>], iteration_bounds = array<i64: 2, 16>, scalar_prefetch = 0 : i64, scratch_operands = 6 : i64, tpu.core_type = #tpu.core_type<sc_vector_subcore>, window_params = [{transform_indices = #map}, {transform_indices = #map1}, {transform_indices = #map2}, {transform_indices = #map}]} {
    %mul3A = arith.constant 10000 : i32
    %mul3A_0 = arith.muli %arg0, %mul3A : i32
    %mul3A_1 = arith.constant 10000 : i32
    %mul3A_2 = arith.muli %arg1, %mul3A_1 : i32
    "tpu.region"() ({
      %run_scoped3A = tpu.sem_alloc : memref<!tpu.dma_semaphore, #tpu.memory_space<semaphore_mem>>
      %dma_start3A_49 = tpu.memref_slice %arg3[%mul3A_2] : memref<160000xi32, #tpu.memory_space<hbm>> -> memref<10000xi32, #tpu.memory_space<hbm>>
      %dma_start3A_50 = tpu.memref_slice %arg3[%mul3A_2] : memref<160000xi32, #tpu.memory_space<hbm>> -> memref<10000xi32, #tpu.memory_space<hbm>>
      tpu.enqueue_dma source(%dma_start3A_50 : memref<10000xi32, #tpu.memory_space<hbm>>) target(%arg8 : memref<10000xi32, #tpu.memory_space<vmem>>) target_semaphore(%run_scoped3A : memref<!tpu.dma_semaphore, #tpu.memory_space<semaphore_mem>>)
      %dma_wait3A_51 = tpu.memref_slice %arg3[%mul3A_2] : memref<160000xi32, #tpu.memory_space<hbm>> -> memref<10000xi32, #tpu.memory_space<hbm>>
      %dma_wait3A_52 = tpu.memref_slice %arg3[%mul3A_2] : memref<160000xi32, #tpu.memory_space<hbm>> -> memref<10000xi32, #tpu.memory_space<hbm>>
      tpu.wait_dma2 semaphore(%run_scoped3A : memref<!tpu.dma_semaphore, #tpu.memory_space<semaphore_mem>>) src(%dma_wait3A_52 : memref<10000xi32, #tpu.memory_space<hbm>>) dst(%arg8 : memref<10000xi32, #tpu.memory_space<vmem>>)
      tpu.yield
    }) : () -> ()
    "tpu.region"() ({
      %run_scoped3A = tpu.sem_alloc : memref<!tpu.dma_semaphore, #tpu.memory_space<semaphore_mem>>
      %dma_start3A_49 = arith.constant 0 : i32
      %dma_start3A_50 = arith.constant 0 : i32
      %dma_start3A_51 = tpu.memref_slice %arg4[%arg1, %dma_start3A_49, %dma_start3A_50] : memref<16x125x80xi32, #tpu.memory_space<hbm>> -> memref<1x125x80xi32, #tpu.memory_space<hbm>>
      %dma_start3A_52 = tpu.memref_squeeze %dma_start3A_51 : memref<1x125x80xi32, #tpu.memory_space<hbm>> -> memref<125x80xi32, #tpu.memory_space<hbm>>
      %dma_start3A_53 = arith.constant 0 : i32
      %dma_start3A_54 = arith.constant 0 : i32
      %dma_start3A_55 = tpu.memref_slice %arg4[%arg1, %dma_start3A_53, %dma_start3A_54] : memref<16x125x80xi32, #tpu.memory_space<hbm>> -> memref<1x125x80xi32, #tpu.memory_space<hbm>>
      %dma_start3A_56 = tpu.memref_squeeze %dma_start3A_55 : memref<1x125x80xi32, #tpu.memory_space<hbm>> -> memref<125x80xi32, #tpu.memory_space<hbm>>
      tpu.enqueue_dma source(%dma_start3A_56 : memref<125x80xi32, #tpu.memory_space<hbm>>) target(%arg9 : memref<125x80xi32, #tpu.memory_space<vmem>>) target_semaphore(%run_scoped3A : memref<!tpu.dma_semaphore, #tpu.memory_space<semaphore_mem>>)
      %dma_wait3A_57 = arith.constant 0 : i32
      %dma_wait3A_58 = arith.constant 0 : i32
      %dma_wait3A_59 = tpu.memref_slice %arg4[%arg1, %dma_wait3A_57, %dma_wait3A_58] : memref<16x125x80xi32, #tpu.memory_space<hbm>> -> memref<1x125x80xi32, #tpu.memory_space<hbm>>
      %dma_wait3A_60 = tpu.memref_squeeze %dma_wait3A_59 : memref<1x125x80xi32, #tpu.memory_space<hbm>> -> memref<125x80xi32, #tpu.memory_space<hbm>>
      %dma_wait3A_61 = arith.constant 0 : i32
      %dma_wait3A_62 = arith.constant 0 : i32
      %dma_wait3A_63 = tpu.memref_slice %arg4[%arg1, %dma_wait3A_61, %dma_wait3A_62] : memref<16x125x80xi32, #tpu.memory_space<hbm>> -> memref<1x125x80xi32, #tpu.memory_space<hbm>>
      %dma_wait3A_64 = tpu.memref_squeeze %dma_wait3A_63 : memref<1x125x80xi32, #tpu.memory_space<hbm>> -> memref<125x80xi32, #tpu.memory_space<hbm>>
      tpu.wait_dma2 semaphore(%run_scoped3A : memref<!tpu.dma_semaphore, #tpu.memory_space<semaphore_mem>>) src(%dma_wait3A_64 : memref<125x80xi32, #tpu.memory_space<hbm>>) dst(%arg9 : memref<125x80xi32, #tpu.memory_space<vmem>>)
      tpu.yield
    }) : () -> ()
    %add3A = arith.constant 0 : i32
    %add3A_3 = arith.addi %arg1, %add3A : i32
    %lt3A = arith.constant 25 : i32
    %lt3A_4 = arith.cmpi slt, %add3A_3, %lt3A : i32
    %convert_element_type3A = arith.extui %lt3A_4 : i1 to i32
    %cond3A = arith.constant 0 : i32
    %cond3A_5 = arith.cmpi ne, %convert_element_type3A, %cond3A : i32
    scf.if %cond3A_5 {
      %mul3A_49 = arith.constant 400 : i32
      %mul3A_50 = arith.muli %add3A_3, %mul3A_49 : i32
      %add3A_51 = arith.addi %mul3A_0, %mul3A_50 : i32
      "tpu.region"() ({
        %run_scoped3A = tpu.sem_alloc : memref<!tpu.dma_semaphore, #tpu.memory_space<semaphore_mem>>
        %dma_start3A_52 = arith.constant 0 : i32
        %dma_start3A_53 = tpu.memref_slice %arg6[%mul3A_50, %dma_start3A_52] : memref<10000x128xf32, #tpu.memory_space<vmem_shared>> -> memref<400x128xf32, #tpu.memory_space<vmem_shared>>
        %dma_start3A_54 = arith.constant 0 : i32
        %dma_start3A_55 = tpu.memref_slice %arg2[%add3A_51, %dma_start3A_54] : memref<20000x128xf32, #tpu.memory_space<hbm>> -> memref<400x128xf32, #tpu.memory_space<hbm>>
        tpu.enqueue_dma source(%dma_start3A_55 : memref<400x128xf32, #tpu.memory_space<hbm>>) target(%dma_start3A_53 : memref<400x128xf32, #tpu.memory_space<vmem_shared>>) target_semaphore(%run_scoped3A : memref<!tpu.dma_semaphore, #tpu.memory_space<semaphore_mem>>)
        %dma_wait3A_56 = arith.constant 0 : i32
        %dma_wait3A_57 = tpu.memref_slice %arg6[%mul3A_50, %dma_wait3A_56] : memref<10000x128xf32, #tpu.memory_space<vmem_shared>> -> memref<400x128xf32, #tpu.memory_space<vmem_shared>>
        %dma_wait3A_58 = arith.constant 0 : i32
        %dma_wait3A_59 = tpu.memref_slice %arg2[%add3A_51, %dma_wait3A_58] : memref<20000x128xf32, #tpu.memory_space<hbm>> -> memref<400x128xf32, #tpu.memory_space<hbm>>
        tpu.wait_dma2 semaphore(%run_scoped3A : memref<!tpu.dma_semaphore, #tpu.memory_space<semaphore_mem>>) src(%dma_wait3A_59 : memref<400x128xf32, #tpu.memory_space<hbm>>) dst(%dma_wait3A_57 : memref<400x128xf32, #tpu.memory_space<vmem_shared>>)
        tpu.yield
      }) : () -> ()
    } else {
    }
    %add3A_6 = arith.constant 16 : i32
    %add3A_7 = arith.addi %arg1, %add3A_6 : i32
    %lt3A_8 = arith.constant 25 : i32
    %lt3A_9 = arith.cmpi slt, %add3A_7, %lt3A_8 : i32
    %convert_element_type3A_10 = arith.extui %lt3A_9 : i1 to i32
    %cond3A_11 = arith.constant 0 : i32
    %cond3A_12 = arith.cmpi ne, %convert_element_type3A_10, %cond3A_11 : i32
    scf.if %cond3A_12 {
      %mul3A_49 = arith.constant 400 : i32
      %mul3A_50 = arith.muli %add3A_7, %mul3A_49 : i32
      %add3A_51 = arith.addi %mul3A_0, %mul3A_50 : i32
      "tpu.region"() ({
        %run_scoped3A = tpu.sem_alloc : memref<!tpu.dma_semaphore, #tpu.memory_space<semaphore_mem>>
        %dma_start3A_52 = arith.constant 0 : i32
        %dma_start3A_53 = tpu.memref_slice %arg6[%mul3A_50, %dma_start3A_52] : memref<10000x128xf32, #tpu.memory_space<vmem_shared>> -> memref<400x128xf32, #tpu.memory_space<vmem_shared>>
        %dma_start3A_54 = arith.constant 0 : i32
        %dma_start3A_55 = tpu.memref_slice %arg2[%add3A_51, %dma_start3A_54] : memref<20000x128xf32, #tpu.memory_space<hbm>> -> memref<400x128xf32, #tpu.memory_space<hbm>>
        tpu.enqueue_dma source(%dma_start3A_55 : memref<400x128xf32, #tpu.memory_space<hbm>>) target(%dma_start3A_53 : memref<400x128xf32, #tpu.memory_space<vmem_shared>>) target_semaphore(%run_scoped3A : memref<!tpu.dma_semaphore, #tpu.memory_space<semaphore_mem>>)
        %dma_wait3A_56 = arith.constant 0 : i32
        %dma_wait3A_57 = tpu.memref_slice %arg6[%mul3A_50, %dma_wait3A_56] : memref<10000x128xf32, #tpu.memory_space<vmem_shared>> -> memref<400x128xf32, #tpu.memory_space<vmem_shared>>
        %dma_wait3A_58 = arith.constant 0 : i32
        %dma_wait3A_59 = tpu.memref_slice %arg2[%add3A_51, %dma_wait3A_58] : memref<20000x128xf32, #tpu.memory_space<hbm>> -> memref<400x128xf32, #tpu.memory_space<hbm>>
        tpu.wait_dma2 semaphore(%run_scoped3A : memref<!tpu.dma_semaphore, #tpu.memory_space<semaphore_mem>>) src(%dma_wait3A_59 : memref<400x128xf32, #tpu.memory_space<hbm>>) dst(%dma_wait3A_57 : memref<400x128xf32, #tpu.memory_space<vmem_shared>>)
        tpu.yield
      }) : () -> ()
    } else {
    }
    %barrier3A = arith.constant 0 : index
    tpu.barrier barrier_id(%barrier3A)
    %dma_start3A = arith.constant 0 : i32
    %dma_start3A_13 = arith.constant 0 : i32
    %dma_start3A_14 = arith.constant 0 : i32
    %dma_start3A_15 = tpu.memref_slice %arg7[%dma_start3A, %dma_start3A_13, %dma_start3A_14] : memref<2x80x128xf32, #tpu.memory_space<vmem>> -> memref<1x80x128xf32, #tpu.memory_space<vmem>>
    %dma_start3A_16 = tpu.memref_squeeze %dma_start3A_15 : memref<1x80x128xf32, #tpu.memory_space<vmem>> -> memref<80x128xf32, #tpu.memory_space<vmem>>
    %dma_start3A_17 = arith.constant 0 : i32
    %dma_start3A_18 = tpu.memref_slice %arg8[%dma_start3A_17] : memref<10000xi32, #tpu.memory_space<vmem>> -> memref<80xi32, #tpu.memory_space<vmem>>
    %dma_start3A_19 = arith.constant 0 : i32
    %dma_start3A_20 = tpu.memref_slice %arg2[%mul3A_0, %dma_start3A_19] : memref<20000x128xf32, #tpu.memory_space<hbm>> -> memref<10000x128xf32, #tpu.memory_space<hbm>>
    %dma_start3A_21 = arith.constant 0 : i32
    %dma_start3A_22 = arith.constant 0 : i32
    %dma_start3A_23 = tpu.memref_slice %dma_start3A_20[%dma_start3A_21, %dma_start3A_22] : memref<10000x128xf32, #tpu.memory_space<hbm>> -> memref<10000x128xf32, #tpu.memory_space<hbm>>
    tpu.enqueue_indirect_dma source(%dma_start3A_23 : memref<10000x128xf32, #tpu.memory_space<hbm>>) target(%dma_start3A_16 : memref<80x128xf32, #tpu.memory_space<vmem>>) offsets(%dma_start3A_18 : memref<80xi32, #tpu.memory_space<vmem>>) semaphore(%arg10 : memref<!tpu.dma_semaphore, #tpu.memory_space<semaphore_mem>>)
    %scan3A = arith.constant 0 : i32
    %scan3A_24 = arith.constant 0 : i32
    %scan3A_25 = arith.constant 125 : i32
    %scan3A_26 = arith.addi %scan3A_24, %scan3A_25 : i32
    %scan3A_27 = arith.constant 1 : i32
    scf.for %scan3A_49 = %scan3A_24 to %scan3A_26 step %scan3A_27  : i32 {
      %rem3A = arith.constant 2 : i32
      %rem3A_50 = arith.remsi %scan3A_49, %rem3A : i32
      %add3A_51 = arith.constant 1 : i32
      %add3A_52 = arith.addi %scan3A_49, %add3A_51 : i32
      %lt3A_53 = arith.constant 125 : i32
      %lt3A_54 = arith.cmpi slt, %add3A_52, %lt3A_53 : i32
      %convert_element_type3A_55 = arith.extui %lt3A_54 : i1 to i32
      %cond3A_56 = arith.constant 0 : i32
      %cond3A_57 = arith.cmpi ne, %convert_element_type3A_55, %cond3A_56 : i32
      scf.if %cond3A_57 {
        %ge3A = arith.constant 1 : i32
        %ge3A_82 = arith.cmpi sge, %scan3A_49, %ge3A : i32
        %convert_element_type3A_83 = arith.extui %ge3A_82 : i1 to i32
        %cond3A_84 = arith.constant 0 : i32
        %cond3A_85 = arith.cmpi ne, %convert_element_type3A_83, %cond3A_84 : i32
        scf.if %cond3A_85 {
          %sub3A_101 = arith.constant 1 : i32
          %sub3A_102 = arith.subi %sub3A_101, %rem3A_50 : i32
          %dma_wait3A_103 = arith.constant 0 : i32
          %dma_wait3A_104 = arith.constant 0 : i32
          %dma_wait3A_105 = tpu.memref_slice %arg7[%sub3A_102, %dma_wait3A_103, %dma_wait3A_104] : memref<2x80x128xf32, #tpu.memory_space<vmem>> -> memref<1x80x128xf32, #tpu.memory_space<vmem>>
          %dma_wait3A_106 = tpu.memref_squeeze %dma_wait3A_105 : memref<1x80x128xf32, #tpu.memory_space<vmem>> -> memref<80x128xf32, #tpu.memory_space<vmem>>
          %dma_wait3A_107 = arith.constant 0 : i32
          %dma_wait3A_108 = arith.constant 0 : i32
          %dma_wait3A_109 = tpu.memref_slice %arg2[%dma_wait3A_107, %dma_wait3A_108] : memref<20000x128xf32, #tpu.memory_space<hbm>> -> memref<80x128xf32, #tpu.memory_space<hbm>>
          %dma_wait3A_110 = arith.constant 0 : i32
          %dma_wait3A_111 = arith.constant 0 : i32
          %dma_wait3A_112 = tpu.memref_slice %arg7[%sub3A_102, %dma_wait3A_110, %dma_wait3A_111] : memref<2x80x128xf32, #tpu.memory_space<vmem>> -> memref<1x80x128xf32, #tpu.memory_space<vmem>>
          %dma_wait3A_113 = tpu.memref_squeeze %dma_wait3A_112 : memref<1x80x128xf32, #tpu.memory_space<vmem>> -> memref<80x128xf32, #tpu.memory_space<vmem>>
          %dma_wait3A_114 = arith.constant 0 : i32
          %dma_wait3A_115 = arith.constant 0 : i32
          %dma_wait3A_116 = tpu.memref_slice %arg2[%dma_wait3A_114, %dma_wait3A_115] : memref<20000x128xf32, #tpu.memory_space<hbm>> -> memref<80x128xf32, #tpu.memory_space<hbm>>
          tpu.wait_dma2 semaphore(%arg11 : memref<!tpu.dma_semaphore, #tpu.memory_space<semaphore_mem>>) src(%dma_wait3A_116 : memref<80x128xf32, #tpu.memory_space<hbm>>) dst(%dma_wait3A_113 : memref<80x128xf32, #tpu.memory_space<vmem>>)
        } else {
        }
        %add3A_86 = arith.constant 1 : i32
        %add3A_87 = arith.addi %scan3A_49, %add3A_86 : i32
        %mul3A_88 = arith.constant 80 : i32
        %mul3A_89 = arith.muli %add3A_87, %mul3A_88 : i32
        %sub3A = arith.constant 1 : i32
        %sub3A_90 = arith.subi %sub3A, %rem3A_50 : i32
        %dma_start3A_91 = arith.constant 0 : i32
        %dma_start3A_92 = arith.constant 0 : i32
        %dma_start3A_93 = tpu.memref_slice %arg7[%sub3A_90, %dma_start3A_91, %dma_start3A_92] : memref<2x80x128xf32, #tpu.memory_space<vmem>> -> memref<1x80x128xf32, #tpu.memory_space<vmem>>
        %dma_start3A_94 = tpu.memref_squeeze %dma_start3A_93 : memref<1x80x128xf32, #tpu.memory_space<vmem>> -> memref<80x128xf32, #tpu.memory_space<vmem>>
        %dma_start3A_95 = tpu.memref_slice %arg8[%mul3A_89] : memref<10000xi32, #tpu.memory_space<vmem>> -> memref<80xi32, #tpu.memory_space<vmem>>
        %dma_start3A_96 = arith.constant 0 : i32
        %dma_start3A_97 = tpu.memref_slice %arg2[%mul3A_0, %dma_start3A_96] : memref<20000x128xf32, #tpu.memory_space<hbm>> -> memref<10000x128xf32, #tpu.memory_space<hbm>>
        %dma_start3A_98 = arith.constant 0 : i32
        %dma_start3A_99 = arith.constant 0 : i32
        %dma_start3A_100 = tpu.memref_slice %dma_start3A_97[%dma_start3A_98, %dma_start3A_99] : memref<10000x128xf32, #tpu.memory_space<hbm>> -> memref<10000x128xf32, #tpu.memory_space<hbm>>
        tpu.enqueue_indirect_dma source(%dma_start3A_100 : memref<10000x128xf32, #tpu.memory_space<hbm>>) target(%dma_start3A_94 : memref<80x128xf32, #tpu.memory_space<vmem>>) offsets(%dma_start3A_95 : memref<80xi32, #tpu.memory_space<vmem>>) semaphore(%arg10 : memref<!tpu.dma_semaphore, #tpu.memory_space<semaphore_mem>>)
      } else {
      }
      %dma_wait3A_58 = arith.constant 0 : i32
      %dma_wait3A_59 = arith.constant 0 : i32
      %dma_wait3A_60 = tpu.memref_slice %arg7[%rem3A_50, %dma_wait3A_58, %dma_wait3A_59] : memref<2x80x128xf32, #tpu.memory_space<vmem>> -> memref<1x80x128xf32, #tpu.memory_space<vmem>>
      %dma_wait3A_61 = tpu.memref_squeeze %dma_wait3A_60 : memref<1x80x128xf32, #tpu.memory_space<vmem>> -> memref<80x128xf32, #tpu.memory_space<vmem>>
      %dma_wait3A_62 = arith.constant 0 : i32
      %dma_wait3A_63 = arith.constant 0 : i32
      %dma_wait3A_64 = tpu.memref_slice %arg2[%dma_wait3A_62, %dma_wait3A_63] : memref<20000x128xf32, #tpu.memory_space<hbm>> -> memref<80x128xf32, #tpu.memory_space<hbm>>
      %dma_wait3A_65 = arith.constant 0 : i32
      %dma_wait3A_66 = arith.constant 0 : i32
      %dma_wait3A_67 = tpu.memref_slice %arg7[%rem3A_50, %dma_wait3A_65, %dma_wait3A_66] : memref<2x80x128xf32, #tpu.memory_space<vmem>> -> memref<1x80x128xf32, #tpu.memory_space<vmem>>
      %dma_wait3A_68 = tpu.memref_squeeze %dma_wait3A_67 : memref<1x80x128xf32, #tpu.memory_space<vmem>> -> memref<80x128xf32, #tpu.memory_space<vmem>>
      %dma_wait3A_69 = arith.constant 0 : i32
      %dma_wait3A_70 = arith.constant 0 : i32
      %dma_wait3A_71 = tpu.memref_slice %arg2[%dma_wait3A_69, %dma_wait3A_70] : memref<20000x128xf32, #tpu.memory_space<hbm>> -> memref<80x128xf32, #tpu.memory_space<hbm>>
      tpu.wait_dma2 semaphore(%arg10 : memref<!tpu.dma_semaphore, #tpu.memory_space<semaphore_mem>>) src(%dma_wait3A_71 : memref<80x128xf32, #tpu.memory_space<hbm>>) dst(%dma_wait3A_68 : memref<80x128xf32, #tpu.memory_space<vmem>>)
      %dma_start3A_72 = arith.constant 0 : i32
      %dma_start3A_73 = arith.constant 0 : i32
      %dma_start3A_74 = tpu.memref_slice %arg7[%rem3A_50, %dma_start3A_72, %dma_start3A_73] : memref<2x80x128xf32, #tpu.memory_space<vmem>> -> memref<1x80x128xf32, #tpu.memory_space<vmem>>
      %dma_start3A_75 = tpu.memref_squeeze %dma_start3A_74 : memref<1x80x128xf32, #tpu.memory_space<vmem>> -> memref<80x128xf32, #tpu.memory_space<vmem>>
      %dma_start3A_76 = arith.constant 0 : i32
      %dma_start3A_77 = tpu.memref_slice %arg9[%scan3A_49, %dma_start3A_76] : memref<125x80xi32, #tpu.memory_space<vmem>> -> memref<1x80xi32, #tpu.memory_space<vmem>>
      %dma_start3A_78 = tpu.memref_squeeze %dma_start3A_77 : memref<1x80xi32, #tpu.memory_space<vmem>> -> memref<80xi32, #tpu.memory_space<vmem>>
      %dma_start3A_79 = arith.constant 0 : i32
      %dma_start3A_80 = arith.constant 0 : i32
      %dma_start3A_81 = tpu.memref_slice %arg6[%dma_start3A_79, %dma_start3A_80] : memref<10000x128xf32, #tpu.memory_space<vmem_shared>> -> memref<10000x128xf32, #tpu.memory_space<vmem_shared>>
      tpu.enqueue_indirect_dma source(%dma_start3A_75 : memref<80x128xf32, #tpu.memory_space<vmem>>) target(%dma_start3A_81 : memref<10000x128xf32, #tpu.memory_space<vmem_shared>>) offsets(%dma_start3A_78 : memref<80xi32, #tpu.memory_space<vmem>>) semaphore(%arg11 : memref<!tpu.dma_semaphore, #tpu.memory_space<semaphore_mem>>) {add = true}
    }
    %scan3A_28 = arith.constant 125 : i32
    %dma_wait3A = arith.constant 0 : i32
    %dma_wait3A_29 = arith.constant 0 : i32
    %dma_wait3A_30 = tpu.memref_slice %arg2[%dma_wait3A, %dma_wait3A_29] : memref<20000x128xf32, #tpu.memory_space<hbm>> -> memref<160x128xf32, #tpu.memory_space<hbm>>
    %dma_wait3A_31 = arith.constant 0 : i32
    %dma_wait3A_32 = arith.constant 0 : i32
    %dma_wait3A_33 = tpu.memref_slice %arg2[%dma_wait3A_31, %dma_wait3A_32] : memref<20000x128xf32, #tpu.memory_space<hbm>> -> memref<160x128xf32, #tpu.memory_space<hbm>>
    tpu.wait_dma2 semaphore(%arg11 : memref<!tpu.dma_semaphore, #tpu.memory_space<semaphore_mem>>) src(%dma_wait3A_33 : memref<160x128xf32, #tpu.memory_space<hbm>>) dst(%arg7 : memref<2x80x128xf32, #tpu.memory_space<vmem>>)
    %barrier3A_34 = arith.constant 0 : index
    tpu.barrier barrier_id(%barrier3A_34)
    %add3A_35 = arith.constant 0 : i32
    %add3A_36 = arith.addi %arg1, %add3A_35 : i32
    %lt3A_37 = arith.constant 25 : i32
    %lt3A_38 = arith.cmpi slt, %add3A_36, %lt3A_37 : i32
    %convert_element_type3A_39 = arith.extui %lt3A_38 : i1 to i32
    %cond3A_40 = arith.constant 0 : i32
    %cond3A_41 = arith.cmpi ne, %convert_element_type3A_39, %cond3A_40 : i32
    scf.if %cond3A_41 {
      %mul3A_49 = arith.constant 400 : i32
      %mul3A_50 = arith.muli %add3A_36, %mul3A_49 : i32
      %add3A_51 = arith.addi %mul3A_0, %mul3A_50 : i32
      "tpu.region"() ({
        %run_scoped3A = tpu.sem_alloc : memref<!tpu.dma_semaphore, #tpu.memory_space<semaphore_mem>>
        %dma_start3A_52 = arith.constant 0 : i32
        %dma_start3A_53 = tpu.memref_slice %arg5[%add3A_51, %dma_start3A_52] : memref<20000x128xf32, #tpu.memory_space<hbm>> -> memref<400x128xf32, #tpu.memory_space<hbm>>
        %dma_start3A_54 = arith.constant 0 : i32
        %dma_start3A_55 = tpu.memref_slice %arg6[%mul3A_50, %dma_start3A_54] : memref<10000x128xf32, #tpu.memory_space<vmem_shared>> -> memref<400x128xf32, #tpu.memory_space<vmem_shared>>
        tpu.enqueue_dma source(%dma_start3A_55 : memref<400x128xf32, #tpu.memory_space<vmem_shared>>) target(%dma_start3A_53 : memref<400x128xf32, #tpu.memory_space<hbm>>) target_semaphore(%run_scoped3A : memref<!tpu.dma_semaphore, #tpu.memory_space<semaphore_mem>>)
        %dma_wait3A_56 = arith.constant 0 : i32
        %dma_wait3A_57 = tpu.memref_slice %arg5[%add3A_51, %dma_wait3A_56] : memref<20000x128xf32, #tpu.memory_space<hbm>> -> memref<400x128xf32, #tpu.memory_space<hbm>>
        %dma_wait3A_58 = arith.constant 0 : i32
        %dma_wait3A_59 = tpu.memref_slice %arg6[%mul3A_50, %dma_wait3A_58] : memref<10000x128xf32, #tpu.memory_space<vmem_shared>> -> memref<400x128xf32, #tpu.memory_space<vmem_shared>>
        tpu.wait_dma2 semaphore(%run_scoped3A : memref<!tpu.dma_semaphore, #tpu.memory_space<semaphore_mem>>) src(%dma_wait3A_59 : memref<400x128xf32, #tpu.memory_space<vmem_shared>>) dst(%dma_wait3A_57 : memref<400x128xf32, #tpu.memory_space<hbm>>)
        tpu.yield
      }) : () -> ()
    } else {
    }
    %add3A_42 = arith.constant 16 : i32
    %add3A_43 = arith.addi %arg1, %add3A_42 : i32
    %lt3A_44 = arith.constant 25 : i32
    %lt3A_45 = arith.cmpi slt, %add3A_43, %lt3A_44 : i32
    %convert_element_type3A_46 = arith.extui %lt3A_45 : i1 to i32
    %cond3A_47 = arith.constant 0 : i32
    %cond3A_48 = arith.cmpi ne, %convert_element_type3A_46, %cond3A_47 : i32
    scf.if %cond3A_48 {
      %mul3A_49 = arith.constant 400 : i32
      %mul3A_50 = arith.muli %add3A_43, %mul3A_49 : i32
      %add3A_51 = arith.addi %mul3A_0, %mul3A_50 : i32
      "tpu.region"() ({
        %run_scoped3A = tpu.sem_alloc : memref<!tpu.dma_semaphore, #tpu.memory_space<semaphore_mem>>
        %dma_start3A_52 = arith.constant 0 : i32
        %dma_start3A_53 = tpu.memref_slice %arg5[%add3A_51, %dma_start3A_52] : memref<20000x128xf32, #tpu.memory_space<hbm>> -> memref<400x128xf32, #tpu.memory_space<hbm>>
        %dma_start3A_54 = arith.constant 0 : i32
        %dma_start3A_55 = tpu.memref_slice %arg6[%mul3A_50, %dma_start3A_54] : memref<10000x128xf32, #tpu.memory_space<vmem_shared>> -> memref<400x128xf32, #tpu.memory_space<vmem_shared>>
        tpu.enqueue_dma source(%dma_start3A_55 : memref<400x128xf32, #tpu.memory_space<vmem_shared>>) target(%dma_start3A_53 : memref<400x128xf32, #tpu.memory_space<hbm>>) target_semaphore(%run_scoped3A : memref<!tpu.dma_semaphore, #tpu.memory_space<semaphore_mem>>)
        %dma_wait3A_56 = arith.constant 0 : i32
        %dma_wait3A_57 = tpu.memref_slice %arg5[%add3A_51, %dma_wait3A_56] : memref<20000x128xf32, #tpu.memory_space<hbm>> -> memref<400x128xf32, #tpu.memory_space<hbm>>
        %dma_wait3A_58 = arith.constant 0 : i32
        %dma_wait3A_59 = tpu.memref_slice %arg6[%mul3A_50, %dma_wait3A_58] : memref<10000x128xf32, #tpu.memory_space<vmem_shared>> -> memref<400x128xf32, #tpu.memory_space<vmem_shared>>
        tpu.wait_dma2 semaphore(%run_scoped3A : memref<!tpu.dma_semaphore, #tpu.memory_space<semaphore_mem>>) src(%dma_wait3A_59 : memref<400x128xf32, #tpu.memory_space<vmem_shared>>) dst(%dma_wait3A_57 : memref<400x128xf32, #tpu.memory_space<hbm>>)
        tpu.yield
      }) : () -> ()
    } else {
    }
    return
  }
}

#map = affine_map<(d0, d1) -> (0, 0)>
#map1 = affine_map<(d0, d1) -> (0)>
#map2 = affine_map<(d0, d1) -> (0, 0, 0)>
module attributes {stable_mosaic.version = 14 : i64} {
  func.func @_sc_scatter_body(%arg0: i32, %arg1: i32, %arg2: memref<20000x128xf32, #tpu.memory_space<hbm>>, %arg3: memref<160000xi32, #tpu.memory_space<hbm>>, %arg4: memref<16x125x80xi32, #tpu.memory_space<hbm>>, %arg5: memref<20000x128xf32, #tpu.memory_space<hbm>>, %arg6: memref<10000x128xf32, #tpu.memory_space<vmem_shared>>, %arg7: memref<2x80x128xf32, #tpu.memory_space<vmem>>, %arg8: memref<10000xi32, #tpu.memory_space<vmem>>, %arg9: memref<125x80xi32, #tpu.memory_space<vmem>>, %arg10: memref<!tpu.dma_semaphore, #tpu.memory_space<semaphore_mem>>, %arg11: memref<!tpu.dma_semaphore, #tpu.memory_space<semaphore_mem>>) attributes {dimension_semantics = [#tpu.dimension_semantics<core_parallel>, #tpu.dimension_semantics<subcore_parallel>], iteration_bounds = array<i64: 2, 16>, scalar_prefetch = 0 : i64, scratch_operands = 6 : i64, tpu.core_type = #tpu.core_type<sc_vector_subcore>, window_params = [{transform_indices = #map}, {transform_indices = #map1}, {transform_indices = #map2}, {transform_indices = #map}]} {
    %mul3A = arith.constant 10000 : i32
    %mul3A_0 = arith.muli %arg0, %mul3A : i32
    %mul3A_1 = arith.constant 10000 : i32
    %mul3A_2 = arith.muli %arg1, %mul3A_1 : i32
    "tpu.region"() ({
      %run_scoped3A = tpu.sem_alloc : memref<!tpu.dma_semaphore, #tpu.memory_space<semaphore_mem>>
      %dma_start3A_49 = tpu.memref_slice %arg3[%mul3A_2] : memref<160000xi32, #tpu.memory_space<hbm>> -> memref<10000xi32, #tpu.memory_space<hbm>>
      %dma_start3A_50 = tpu.memref_slice %arg3[%mul3A_2] : memref<160000xi32, #tpu.memory_space<hbm>> -> memref<10000xi32, #tpu.memory_space<hbm>>
      tpu.enqueue_dma source(%dma_start3A_50 : memref<10000xi32, #tpu.memory_space<hbm>>) target(%arg8 : memref<10000xi32, #tpu.memory_space<vmem>>) target_semaphore(%run_scoped3A : memref<!tpu.dma_semaphore, #tpu.memory_space<semaphore_mem>>)
      %dma_wait3A_51 = tpu.memref_slice %arg3[%mul3A_2] : memref<160000xi32, #tpu.memory_space<hbm>> -> memref<10000xi32, #tpu.memory_space<hbm>>
      %dma_wait3A_52 = tpu.memref_slice %arg3[%mul3A_2] : memref<160000xi32, #tpu.memory_space<hbm>> -> memref<10000xi32, #tpu.memory_space<hbm>>
      tpu.wait_dma2 semaphore(%run_scoped3A : memref<!tpu.dma_semaphore, #tpu.memory_space<semaphore_mem>>) src(%dma_wait3A_52 : memref<10000xi32, #tpu.memory_space<hbm>>) dst(%arg8 : memref<10000xi32, #tpu.memory_space<vmem>>)
      tpu.yield
    }) : () -> ()
    "tpu.region"() ({
      %run_scoped3A = tpu.sem_alloc : memref<!tpu.dma_semaphore, #tpu.memory_space<semaphore_mem>>
      %dma_start3A_49 = arith.constant 0 : i32
      %dma_start3A_50 = arith.constant 0 : i32
      %dma_start3A_51 = tpu.memref_slice %arg4[%arg1, %dma_start3A_49, %dma_start3A_50] : memref<16x125x80xi32, #tpu.memory_space<hbm>> -> memref<1x125x80xi32, #tpu.memory_space<hbm>>
      %dma_start3A_52 = tpu.memref_squeeze %dma_start3A_51 : memref<1x125x80xi32, #tpu.memory_space<hbm>> -> memref<125x80xi32, #tpu.memory_space<hbm>>
      %dma_start3A_53 = arith.constant 0 : i32
      %dma_start3A_54 = arith.constant 0 : i32
      %dma_start3A_55 = tpu.memref_slice %arg4[%arg1, %dma_start3A_53, %dma_start3A_54] : memref<16x125x80xi32, #tpu.memory_space<hbm>> -> memref<1x125x80xi32, #tpu.memory_space<hbm>>
      %dma_start3A_56 = tpu.memref_squeeze %dma_start3A_55 : memref<1x125x80xi32, #tpu.memory_space<hbm>> -> memref<125x80xi32, #tpu.memory_space<hbm>>
      tpu.enqueue_dma source(%dma_start3A_56 : memref<125x80xi32, #tpu.memory_space<hbm>>) target(%arg9 : memref<125x80xi32, #tpu.memory_space<vmem>>) target_semaphore(%run_scoped3A : memref<!tpu.dma_semaphore, #tpu.memory_space<semaphore_mem>>)
      %dma_wait3A_57 = arith.constant 0 : i32
      %dma_wait3A_58 = arith.constant 0 : i32
      %dma_wait3A_59 = tpu.memref_slice %arg4[%arg1, %dma_wait3A_57, %dma_wait3A_58] : memref<16x125x80xi32, #tpu.memory_space<hbm>> -> memref<1x125x80xi32, #tpu.memory_space<hbm>>
      %dma_wait3A_60 = tpu.memref_squeeze %dma_wait3A_59 : memref<1x125x80xi32, #tpu.memory_space<hbm>> -> memref<125x80xi32, #tpu.memory_space<hbm>>
      %dma_wait3A_61 = arith.constant 0 : i32
      %dma_wait3A_62 = arith.constant 0 : i32
      %dma_wait3A_63 = tpu.memref_slice %arg4[%arg1, %dma_wait3A_61, %dma_wait3A_62] : memref<16x125x80xi32, #tpu.memory_space<hbm>> -> memref<1x125x80xi32, #tpu.memory_space<hbm>>
      %dma_wait3A_64 = tpu.memref_squeeze %dma_wait3A_63 : memref<1x125x80xi32, #tpu.memory_space<hbm>> -> memref<125x80xi32, #tpu.memory_space<hbm>>
      tpu.wait_dma2 semaphore(%run_scoped3A : memref<!tpu.dma_semaphore, #tpu.memory_space<semaphore_mem>>) src(%dma_wait3A_64 : memref<125x80xi32, #tpu.memory_space<hbm>>) dst(%arg9 : memref<125x80xi32, #tpu.memory_space<vmem>>)
      tpu.yield
    }) : () -> ()
    %add3A = arith.constant 0 : i32
    %add3A_3 = arith.addi %arg1, %add3A : i32
    %lt3A = arith.constant 25 : i32
    %lt3A_4 = arith.cmpi slt, %add3A_3, %lt3A : i32
    %convert_element_type3A = arith.extui %lt3A_4 : i1 to i32
    %cond3A = arith.constant 0 : i32
    %cond3A_5 = arith.cmpi ne, %convert_element_type3A, %cond3A : i32
    scf.if %cond3A_5 {
      %mul3A_49 = arith.constant 400 : i32
      %mul3A_50 = arith.muli %add3A_3, %mul3A_49 : i32
      %add3A_51 = arith.addi %mul3A_0, %mul3A_50 : i32
      "tpu.region"() ({
        %run_scoped3A = tpu.sem_alloc : memref<!tpu.dma_semaphore, #tpu.memory_space<semaphore_mem>>
        %dma_start3A_52 = arith.constant 0 : i32
        %dma_start3A_53 = tpu.memref_slice %arg6[%mul3A_50, %dma_start3A_52] : memref<10000x128xf32, #tpu.memory_space<vmem_shared>> -> memref<400x128xf32, #tpu.memory_space<vmem_shared>>
        %dma_start3A_54 = arith.constant 0 : i32
        %dma_start3A_55 = tpu.memref_slice %arg2[%add3A_51, %dma_start3A_54] : memref<20000x128xf32, #tpu.memory_space<hbm>> -> memref<400x128xf32, #tpu.memory_space<hbm>>
        tpu.enqueue_dma source(%dma_start3A_55 : memref<400x128xf32, #tpu.memory_space<hbm>>) target(%dma_start3A_53 : memref<400x128xf32, #tpu.memory_space<vmem_shared>>) target_semaphore(%run_scoped3A : memref<!tpu.dma_semaphore, #tpu.memory_space<semaphore_mem>>)
        %dma_wait3A_56 = arith.constant 0 : i32
        %dma_wait3A_57 = tpu.memref_slice %arg6[%mul3A_50, %dma_wait3A_56] : memref<10000x128xf32, #tpu.memory_space<vmem_shared>> -> memref<400x128xf32, #tpu.memory_space<vmem_shared>>
        %dma_wait3A_58 = arith.constant 0 : i32
        %dma_wait3A_59 = tpu.memref_slice %arg2[%add3A_51, %dma_wait3A_58] : memref<20000x128xf32, #tpu.memory_space<hbm>> -> memref<400x128xf32, #tpu.memory_space<hbm>>
        tpu.wait_dma2 semaphore(%run_scoped3A : memref<!tpu.dma_semaphore, #tpu.memory_space<semaphore_mem>>) src(%dma_wait3A_59 : memref<400x128xf32, #tpu.memory_space<hbm>>) dst(%dma_wait3A_57 : memref<400x128xf32, #tpu.memory_space<vmem_shared>>)
        tpu.yield
      }) : () -> ()
    } else {
    }
    %add3A_6 = arith.constant 16 : i32
    %add3A_7 = arith.addi %arg1, %add3A_6 : i32
    %lt3A_8 = arith.constant 25 : i32
    %lt3A_9 = arith.cmpi slt, %add3A_7, %lt3A_8 : i32
    %convert_element_type3A_10 = arith.extui %lt3A_9 : i1 to i32
    %cond3A_11 = arith.constant 0 : i32
    %cond3A_12 = arith.cmpi ne, %convert_element_type3A_10, %cond3A_11 : i32
    scf.if %cond3A_12 {
      %mul3A_49 = arith.constant 400 : i32
      %mul3A_50 = arith.muli %add3A_7, %mul3A_49 : i32
      %add3A_51 = arith.addi %mul3A_0, %mul3A_50 : i32
      "tpu.region"() ({
        %run_scoped3A = tpu.sem_alloc : memref<!tpu.dma_semaphore, #tpu.memory_space<semaphore_mem>>
        %dma_start3A_52 = arith.constant 0 : i32
        %dma_start3A_53 = tpu.memref_slice %arg6[%mul3A_50, %dma_start3A_52] : memref<10000x128xf32, #tpu.memory_space<vmem_shared>> -> memref<400x128xf32, #tpu.memory_space<vmem_shared>>
        %dma_start3A_54 = arith.constant 0 : i32
        %dma_start3A_55 = tpu.memref_slice %arg2[%add3A_51, %dma_start3A_54] : memref<20000x128xf32, #tpu.memory_space<hbm>> -> memref<400x128xf32, #tpu.memory_space<hbm>>
        tpu.enqueue_dma source(%dma_start3A_55 : memref<400x128xf32, #tpu.memory_space<hbm>>) target(%dma_start3A_53 : memref<400x128xf32, #tpu.memory_space<vmem_shared>>) target_semaphore(%run_scoped3A : memref<!tpu.dma_semaphore, #tpu.memory_space<semaphore_mem>>)
        %dma_wait3A_56 = arith.constant 0 : i32
        %dma_wait3A_57 = tpu.memref_slice %arg6[%mul3A_50, %dma_wait3A_56] : memref<10000x128xf32, #tpu.memory_space<vmem_shared>> -> memref<400x128xf32, #tpu.memory_space<vmem_shared>>
        %dma_wait3A_58 = arith.constant 0 : i32
        %dma_wait3A_59 = tpu.memref_slice %arg2[%add3A_51, %dma_wait3A_58] : memref<20000x128xf32, #tpu.memory_space<hbm>> -> memref<400x128xf32, #tpu.memory_space<hbm>>
        tpu.wait_dma2 semaphore(%run_scoped3A : memref<!tpu.dma_semaphore, #tpu.memory_space<semaphore_mem>>) src(%dma_wait3A_59 : memref<400x128xf32, #tpu.memory_space<hbm>>) dst(%dma_wait3A_57 : memref<400x128xf32, #tpu.memory_space<vmem_shared>>)
        tpu.yield
      }) : () -> ()
    } else {
    }
    %barrier3A = arith.constant 0 : index
    tpu.barrier barrier_id(%barrier3A)
    %dma_start3A = arith.constant 0 : i32
    %dma_start3A_13 = arith.constant 0 : i32
    %dma_start3A_14 = arith.constant 0 : i32
    %dma_start3A_15 = tpu.memref_slice %arg7[%dma_start3A, %dma_start3A_13, %dma_start3A_14] : memref<2x80x128xf32, #tpu.memory_space<vmem>> -> memref<1x80x128xf32, #tpu.memory_space<vmem>>
    %dma_start3A_16 = tpu.memref_squeeze %dma_start3A_15 : memref<1x80x128xf32, #tpu.memory_space<vmem>> -> memref<80x128xf32, #tpu.memory_space<vmem>>
    %dma_start3A_17 = arith.constant 0 : i32
    %dma_start3A_18 = tpu.memref_slice %arg8[%dma_start3A_17] : memref<10000xi32, #tpu.memory_space<vmem>> -> memref<80xi32, #tpu.memory_space<vmem>>
    %dma_start3A_19 = arith.constant 0 : i32
    %dma_start3A_20 = tpu.memref_slice %arg2[%mul3A_0, %dma_start3A_19] : memref<20000x128xf32, #tpu.memory_space<hbm>> -> memref<10000x128xf32, #tpu.memory_space<hbm>>
    %dma_start3A_21 = arith.constant 0 : i32
    %dma_start3A_22 = arith.constant 0 : i32
    %dma_start3A_23 = tpu.memref_slice %dma_start3A_20[%dma_start3A_21, %dma_start3A_22] : memref<10000x128xf32, #tpu.memory_space<hbm>> -> memref<10000x128xf32, #tpu.memory_space<hbm>>
    tpu.enqueue_indirect_dma source(%dma_start3A_23 : memref<10000x128xf32, #tpu.memory_space<hbm>>) target(%dma_start3A_16 : memref<80x128xf32, #tpu.memory_space<vmem>>) offsets(%dma_start3A_18 : memref<80xi32, #tpu.memory_space<vmem>>) semaphore(%arg10 : memref<!tpu.dma_semaphore, #tpu.memory_space<semaphore_mem>>)
    %scan3A = arith.constant 0 : i32
    %scan3A_24 = arith.constant 0 : i32
    %scan3A_25 = arith.constant 125 : i32
    %scan3A_26 = arith.addi %scan3A_24, %scan3A_25 : i32
    %scan3A_27 = arith.constant 1 : i32
    scf.for %scan3A_49 = %scan3A_24 to %scan3A_26 step %scan3A_27  : i32 {
      %rem3A = arith.constant 2 : i32
      %rem3A_50 = arith.remsi %scan3A_49, %rem3A : i32
      %add3A_51 = arith.constant 1 : i32
      %add3A_52 = arith.addi %scan3A_49, %add3A_51 : i32
      %lt3A_53 = arith.constant 125 : i32
      %lt3A_54 = arith.cmpi slt, %add3A_52, %lt3A_53 : i32
      %convert_element_type3A_55 = arith.extui %lt3A_54 : i1 to i32
      %cond3A_56 = arith.constant 0 : i32
      %cond3A_57 = arith.cmpi ne, %convert_element_type3A_55, %cond3A_56 : i32
      scf.if %cond3A_57 {
        %ge3A = arith.constant 1 : i32
        %ge3A_82 = arith.cmpi sge, %scan3A_49, %ge3A : i32
        %convert_element_type3A_83 = arith.extui %ge3A_82 : i1 to i32
        %cond3A_84 = arith.constant 0 : i32
        %cond3A_85 = arith.cmpi ne, %convert_element_type3A_83, %cond3A_84 : i32
        scf.if %cond3A_85 {
          %sub3A_101 = arith.constant 1 : i32
          %sub3A_102 = arith.subi %sub3A_101, %rem3A_50 : i32
          %dma_wait3A_103 = arith.constant 0 : i32
          %dma_wait3A_104 = arith.constant 0 : i32
          %dma_wait3A_105 = tpu.memref_slice %arg7[%sub3A_102, %dma_wait3A_103, %dma_wait3A_104] : memref<2x80x128xf32, #tpu.memory_space<vmem>> -> memref<1x80x128xf32, #tpu.memory_space<vmem>>
          %dma_wait3A_106 = tpu.memref_squeeze %dma_wait3A_105 : memref<1x80x128xf32, #tpu.memory_space<vmem>> -> memref<80x128xf32, #tpu.memory_space<vmem>>
          %dma_wait3A_107 = arith.constant 0 : i32
          %dma_wait3A_108 = arith.constant 0 : i32
          %dma_wait3A_109 = tpu.memref_slice %arg2[%dma_wait3A_107, %dma_wait3A_108] : memref<20000x128xf32, #tpu.memory_space<hbm>> -> memref<80x128xf32, #tpu.memory_space<hbm>>
          %dma_wait3A_110 = arith.constant 0 : i32
          %dma_wait3A_111 = arith.constant 0 : i32
          %dma_wait3A_112 = tpu.memref_slice %arg7[%sub3A_102, %dma_wait3A_110, %dma_wait3A_111] : memref<2x80x128xf32, #tpu.memory_space<vmem>> -> memref<1x80x128xf32, #tpu.memory_space<vmem>>
          %dma_wait3A_113 = tpu.memref_squeeze %dma_wait3A_112 : memref<1x80x128xf32, #tpu.memory_space<vmem>> -> memref<80x128xf32, #tpu.memory_space<vmem>>
          %dma_wait3A_114 = arith.constant 0 : i32
          %dma_wait3A_115 = arith.constant 0 : i32
          %dma_wait3A_116 = tpu.memref_slice %arg2[%dma_wait3A_114, %dma_wait3A_115] : memref<20000x128xf32, #tpu.memory_space<hbm>> -> memref<80x128xf32, #tpu.memory_space<hbm>>
          tpu.wait_dma2 semaphore(%arg11 : memref<!tpu.dma_semaphore, #tpu.memory_space<semaphore_mem>>) src(%dma_wait3A_116 : memref<80x128xf32, #tpu.memory_space<hbm>>) dst(%dma_wait3A_113 : memref<80x128xf32, #tpu.memory_space<vmem>>)
        } else {
        }
        %add3A_86 = arith.constant 1 : i32
        %add3A_87 = arith.addi %scan3A_49, %add3A_86 : i32
        %mul3A_88 = arith.constant 80 : i32
        %mul3A_89 = arith.muli %add3A_87, %mul3A_88 : i32
        %sub3A = arith.constant 1 : i32
        %sub3A_90 = arith.subi %sub3A, %rem3A_50 : i32
        %dma_start3A_91 = arith.constant 0 : i32
        %dma_start3A_92 = arith.constant 0 : i32
        %dma_start3A_93 = tpu.memref_slice %arg7[%sub3A_90, %dma_start3A_91, %dma_start3A_92] : memref<2x80x128xf32, #tpu.memory_space<vmem>> -> memref<1x80x128xf32, #tpu.memory_space<vmem>>
        %dma_start3A_94 = tpu.memref_squeeze %dma_start3A_93 : memref<1x80x128xf32, #tpu.memory_space<vmem>> -> memref<80x128xf32, #tpu.memory_space<vmem>>
        %dma_start3A_95 = tpu.memref_slice %arg8[%mul3A_89] : memref<10000xi32, #tpu.memory_space<vmem>> -> memref<80xi32, #tpu.memory_space<vmem>>
        %dma_start3A_96 = arith.constant 0 : i32
        %dma_start3A_97 = tpu.memref_slice %arg2[%mul3A_0, %dma_start3A_96] : memref<20000x128xf32, #tpu.memory_space<hbm>> -> memref<10000x128xf32, #tpu.memory_space<hbm>>
        %dma_start3A_98 = arith.constant 0 : i32
        %dma_start3A_99 = arith.constant 0 : i32
        %dma_start3A_100 = tpu.memref_slice %dma_start3A_97[%dma_start3A_98, %dma_start3A_99] : memref<10000x128xf32, #tpu.memory_space<hbm>> -> memref<10000x128xf32, #tpu.memory_space<hbm>>
        tpu.enqueue_indirect_dma source(%dma_start3A_100 : memref<10000x128xf32, #tpu.memory_space<hbm>>) target(%dma_start3A_94 : memref<80x128xf32, #tpu.memory_space<vmem>>) offsets(%dma_start3A_95 : memref<80xi32, #tpu.memory_space<vmem>>) semaphore(%arg10 : memref<!tpu.dma_semaphore, #tpu.memory_space<semaphore_mem>>)
      } else {
      }
      %dma_wait3A_58 = arith.constant 0 : i32
      %dma_wait3A_59 = arith.constant 0 : i32
      %dma_wait3A_60 = tpu.memref_slice %arg7[%rem3A_50, %dma_wait3A_58, %dma_wait3A_59] : memref<2x80x128xf32, #tpu.memory_space<vmem>> -> memref<1x80x128xf32, #tpu.memory_space<vmem>>
      %dma_wait3A_61 = tpu.memref_squeeze %dma_wait3A_60 : memref<1x80x128xf32, #tpu.memory_space<vmem>> -> memref<80x128xf32, #tpu.memory_space<vmem>>
      %dma_wait3A_62 = arith.constant 0 : i32
      %dma_wait3A_63 = arith.constant 0 : i32
      %dma_wait3A_64 = tpu.memref_slice %arg2[%dma_wait3A_62, %dma_wait3A_63] : memref<20000x128xf32, #tpu.memory_space<hbm>> -> memref<80x128xf32, #tpu.memory_space<hbm>>
      %dma_wait3A_65 = arith.constant 0 : i32
      %dma_wait3A_66 = arith.constant 0 : i32
      %dma_wait3A_67 = tpu.memref_slice %arg7[%rem3A_50, %dma_wait3A_65, %dma_wait3A_66] : memref<2x80x128xf32, #tpu.memory_space<vmem>> -> memref<1x80x128xf32, #tpu.memory_space<vmem>>
      %dma_wait3A_68 = tpu.memref_squeeze %dma_wait3A_67 : memref<1x80x128xf32, #tpu.memory_space<vmem>> -> memref<80x128xf32, #tpu.memory_space<vmem>>
      %dma_wait3A_69 = arith.constant 0 : i32
      %dma_wait3A_70 = arith.constant 0 : i32
      %dma_wait3A_71 = tpu.memref_slice %arg2[%dma_wait3A_69, %dma_wait3A_70] : memref<20000x128xf32, #tpu.memory_space<hbm>> -> memref<80x128xf32, #tpu.memory_space<hbm>>
      tpu.wait_dma2 semaphore(%arg10 : memref<!tpu.dma_semaphore, #tpu.memory_space<semaphore_mem>>) src(%dma_wait3A_71 : memref<80x128xf32, #tpu.memory_space<hbm>>) dst(%dma_wait3A_68 : memref<80x128xf32, #tpu.memory_space<vmem>>)
      %dma_start3A_72 = arith.constant 0 : i32
      %dma_start3A_73 = arith.constant 0 : i32
      %dma_start3A_74 = tpu.memref_slice %arg7[%rem3A_50, %dma_start3A_72, %dma_start3A_73] : memref<2x80x128xf32, #tpu.memory_space<vmem>> -> memref<1x80x128xf32, #tpu.memory_space<vmem>>
      %dma_start3A_75 = tpu.memref_squeeze %dma_start3A_74 : memref<1x80x128xf32, #tpu.memory_space<vmem>> -> memref<80x128xf32, #tpu.memory_space<vmem>>
      %dma_start3A_76 = arith.constant 0 : i32
      %dma_start3A_77 = tpu.memref_slice %arg9[%scan3A_49, %dma_start3A_76] : memref<125x80xi32, #tpu.memory_space<vmem>> -> memref<1x80xi32, #tpu.memory_space<vmem>>
      %dma_start3A_78 = tpu.memref_squeeze %dma_start3A_77 : memref<1x80xi32, #tpu.memory_space<vmem>> -> memref<80xi32, #tpu.memory_space<vmem>>
      %dma_start3A_79 = arith.constant 0 : i32
      %dma_start3A_80 = arith.constant 0 : i32
      %dma_start3A_81 = tpu.memref_slice %arg6[%dma_start3A_79, %dma_start3A_80] : memref<10000x128xf32, #tpu.memory_space<vmem_shared>> -> memref<10000x128xf32, #tpu.memory_space<vmem_shared>>
      tpu.enqueue_indirect_dma source(%dma_start3A_75 : memref<80x128xf32, #tpu.memory_space<vmem>>) target(%dma_start3A_81 : memref<10000x128xf32, #tpu.memory_space<vmem_shared>>) offsets(%dma_start3A_78 : memref<80xi32, #tpu.memory_space<vmem>>) semaphore(%arg11 : memref<!tpu.dma_semaphore, #tpu.memory_space<semaphore_mem>>) {add = true}
    }
    %scan3A_28 = arith.constant 125 : i32
    %dma_wait3A = arith.constant 0 : i32
    %dma_wait3A_29 = arith.constant 0 : i32
    %dma_wait3A_30 = tpu.memref_slice %arg2[%dma_wait3A, %dma_wait3A_29] : memref<20000x128xf32, #tpu.memory_space<hbm>> -> memref<160x128xf32, #tpu.memory_space<hbm>>
    %dma_wait3A_31 = arith.constant 0 : i32
    %dma_wait3A_32 = arith.constant 0 : i32
    %dma_wait3A_33 = tpu.memref_slice %arg2[%dma_wait3A_31, %dma_wait3A_32] : memref<20000x128xf32, #tpu.memory_space<hbm>> -> memref<160x128xf32, #tpu.memory_space<hbm>>
    tpu.wait_dma2 semaphore(%arg11 : memref<!tpu.dma_semaphore, #tpu.memory_space<semaphore_mem>>) src(%dma_wait3A_33 : memref<160x128xf32, #tpu.memory_space<hbm>>) dst(%arg7 : memref<2x80x128xf32, #tpu.memory_space<vmem>>)
    %barrier3A_34 = arith.constant 0 : index
    tpu.barrier barrier_id(%barrier3A_34)
    %add3A_35 = arith.constant 0 : i32
    %add3A_36 = arith.addi %arg1, %add3A_35 : i32
    %lt3A_37 = arith.constant 25 : i32
    %lt3A_38 = arith.cmpi slt, %add3A_36, %lt3A_37 : i32
    %convert_element_type3A_39 = arith.extui %lt3A_38 : i1 to i32
    %cond3A_40 = arith.constant 0 : i32
    %cond3A_41 = arith.cmpi ne, %convert_element_type3A_39, %cond3A_40 : i32
    scf.if %cond3A_41 {
      %mul3A_49 = arith.constant 400 : i32
      %mul3A_50 = arith.muli %add3A_36, %mul3A_49 : i32
      %add3A_51 = arith.addi %mul3A_0, %mul3A_50 : i32
      "tpu.region"() ({
        %run_scoped3A = tpu.sem_alloc : memref<!tpu.dma_semaphore, #tpu.memory_space<semaphore_mem>>
        %dma_start3A_52 = arith.constant 0 : i32
        %dma_start3A_53 = tpu.memref_slice %arg5[%add3A_51, %dma_start3A_52] : memref<20000x128xf32, #tpu.memory_space<hbm>> -> memref<400x128xf32, #tpu.memory_space<hbm>>
        %dma_start3A_54 = arith.constant 0 : i32
        %dma_start3A_55 = tpu.memref_slice %arg6[%mul3A_50, %dma_start3A_54] : memref<10000x128xf32, #tpu.memory_space<vmem_shared>> -> memref<400x128xf32, #tpu.memory_space<vmem_shared>>
        tpu.enqueue_dma source(%dma_start3A_55 : memref<400x128xf32, #tpu.memory_space<vmem_shared>>) target(%dma_start3A_53 : memref<400x128xf32, #tpu.memory_space<hbm>>) target_semaphore(%run_scoped3A : memref<!tpu.dma_semaphore, #tpu.memory_space<semaphore_mem>>)
        %dma_wait3A_56 = arith.constant 0 : i32
        %dma_wait3A_57 = tpu.memref_slice %arg5[%add3A_51, %dma_wait3A_56] : memref<20000x128xf32, #tpu.memory_space<hbm>> -> memref<400x128xf32, #tpu.memory_space<hbm>>
        %dma_wait3A_58 = arith.constant 0 : i32
        %dma_wait3A_59 = tpu.memref_slice %arg6[%mul3A_50, %dma_wait3A_58] : memref<10000x128xf32, #tpu.memory_space<vmem_shared>> -> memref<400x128xf32, #tpu.memory_space<vmem_shared>>
        tpu.wait_dma2 semaphore(%run_scoped3A : memref<!tpu.dma_semaphore, #tpu.memory_space<semaphore_mem>>) src(%dma_wait3A_59 : memref<400x128xf32, #tpu.memory_space<vmem_shared>>) dst(%dma_wait3A_57 : memref<400x128xf32, #tpu.memory_space<hbm>>)
        tpu.yield
      }) : () -> ()
    } else {
    }
    %add3A_42 = arith.constant 16 : i32
    %add3A_43 = arith.addi %arg1, %add3A_42 : i32
    %lt3A_44 = arith.constant 25 : i32
    %lt3A_45 = arith.cmpi slt, %add3A_43, %lt3A_44 : i32
    %convert_element_type3A_46 = arith.extui %lt3A_45 : i1 to i32
    %cond3A_47 = arith.constant 0 : i32
    %cond3A_48 = arith.cmpi ne, %convert_element_type3A_46, %cond3A_47 : i32
    scf.if %cond3A_48 {
      %mul3A_49 = arith.constant 400 : i32
      %mul3A_50 = arith.muli %add3A_43, %mul3A_49 : i32
      %add3A_51 = arith.addi %mul3A_0, %mul3A_50 : i32
      "tpu.region"() ({
        %run_scoped3A = tpu.sem_alloc : memref<!tpu.dma_semaphore, #tpu.memory_space<semaphore_mem>>
        %dma_start3A_52 = arith.constant 0 : i32
        %dma_start3A_53 = tpu.memref_slice %arg5[%add3A_51, %dma_start3A_52] : memref<20000x128xf32, #tpu.memory_space<hbm>> -> memref<400x128xf32, #tpu.memory_space<hbm>>
        %dma_start3A_54 = arith.constant 0 : i32
        %dma_start3A_55 = tpu.memref_slice %arg6[%mul3A_50, %dma_start3A_54] : memref<10000x128xf32, #tpu.memory_space<vmem_shared>> -> memref<400x128xf32, #tpu.memory_space<vmem_shared>>
        tpu.enqueue_dma source(%dma_start3A_55 : memref<400x128xf32, #tpu.memory_space<vmem_shared>>) target(%dma_start3A_53 : memref<400x128xf32, #tpu.memory_space<hbm>>) target_semaphore(%run_scoped3A : memref<!tpu.dma_semaphore, #tpu.memory_space<semaphore_mem>>)
        %dma_wait3A_56 = arith.constant 0 : i32
        %dma_wait3A_57 = tpu.memref_slice %arg5[%add3A_51, %dma_wait3A_56] : memref<20000x128xf32, #tpu.memory_space<hbm>> -> memref<400x128xf32, #tpu.memory_space<hbm>>
        %dma_wait3A_58 = arith.constant 0 : i32
        %dma_wait3A_59 = tpu.memref_slice %arg6[%mul3A_50, %dma_wait3A_58] : memref<10000x128xf32, #tpu.memory_space<vmem_shared>> -> memref<400x128xf32, #tpu.memory_space<vmem_shared>>
        tpu.wait_dma2 semaphore(%run_scoped3A : memref<!tpu.dma_semaphore, #tpu.memory_space<semaphore_mem>>) src(%dma_wait3A_59 : memref<400x128xf32, #tpu.memory_space<vmem_shared>>) dst(%dma_wait3A_57 : memref<400x128xf32, #tpu.memory_space<hbm>>)
        tpu.yield
      }) : () -> ()
    } else {
    }
    return
  }
}

module attributes {stable_mosaic.version = 14 : i64} {
  func.func @_mm_first_body(%arg0: i32, %arg1: memref<2000x256xf32, #tpu.memory_space<vmem>>, %arg2: memref<256x256xf32, #tpu.memory_space<vmem>>, %arg3: memref<2000x1xf32, #tpu.memory_space<vmem>>, %arg4: memref<2x2000x128xf32, #tpu.memory_space<vmem>>) attributes {dimension_semantics = [#tpu.dimension_semantics<arbitrary>], iteration_bounds = array<i64: 5>, scalar_prefetch = 0 : i64, scratch_operands = 0 : i64, tpu.core_type = #tpu.core_type<tc>, window_params = [{transform_indices = @transform_0, window_bounds = array<i64: 2000, 256>}, {pipeline_mode = #tpu.pipeline_mode<synchronous>, transform_indices = @transform_1, window_bounds = array<i64: 256, 256>}, {transform_indices = @transform_2, window_bounds = array<i64: 2000, 1>}, {transform_indices = @transform_3, window_bounds = array<i64: 2, 2000, 128>}]} {
    %get3A = arith.constant 0 : index
    %get3A_0 = arith.constant 0 : index
    %get3A_1 = vector.load %arg1[%get3A, %get3A_0] : memref<2000x256xf32, #tpu.memory_space<vmem>>, vector<2000x256xf32>
    %get3A_2 = arith.constant 0 : index
    %get3A_3 = arith.constant 0 : index
    %get3A_4 = vector.load %arg2[%get3A_2, %get3A_3] : memref<256x256xf32, #tpu.memory_space<vmem>>, vector<256x256xf32>
    %dot_general3A = arith.constant dense<0.000000e+00> : vector<2000x256xf32>
    %dot_general3A_5 = tpu.matmul %get3A_1, %get3A_4, %dot_general3A {dimension_numbers = #tpu.dot_dimension_numbers<[1], [0], [0], [1], [0, 0, 1, 1], [], []>, transpose_lhs_hint = false} : vector<2000x256xf32>, vector<256x256xf32>, vector<2000x256xf32> -> vector<2000x256xf32>
    %get3A_6 = arith.constant 0 : index
    %get3A_7 = arith.constant 0 : index
    %get3A_8 = vector.load %arg3[%get3A_6, %get3A_7] : memref<2000x1xf32, #tpu.memory_space<vmem>>, vector<2000x1xf32>
    %rsqrt3A = math.rsqrt %get3A_8 : vector<2000x1xf32>
    %slice3A = vector.extract_strided_slice %dot_general3A_5 {offsets = [0, 0], sizes = [2000, 128], strides = [1, 1]} : vector<2000x256xf32> to vector<2000x128xf32>
    %mul3A = vector.broadcast %rsqrt3A : vector<2000x1xf32> to vector<2000x128xf32>
    %mul3A_9 = arith.mulf %slice3A, %mul3A : vector<2000x128xf32>
    %swap3A = arith.constant 0 : index
    %swap3A_10 = arith.constant 0 : index
    %swap3A_11 = arith.constant 0 : index
    %swap3A_12 = vector.load %arg4[%swap3A, %swap3A_10, %swap3A_11] : memref<2x2000x128xf32, #tpu.memory_space<vmem>>, vector<1x2000x128xf32>
    %swap3A_13 = vector.shape_cast %swap3A_12 : vector<1x2000x128xf32> to vector<2000x128xf32>
    %swap3A_14 = vector.shape_cast %mul3A_9 : vector<2000x128xf32> to vector<1x2000x128xf32>
    tpu.vector_store %arg4[%swap3A, %swap3A_10, %swap3A_11], %swap3A_14 {strides = array<i32>} : memref<2x2000x128xf32, #tpu.memory_space<vmem>>, vector<1x2000x128xf32>,
    %slice3A_15 = vector.extract_strided_slice %dot_general3A_5 {offsets = [0, 128], sizes = [2000, 128], strides = [1, 1]} : vector<2000x256xf32> to vector<2000x128xf32>
    %mul3A_16 = vector.broadcast %rsqrt3A : vector<2000x1xf32> to vector<2000x128xf32>
    %mul3A_17 = arith.mulf %slice3A_15, %mul3A_16 : vector<2000x128xf32>
    %swap3A_18 = arith.constant 1 : index
    %swap3A_19 = arith.constant 0 : index
    %swap3A_20 = arith.constant 0 : index
    %swap3A_21 = vector.load %arg4[%swap3A_18, %swap3A_19, %swap3A_20] : memref<2x2000x128xf32, #tpu.memory_space<vmem>>, vector<1x2000x128xf32>
    %swap3A_22 = vector.shape_cast %swap3A_21 : vector<1x2000x128xf32> to vector<2000x128xf32>
    %swap3A_23 = vector.shape_cast %mul3A_17 : vector<2000x128xf32> to vector<1x2000x128xf32>
    tpu.vector_store %arg4[%swap3A_18, %swap3A_19, %swap3A_20], %swap3A_23 {strides = array<i32>} : memref<2x2000x128xf32, #tpu.memory_space<vmem>>, vector<1x2000x128xf32>,
    return
  }
  func.func @transform_0(%arg0: i32) -> (i32, i32) {
    %c0_i32 = arith.constant 0 : i32
    %c0_i32_0 = arith.constant 0 : i32
    return %arg0, %c0_i32 : i32, i32
  }
  func.func @transform_1(%arg0: i32) -> (i32, i32) {
    %c0_i32 = arith.constant 0 : i32
    %c0_i32_0 = arith.constant 0 : i32
    %c0_i32_1 = arith.constant 0 : i32
    return %c0_i32, %c0_i32_0 : i32, i32
  }
  func.func @transform_2(%arg0: i32) -> (i32, i32) {
    %c0_i32 = arith.constant 0 : i32
    %c0_i32_0 = arith.constant 0 : i32
    return %arg0, %c0_i32 : i32, i32
  }
  func.func @transform_3(%arg0: i32) -> (i32, i32, i32) {
    %c0_i32 = arith.constant 0 : i32
    %c0_i32_0 = arith.constant 0 : i32
    %c0_i32_1 = arith.constant 0 : i32
    return %c0_i32, %arg0, %c0_i32_0 : i32, i32, i32
  }
}

module attributes {stable_mosaic.version = 14 : i64} {
  func.func @_mm_mid_body(%arg0: i32, %arg1: memref<2x2000x128xf32, #tpu.memory_space<vmem>>, %arg2: memref<2000x1xf32, #tpu.memory_space<vmem>>, %arg3: memref<1x256xf32, #tpu.memory_space<vmem>>, %arg4: memref<256x256xf32, #tpu.memory_space<vmem>>, %arg5: memref<2000x1xf32, #tpu.memory_space<vmem>>, %arg6: memref<2x2000x128xf32, #tpu.memory_space<vmem>>) attributes {dimension_semantics = [#tpu.dimension_semantics<arbitrary>], iteration_bounds = array<i64: 5>, scalar_prefetch = 0 : i64, scratch_operands = 0 : i64, tpu.core_type = #tpu.core_type<tc>, window_params = [{transform_indices = @transform_0, window_bounds = array<i64: 2, 2000, 128>}, {transform_indices = @transform_1, window_bounds = array<i64: 2000, 1>}, {pipeline_mode = #tpu.pipeline_mode<synchronous>, transform_indices = @transform_2, window_bounds = array<i64: 1, 256>}, {pipeline_mode = #tpu.pipeline_mode<synchronous>, transform_indices = @transform_3, window_bounds = array<i64: 256, 256>}, {transform_indices = @transform_4, window_bounds = array<i64: 2000, 1>}, {transform_indices = @transform_5, window_bounds = array<i64: 2, 2000, 128>}]} {
    %get3A = arith.constant 0 : index
    %get3A_0 = arith.constant 0 : index
    %get3A_1 = vector.load %arg2[%get3A, %get3A_0] : memref<2000x1xf32, #tpu.memory_space<vmem>>, vector<2000x1xf32>
    %rsqrt3A = math.rsqrt %get3A_1 : vector<2000x1xf32>
    %get3A_2 = arith.constant 0 : index
    %get3A_3 = arith.constant 0 : index
    %get3A_4 = arith.constant 0 : index
    %get3A_5 = vector.load %arg1[%get3A_2, %get3A_3, %get3A_4] : memref<2x2000x128xf32, #tpu.memory_space<vmem>>, vector<1x2000x128xf32>
    %get3A_6 = vector.shape_cast %get3A_5 : vector<1x2000x128xf32> to vector<2000x128xf32>
    %mul3A = vector.broadcast %rsqrt3A : vector<2000x1xf32> to vector<2000x128xf32>
    %mul3A_7 = arith.mulf %get3A_6, %mul3A : vector<2000x128xf32>
    %get3A_8 = arith.constant 0 : index
    %get3A_9 = arith.constant 0 : index
    %get3A_10 = vector.load %arg3[%get3A_8, %get3A_9] : memref<1x256xf32, #tpu.memory_space<vmem>>, vector<1x128xf32>
    %add3A = vector.broadcast %get3A_10 : vector<1x128xf32> to vector<2000x128xf32>
    %add3A_11 = arith.addf %mul3A_7, %add3A : vector<2000x128xf32>
    %max3A = arith.constant 0.000000e+00 : f32
    %max3A_12 = vector.broadcast %max3A : f32 to vector<2000x128xf32>
    %max3A_13 = arith.maximumf %add3A_11, %max3A_12 : vector<2000x128xf32>
    %get3A_14 = arith.constant 1 : index
    %get3A_15 = arith.constant 0 : index
    %get3A_16 = arith.constant 0 : index
    %get3A_17 = vector.load %arg1[%get3A_14, %get3A_15, %get3A_16] : memref<2x2000x128xf32, #tpu.memory_space<vmem>>, vector<1x2000x128xf32>
    %get3A_18 = vector.shape_cast %get3A_17 : vector<1x2000x128xf32> to vector<2000x128xf32>
    %mul3A_19 = vector.broadcast %rsqrt3A : vector<2000x1xf32> to vector<2000x128xf32>
    %mul3A_20 = arith.mulf %get3A_18, %mul3A_19 : vector<2000x128xf32>
    %get3A_21 = arith.constant 0 : index
    %get3A_22 = arith.constant 128 : index
    %get3A_23 = vector.load %arg3[%get3A_21, %get3A_22] : memref<1x256xf32, #tpu.memory_space<vmem>>, vector<1x128xf32>
    %add3A_24 = vector.broadcast %get3A_23 : vector<1x128xf32> to vector<2000x128xf32>
    %add3A_25 = arith.addf %mul3A_20, %add3A_24 : vector<2000x128xf32>
    %max3A_26 = arith.constant 0.000000e+00 : f32
    %max3A_27 = vector.broadcast %max3A_26 : f32 to vector<2000x128xf32>
    %max3A_28 = arith.maximumf %add3A_25, %max3A_27 : vector<2000x128xf32>
    %get3A_29 = arith.constant 0 : index
    %get3A_30 = arith.constant 0 : index
    %get3A_31 = vector.load %arg4[%get3A_29, %get3A_30] : memref<256x256xf32, #tpu.memory_space<vmem>>, vector<128x256xf32>
    %dot_general3A = arith.constant dense<0.000000e+00> : vector<2000x256xf32>
    %dot_general3A_32 = tpu.matmul %max3A_13, %get3A_31, %dot_general3A {dimension_numbers = #tpu.dot_dimension_numbers<[1], [0], [0], [1], [0, 0, 1, 1], [], []>, transpose_lhs_hint = false} : vector<2000x128xf32>, vector<128x256xf32>, vector<2000x256xf32> -> vector<2000x256xf32>
    %get3A_33 = arith.constant 128 : index
    %get3A_34 = arith.constant 0 : index
    %get3A_35 = vector.load %arg4[%get3A_33, %get3A_34] : memref<256x256xf32, #tpu.memory_space<vmem>>, vector<128x256xf32>
    %dot_general3A_36 = arith.constant dense<0.000000e+00> : vector<2000x256xf32>
    %dot_general3A_37 = tpu.matmul %max3A_28, %get3A_35, %dot_general3A_36 {dimension_numbers = #tpu.dot_dimension_numbers<[1], [0], [0], [1], [0, 0, 1, 1], [], []>, transpose_lhs_hint = false} : vector<2000x128xf32>, vector<128x256xf32>, vector<2000x256xf32> -> vector<2000x256xf32>
    %add3A_38 = arith.addf %dot_general3A_32, %dot_general3A_37 : vector<2000x256xf32>
    %get3A_39 = arith.constant 0 : index
    %get3A_40 = arith.constant 0 : index
    %get3A_41 = vector.load %arg5[%get3A_39, %get3A_40] : memref<2000x1xf32, #tpu.memory_space<vmem>>, vector<2000x1xf32>
    %rsqrt3A_42 = math.rsqrt %get3A_41 : vector<2000x1xf32>
    %slice3A = vector.extract_strided_slice %add3A_38 {offsets = [0, 0], sizes = [2000, 128], strides = [1, 1]} : vector<2000x256xf32> to vector<2000x128xf32>
    %mul3A_43 = vector.broadcast %rsqrt3A_42 : vector<2000x1xf32> to vector<2000x128xf32>
    %mul3A_44 = arith.mulf %slice3A, %mul3A_43 : vector<2000x128xf32>
    %swap3A = arith.constant 0 : index
    %swap3A_45 = arith.constant 0 : index
    %swap3A_46 = arith.constant 0 : index
    %swap3A_47 = vector.load %arg6[%swap3A, %swap3A_45, %swap3A_46] : memref<2x2000x128xf32, #tpu.memory_space<vmem>>, vector<1x2000x128xf32>
    %swap3A_48 = vector.shape_cast %swap3A_47 : vector<1x2000x128xf32> to vector<2000x128xf32>
    %swap3A_49 = vector.shape_cast %mul3A_44 : vector<2000x128xf32> to vector<1x2000x128xf32>
    tpu.vector_store %arg6[%swap3A, %swap3A_45, %swap3A_46], %swap3A_49 {strides = array<i32>} : memref<2x2000x128xf32, #tpu.memory_space<vmem>>, vector<1x2000x128xf32>,
    %slice3A_50 = vector.extract_strided_slice %add3A_38 {offsets = [0, 128], sizes = [2000, 128], strides = [1, 1]} : vector<2000x256xf32> to vector<2000x128xf32>
    %mul3A_51 = vector.broadcast %rsqrt3A_42 : vector<2000x1xf32> to vector<2000x128xf32>
    %mul3A_52 = arith.mulf %slice3A_50, %mul3A_51 : vector<2000x128xf32>
    %swap3A_53 = arith.constant 1 : index
    %swap3A_54 = arith.constant 0 : index
    %swap3A_55 = arith.constant 0 : index
    %swap3A_56 = vector.load %arg6[%swap3A_53, %swap3A_54, %swap3A_55] : memref<2x2000x128xf32, #tpu.memory_space<vmem>>, vector<1x2000x128xf32>
    %swap3A_57 = vector.shape_cast %swap3A_56 : vector<1x2000x128xf32> to vector<2000x128xf32>
    %swap3A_58 = vector.shape_cast %mul3A_52 : vector<2000x128xf32> to vector<1x2000x128xf32>
    tpu.vector_store %arg6[%swap3A_53, %swap3A_54, %swap3A_55], %swap3A_58 {strides = array<i32>} : memref<2x2000x128xf32, #tpu.memory_space<vmem>>, vector<1x2000x128xf32>,
    return
  }
  func.func @transform_0(%arg0: i32) -> (i32, i32, i32) {
    %c0_i32 = arith.constant 0 : i32
    %c0_i32_0 = arith.constant 0 : i32
    %c0_i32_1 = arith.constant 0 : i32
    return %c0_i32, %arg0, %c0_i32_0 : i32, i32, i32
  }
  func.func @transform_1(%arg0: i32) -> (i32, i32) {
    %c0_i32 = arith.constant 0 : i32
    %c0_i32_0 = arith.constant 0 : i32
    return %arg0, %c0_i32 : i32, i32
  }
  func.func @transform_2(%arg0: i32) -> (i32, i32) {
    %c0_i32 = arith.constant 0 : i32
    %c0_i32_0 = arith.constant 0 : i32
    %c0_i32_1 = arith.constant 0 : i32
    return %c0_i32, %c0_i32_0 : i32, i32
  }
  func.func @transform_3(%arg0: i32) -> (i32, i32) {
    %c0_i32 = arith.constant 0 : i32
    %c0_i32_0 = arith.constant 0 : i32
    %c0_i32_1 = arith.constant 0 : i32
    return %c0_i32, %c0_i32_0 : i32, i32
  }
  func.func @transform_4(%arg0: i32) -> (i32, i32) {
    %c0_i32 = arith.constant 0 : i32
    %c0_i32_0 = arith.constant 0 : i32
    return %arg0, %c0_i32 : i32, i32
  }
  func.func @transform_5(%arg0: i32) -> (i32, i32, i32) {
    %c0_i32 = arith.constant 0 : i32
    %c0_i32_0 = arith.constant 0 : i32
    %c0_i32_1 = arith.constant 0 : i32
    return %c0_i32, %arg0, %c0_i32_0 : i32, i32, i32
  }
}

module attributes {stable_mosaic.version = 14 : i64} {
  func.func @_fin_body(%arg0: i32, %arg1: memref<2x2000x128xf32, #tpu.memory_space<vmem>>, %arg2: memref<2000x1xf32, #tpu.memory_space<vmem>>, %arg3: memref<1x256xf32, #tpu.memory_space<vmem>>, %arg4: memref<2000x256xf32, #tpu.memory_space<vmem>>) attributes {dimension_semantics = [#tpu.dimension_semantics<arbitrary>], iteration_bounds = array<i64: 5>, scalar_prefetch = 0 : i64, scratch_operands = 0 : i64, tpu.core_type = #tpu.core_type<tc>, window_params = [{transform_indices = @transform_0, window_bounds = array<i64: 2, 2000, 128>}, {transform_indices = @transform_1, window_bounds = array<i64: 2000, 1>}, {pipeline_mode = #tpu.pipeline_mode<synchronous>, transform_indices = @transform_2, window_bounds = array<i64: 1, 256>}, {transform_indices = @transform_3, window_bounds = array<i64: 2000, 256>}]} {
    %get3A = arith.constant 0 : index
    %get3A_0 = arith.constant 0 : index
    %get3A_1 = vector.load %arg2[%get3A, %get3A_0] : memref<2000x1xf32, #tpu.memory_space<vmem>>, vector<2000x1xf32>
    %rsqrt3A = math.rsqrt %get3A_1 : vector<2000x1xf32>
    %get3A_2 = arith.constant 0 : index
    %get3A_3 = arith.constant 0 : index
    %get3A_4 = arith.constant 0 : index
    %get3A_5 = vector.load %arg1[%get3A_2, %get3A_3, %get3A_4] : memref<2x2000x128xf32, #tpu.memory_space<vmem>>, vector<1x2000x128xf32>
    %get3A_6 = vector.shape_cast %get3A_5 : vector<1x2000x128xf32> to vector<2000x128xf32>
    %mul3A = vector.broadcast %rsqrt3A : vector<2000x1xf32> to vector<2000x128xf32>
    %mul3A_7 = arith.mulf %get3A_6, %mul3A : vector<2000x128xf32>
    %get3A_8 = arith.constant 0 : index
    %get3A_9 = arith.constant 0 : index
    %get3A_10 = vector.load %arg3[%get3A_8, %get3A_9] : memref<1x256xf32, #tpu.memory_space<vmem>>, vector<1x128xf32>
    %add3A = vector.broadcast %get3A_10 : vector<1x128xf32> to vector<2000x128xf32>
    %add3A_11 = arith.addf %mul3A_7, %add3A : vector<2000x128xf32>
    %swap3A = arith.constant 0 : index
    %swap3A_12 = arith.constant 0 : index
    %swap3A_13 = vector.load %arg4[%swap3A, %swap3A_12] : memref<2000x256xf32, #tpu.memory_space<vmem>>, vector<2000x128xf32>
    tpu.vector_store %arg4[%swap3A, %swap3A_12], %add3A_11 {strides = array<i32>} : memref<2000x256xf32, #tpu.memory_space<vmem>>, vector<2000x128xf32>,
    %get3A_14 = arith.constant 1 : index
    %get3A_15 = arith.constant 0 : index
    %get3A_16 = arith.constant 0 : index
    %get3A_17 = vector.load %arg1[%get3A_14, %get3A_15, %get3A_16] : memref<2x2000x128xf32, #tpu.memory_space<vmem>>, vector<1x2000x128xf32>
    %get3A_18 = vector.shape_cast %get3A_17 : vector<1x2000x128xf32> to vector<2000x128xf32>
    %mul3A_19 = vector.broadcast %rsqrt3A : vector<2000x1xf32> to vector<2000x128xf32>
    %mul3A_20 = arith.mulf %get3A_18, %mul3A_19 : vector<2000x128xf32>
    %get3A_21 = arith.constant 0 : index
    %get3A_22 = arith.constant 128 : index
    %get3A_23 = vector.load %arg3[%get3A_21, %get3A_22] : memref<1x256xf32, #tpu.memory_space<vmem>>, vector<1x128xf32>
    %add3A_24 = vector.broadcast %get3A_23 : vector<1x128xf32> to vector<2000x128xf32>
    %add3A_25 = arith.addf %mul3A_20, %add3A_24 : vector<2000x128xf32>
    %swap3A_26 = arith.constant 0 : index
    %swap3A_27 = arith.constant 128 : index
    %swap3A_28 = vector.load %arg4[%swap3A_26, %swap3A_27] : memref<2000x256xf32, #tpu.memory_space<vmem>>, vector<2000x128xf32>
    tpu.vector_store %arg4[%swap3A_26, %swap3A_27], %add3A_25 {strides = array<i32>} : memref<2000x256xf32, #tpu.memory_space<vmem>>, vector<2000x128xf32>,
    return
  }
  func.func @transform_0(%arg0: i32) -> (i32, i32, i32) {
    %c0_i32 = arith.constant 0 : i32
    %c0_i32_0 = arith.constant 0 : i32
    %c0_i32_1 = arith.constant 0 : i32
    return %c0_i32, %arg0, %c0_i32_0 : i32, i32, i32
  }
  func.func @transform_1(%arg0: i32) -> (i32, i32) {
    %c0_i32 = arith.constant 0 : i32
    %c0_i32_0 = arith.constant 0 : i32
    return %arg0, %c0_i32 : i32, i32
  }
  func.func @transform_2(%arg0: i32) -> (i32, i32) {
    %c0_i32 = arith.constant 0 : i32
    %c0_i32_0 = arith.constant 0 : i32
    %c0_i32_1 = arith.constant 0 : i32
    return %c0_i32, %c0_i32_0 : i32, i32
  }
  func.func @transform_3(%arg0: i32) -> (i32, i32) {
    %c0_i32 = arith.constant 0 : i32
    %c0_i32_0 = arith.constant 0 : i32
    return %arg0, %c0_i32 : i32, i32
  }
}

</mosaic_0001>

<sc_bundles>
// kernel: kernel.14.cloned.1.call-start
scs
__scs_entry_jumppad:
0x0: {  	(pc) =	sbr.rel $0x88, $3  }
0x1: {  	(tag) =	ssettag $0x0;
	lr =	simm.s32 $0x1  }
0x2: {  	[smem:$0x3F94] =	sst lr;
	_ =	strace $0xD0000000  }
0x3: {  	_ = 	snop  }
0x4: {  	_ = 	snop  }
0x5: {  	_ = 	snop  }
0x6: {  	_ = 	snop  }
0x7: {  	_ = 	snop  }
__scs_overlays_trampoline_lowered:
0x8: {  	[smem:$0x3FA3] =	sst s0  }
0x9: {  	[smem:$0x3FA4] =	sst s1  }
0xa: {  	[smem:$0x3FA5] =	sst s2  }
0xb: {  	[smem:$0x3FA6] =	sst s3  }
0xc: {  	[smem:$0x3FA7] =	sst s4  }
0xd: {  	[smem:$0x3FA8] =	sst s5  }
0xe: {  	[smem:$0x3FA9] =	sst s6  }
0xf: {  	[smem:$0x3FAA] =	sst s7  }
0x10: {  	[smem:$0x3FAB] =	sst s8  }
0x11: {  	[smem:$0x3FAC] =	sst s9;
	s0 =	simm.s32 @!p0 $0x0  }
0x12: {  	s1 =	sld [smem:$0x3F92];
	s0 =	simm.s32 @p0 $0x1  }
0x13: {  	[smem:$0x3FAD] =	sst s0;
	s0 =	simm.s32 @!p1 $0x0  }
0x14: {  	s2 =	sld [smem:$0x3F91];
	s0 =	simm.s32 @p1 $0x1  }
0x15: {  	[smem:$0x3FAE] =	sst s0;
	s0 =	simm.s32 @!p2 $0x0  }
0x16: {  	s3 =	sld [smem:$0x3FDB];
	s0 =	simm.s32 @p2 $0x1  }
0x17: {  	s4 =	simm.s32 $0x1BF5;
	[smem:$0x3FB0] =	sst s0  }
0x18: {  	s0 =	sld [smem:$0x3F93];
	_ =	swait.ge [sflag:s4], $0x0  }
0x19: {  	s7 =	sld [smem:$0x3F94]  }
0x1a: {  	s8 =	sadd.s32 $0xFFFFE003, lr  }
0x1b: {  	s9 =	sadd.s32 $0xFFFFFEF7, lr;
	s5 =	simm.s32 $0xFFFFFFFF;
	p2 =	slt.u32 s8, $0xFFFFF086  }
0x1c: {  	p1 =	slt.u32 s9, $0xF7A;
	s5 =	simm.s32 @!p2 $0x0  }
0x1d: {  	s5 =	simm.s32 @p1 $0x1;
	p0 =	seq.s32 s7, s2  }
0x1e: {  	s7 =	smul.u32 @!p0 $0xF7A, s2;
	p2 =	seq.s32 @!p0 s5, $0x0  }
0x1f: {  	s9 =	smul.u32 $0xF7A, s1;
	s8 =	simm.s32 @!p0 $0x1BF5;
	p2 =	por !p2, p0  }
0x20: {  	[sflag:s8] =	ssyncset.s32 @!p0 $0xFFFFF086;
	s6 =	sadd.s32 @!p0 s3, s7;
	s7 =	simm.s32 @!p0 $0x108  }
0x21: {  	s3 =	sadd.s32 s3, s9;
	s6 =	sadd.s32 @!p0 $0x88, s6;
	s7 =	simm.s32 @p2 $0x1082  }
0x22: {  	[simem:s7], [sflag:s8] =	dma.local @!p0 [hbm:s6], $0xF7A  }
0x23: {  	s9 =	sor.u32 $0xD0000000, s2;
	s6 =	simm.s32 $0x108;
	_ =	swait.ge @!p0 [sflag:s8], $0x0  }
0x24: {  	s3 =	sadd.s32 $0x88, s3;
	s6 =	simm.s32 @!p1 $0x1082;
	[sflag:s4] =	ssyncset.s32 $0xFFFFF086  }
0x25: {  	[simem:s6], [sflag:s4] =	dma.local [hbm:s3], $0xF7A  }
0x26: {  	[smem:$0x3F94] =	sst s1;
	(tag) =	ssettag s2;
	_ =	strace s9  }
0x27: {  	s1 =	sld [smem:$0x3FA4]  }
0x28: {  	s2 =	sld [smem:$0x3FA5]  }
0x29: {  	s4 =	sld [smem:$0x3FA7]  }
0x2a: {  	p0 =	seq.s32 s5, $0x0;
	s5 =	sld [smem:$0x3FA8]  }
0x2b: {  	s6 =	sld [smem:$0x3FA9]  }
0x2c: {  	s7 =	sld [smem:$0x3FAA]  }
0x2d: {  	s3 =	simm.s32 $0x108;
	s8 =	sld [smem:$0x3FAB]  }
0x2e: {  	s3 =	simm.s32 @!p0 $0x1082;
	s9 =	sld [smem:$0x3FAC]  }
0x2f: {  	lr =	sadd.s32 s0, s3;
	s0 =	sld [smem:$0x3FA3]  }
0x30: {  	s3 =	sld [smem:$0x3FA6]  }
0x31: {  	[smem:$0x3FAF] =	sst s10  }
0x32: {  	s10 =	sld [smem:$0x3FAD];
	_ =	sdelay $0x3  }
0x33: {  	p0 =	seq.s32 s10, $0x1;
	s10 =	sld [smem:$0x3FAF];
	_ =	sdelay $0x3  }
0x34: {  	[smem:$0x3FAF] =	sst s10  }
0x35: {  	s10 =	sld [smem:$0x3FAE];
	_ =	sdelay $0x3  }
0x36: {  	p1 =	seq.s32 s10, $0x1;
	s10 =	sld [smem:$0x3FAF];
	_ =	sdelay $0x3  }
0x37: {  	[smem:$0x3FAF] =	sst s10  }
0x38: {  	s10 =	sld [smem:$0x3FB0]  }
0x39: {  	_ = 	snop;
	(pc) =	sbr.ind lr, $3  }
0x3a: {  	_ = 	snop  }
0x3b: {  	_ = 	snop  }
0x3c: {  	p2 =	seq.s32 s10, $0x1;
	s10 =	sld [smem:$0x3FAF]  }
0x3d: {  	_ =	shalt  }
0x3e: {  	_ =	shalt  }
0x3f: {  	_ =	shalt  }
0x40: {  	_ =	shalt  }
0x41: {  	_ =	shalt  }
0x42: {  	_ =	shalt  }
0x43: {  	_ =	shalt  }
0x44: {  	_ =	shalt  }
0x45: {  	_ =	shalt  }
0x46: {  	_ =	shalt  }
0x47: {  	_ =	shalt  }
0x48: {  	_ =	shalt  }
0x49: {  	_ =	shalt  }
0x4a: {  	_ =	shalt  }
0x4b: {  	_ =	shalt  }
0x4c: {  	_ =	shalt  }
0x4d: {  	_ =	shalt  }
0x4e: {  	_ =	shalt  }
0x4f: {  	_ =	shalt  }
0x50: {  	_ =	shalt  }
0x51: {  	_ =	shalt  }
0x52: {  	_ =	shalt  }
0x53: {  	_ =	shalt  }
0x54: {  	_ =	shalt  }
0x55: {  	_ =	shalt  }
0x56: {  	_ =	shalt  }
0x57: {  	_ =	shalt  }
0x58: {  	_ =	shalt  }
0x59: {  	_ =	shalt  }
0x5a: {  	_ =	shalt  }
0x5b: {  	_ =	shalt  }
0x5c: {  	_ =	shalt  }
0x5d: {  	_ =	shalt  }
0x5e: {  	_ =	shalt  }
0x5f: {  	_ =	shalt  }
0x60: {  	_ =	shalt  }
0x61: {  	_ =	shalt  }
0x62: {  	_ =	shalt  }
0x63: {  	_ =	shalt  }
0x64: {  	_ =	shalt  }
0x65: {  	_ =	shalt  }
0x66: {  	_ =	shalt  }
0x67: {  	_ =	shalt  }
0x68: {  	_ =	shalt  }
0x69: {  	_ =	shalt  }
0x6a: {  	_ =	shalt  }
0x6b: {  	_ =	shalt  }
0x6c: {  	_ =	shalt  }
0x6d: {  	_ =	shalt  }
0x6e: {  	_ =	shalt  }
0x6f: {  	_ =	shalt  }
0x70: {  	_ =	shalt  }
0x71: {  	_ =	shalt  }
0x72: {  	_ =	shalt  }
0x73: {  	_ =	shalt  }
0x74: {  	_ =	shalt  }
0x75: {  	_ =	shalt  }
0x76: {  	_ =	shalt  }
0x77: {  	_ =	shalt  }
0x78: {  	_ =	shalt  }
0x79: {  	_ =	shalt  }
0x7a: {  	_ =	shalt  }
0x7b: {  	_ =	shalt  }
0x7c: {  	_ =	shalt  }
0x7d: {  	_ =	shalt  }
0x7e: {  	_ =	shalt  }
0x7f: {  	_ =	shalt  }
0x80: {  	_ =	shalt  }
0x81: {  	_ =	shalt  }
0x82: {  	_ =	shalt  }
0x83: {  	_ =	shalt  }
0x84: {  	_ =	shalt  }
0x85: {  	_ =	shalt  }
0x86: {  	_ =	shalt  }
0x87: {  	_ =	shalt  }
.Lfunc_end0:
.L_simem_size_0:
called_computation_lowered:
.L_overlay_start_0:
0x88: {  	s2 =	sld [smem:$0x3FD9]  }
0x89: {  	s3 =	sld [smem:$0x3FFE];
	_ =	sdelay $0x1  }
0x8a: {  	s1 =	srdreg.scid  }
0x8b: {  	s0 =	sand.u32 $0x1, s1  }
0x8c: {  	s17 =	sshll.u32 s0, $0xA;
	s2 =	sadd.s32 s3, s2  }
0x8d: {  	s2 =	sadd.s32 s2, s17  }
0x8e: {  	[smem:$0x3FBB] =	sst s2  }
0x8f: {  	_ = 	snop  }
0x90: {  	s2 =	sld [smem:$0x3FD0];
	(tm) =	ssettm $0x1  }
0x91: {  	s18 =	sld [smem:$0x3FFB];
	_ =	sdelay $0x3  }
0x92: {  	_ =	strace s18  }
0x93: {  	s3 =	sld [smem:$0x3FFC];
	_ =	sdelay $0x3  }
0x94: {  	_ =	strace s3  }
0x95: {  	s3 =	sld [smem:$0x3FFD];
	_ =	sdelay $0x3  }
0x96: {  	_ =	strace s3  }
0x97: {  	_ =	strace $0x8FFFFFFF  }
0x98: {  	s19 =	sld [smem:$0x3FDB];
	_ =	sdelay $0x1  }
0x99: {  	s4 =	simm.s32 $_scs_section_size  }
0x9a: {  	s5 =	simm.s32 $_size__tile_overlayer_lowered;
	s6 =	simm.s32 $_tile_overlayer_lowered  }
0x9b: {  	s22 =	simm.s32 $0x1BFF;
	s21 =	sshll.u32 s6, $0x1;
	s3 =	sadd.s32 s4, s19  }
0x9c: {  	s7 =	simm.s32 $0x0;
	s20 =	sshll.u32 s5, $0x1;
	s5 =	sadd.s32 s21, s3  }
0x9d: {  	[timem:s7], [sflag:s22] =	dma.local [hbm:s5], s20  }
0x9e: {  	_ =	swait.ge [sflag:s22], s20  }
0x9f: {  	s4 =	ssub.s32 $0x0, s20;
	[sflag:s22] =	ssyncset.done $0x0  }
0xa0: {  	[sflag:s22] =	ssyncadd.s32 s4;
	_ =	sdelay $0x1  }
0xa1: {  	s23 =	simm.s32 $0x1B8B  }
0xa2: {  	_ =	swait.ge [sflag:s23], $0x1  }
0xa3: {  	[sflag:s23] =	ssyncset.done $0x0  }
0xa4: {  	s25 =	simm.s32 $0x1B8E;
	s24 =	sld [smem:$0x3FFE];
	[sflag:s23] =	ssyncadd.s32 $0xFFFFFFFF  }
0xa5: {  	s26 =	simm.s32 $execute0_lowered;
	[smem:$0x3FD2] =	sst s25  }
0xa6: {  	s5 =	sshll.u32 s26, $0x1;
	_ =	strace $0x80000046;
	[dreg:$0x1] =	wrdreg $0xFFFFFFFF  }
0xa7: {  	s28 =	simm.s32 $_size_execute0_lowered;
	s3 =	sadd.s32 s3, s5;
	[dreg:$0x0] =	wrdreg $0x0  }
0xa8: {  	s5 =	sshll.u32 s28, $0x1;
	[dreg:$0x2] =	wrdreg s3  }
0xa9: {  	[dreg:$0x3] =	wrdreg s5  }
0xaa: {  	[dreg:$0x4] =	wrdreg $0xC0  }
0xab: {  	_ =	task [dreg:s7], $0x5FFFF  }
0xac: {  	[dreg:$0x1] =	wrdreg $0xFFFFFFFF  }
0xad: {  	[dreg:$0x0] =	wrdreg $0x60  }
0xae: {  	[dreg:$0x2] =	wrdreg s24  }
0xaf: {  	[dreg:$0x3] =	wrdreg s2  }
0xb0: {  	[dreg:$0x4] =	wrdreg $0x0  }
0xb1: {  	[dreg:$0x5] =	wrdreg $0x9  }
0xb2: {  	_ =	task.clear_ibuf [dreg:s7], $0x6FFFF;
	_ =	strace $0x90000046  }
0xb3: {  	s29 =	simm.s32 $0x9;
	_ =	strace $0x80000048  }
0xb4: {  	_ =	swait.ge [sflag:s29], $0x1  }
0xb5: {  	[sflag:s29] =	ssyncadd.s32 $0xFFFFFFFF  }
0xb6: {  	_ =	strace $0x90000048  }
0xb7: {  	_ =	sfence  }
0xb8: {  	s30 =	sld [smem:$0x0];
	_ =	sdelay $0x2  }
0xb9: {  	s31 =	sshll.u32 s1, $0xD;
	s1 =	sshrl.u32 s1, $0x2  }
0xba: {  	s3 =	sand.u32 $0x4000, s31;
	s1 =	sadd.s32 s1, s30  }
0xbb: {  	s0 =	sor.u32 s3, s0;
	s1 =	sshll.u32 s1, $0x11  }
0xbc: {  	s0 =	sor.u32 s1, s0  }
0xbd: {  	s0 =	sadd.s32 $0x8F2B, s0  }
0xbe: {  	[sflag:s0] =	ssyncadd.remote.s32 $0x1  }
0xbf: {  	_ =	sfence.sel $0xFFFF  }
0xc0: {  	[dreg:$0x0] =	wrdreg $0xFFFFFFFF;
	(pc) =	sbr.abs _section_cstart, $3  }
0xc1: {  	[dreg:$0x1] =	wrdreg $0xFFFFFFFF  }
0xc2: {  	_ =	task.clear_ibuf [dreg:s7], $0x2FFFF;
	_ =	strace $0x9FFFFFFF  }
0xc3: {  	(tm) =	ssettm $0x7FFFFFFF  }
tec
execute0_lowered:
.L_overlay_start_1:
0x0: {  	(tag) =	ssettag $0x1  }
0x1: {  	s4 =	rddreg [dreg:$0x0]  }
0x2: {  	s8 =	rddreg [dreg:$0x1]  }
0x3: {  	s1 =	rddreg [dreg:$0x2]  }
0x4: {  	s0 =	rddreg [dreg:$0x3]  }
0x5: {  	s2 =	simm.s32 $0x0;
	s5 =	srdreg.scid;
	s3 =	stileid.u32  }
0x6: {  	[smem:$0x7FF] =	sst s2;
	s10 =	smul.u32 $0x32000, s3  }
0x7: {  	s9 =	sadd.s32 $0x3400, s4;
	s7 =	sadd.s32 $0x8400, s4;
	s29 =	smul.u32 $0x1900, s3  }
0x8: {  	s6 =	sand.u32 $0x1, s5;
	s11 =	sor.u32 $0x10, s3;
	s31 =	smul.u32 $0x4E2, s3  }
0x9: {  	s12 =	sadd.s32 $0x17400, s4;
	_ =	strace $0x80000047;
	s13 =	smul.u32 $0x32000, s11  }
0xa: {  	s5 =	ssub.s32 $0x2, s6;
	s11 =	smul.u32 $0x1900, s11;
	p0 =	seq.s32 s6, $0x1  }
0xb: {  	s26 =	sshrl.u32 s5, $0x1;
	s28 =	sshrl.u32 s10, $0x2;
	s9 =	smov.u32 @p0 s7  }
0xc: {  	s8 =	smov.u32 @p0 s12;
	p0 =	sgt.u32 s3, $0x8;
	s10 =	simm.s32 $0x2710  }
0xd: {  	s12 =	simm.s32 $0xEF10;
	s14 =	ssub.s32 s5, s26;
	s4 =	sadd.s32 s28, s1  }
0xe: {  	s30 =	sshrl.u32 s13, $0x2;
	s7 =	sadd.s32 s8, s29;
	s8 =	sadd.s32 s8, s11  }
0xf: {  	s9 =	sadd.s32 s31, s9;
	s11 =	simm.s32 $0x1;
	s13 =	simm.s32 $0x50  }
0x10: {  	v0 =	vimm.f32 $1.000000000e+00;
	s5 =	sadd.s32 s30, s1;
	s6 =	smax.u32 s14, $0x1;
	s14 =	simm.s32 $0x0  }
.LBB2_1:
0x11: {  	s15 =	simm.s32 $0x200;
	s16 =	simm.s32 $0x0  }
.LBB2_2:
0x12: {  	p1 =	sne.s32 s15, $0x31E00;
	[tilespmem:s16+$0x2710] =	vst v0;
	s16 =	smov.u32 s15;
	s15 =	sadd.s32 $0x200, s15  }
.Ltmp0:
0x13: {  	(pc) =	sbr.rel @p1 .LBB2_2-.Ltmp0, $2  }
0x14: {  	_ =	sdelay $0x2  }
0x15: {  	s16 =	sshra.s32 s16, $0x2  }
0x16: {  	[tilespmem:s16+$0x2710] =	vst v0  }
0x17: {  	[spmem:s4] =	stream.linear.scatter [tilespmem:s10], [sflag:$0x1], $0xC800, $0x38;
	[tilespmem:$0xEF90] =	vst v63  }
0x18: {  	_ =	swait.ge [sflag:s11], $0xC800  }
0x19: {  	[sflag:s11] =	ssyncset.done $0x0  }
0x1a: {  	s15 =	simm.s32 @!p0 $0x2710;
	[sflag:s11] =	ssyncadd.s32 $0xFFFF3800  }
0x1b: {  	[spmem:s5] =	stream.linear.scatter @!p0 [tilespmem:s15], [sflag:$0x1], $0xC800, $0x38;
	[tilespmem:$0xEF90] =	vst v63  }
0x1c: {  	s15 =	simm.s32 @!p0 $0x1  }
0x1d: {  	_ =	swait.ge @!p0 [sflag:s15], $0xC800  }
0x1e: {  	[sflag:s15] =	ssyncset.done @!p0 $0x0  }
0x1f: {  	[sflag:s15] =	ssyncadd.s32 @!p0 $0xFFFF3800  }
0x20: {  	s31 =	sadd.s32 $0x0, s9;
	[bflag:$0x0] =	sbarrier.arrive $0xFFFF  }
0x21: {  	[tilespmem:s12], [sflag:$0x1] =	stream.linear.gather [hbm4b:s31+s2], $0x50, $0x38;
	[tilespmem:$0xEF90] =	vst v63  }
0x22: {  	_ =	swait.ge [sflag:s11], $0x50  }
0x23: {  	[sflag:s11] =	ssyncset.done $0x0  }
0x24: {  	[sflag:s11] =	ssyncadd.s32 $0xFFFFFFB0  }
0x25: {  	[spmem:s1] =	stream.indirect.scatter.add.f32 [tilespmem:s10], [sflag:$0x1], $0x10, s12, s13, $0xb8;
	[tilespmem:$0xEF90] =	vst v63  }
0x26: {  	_ =	swait.ge [sflag:s11], $0x500  }
0x27: {  	s16 =	simm.s32 $0x14;
	s15 =	simm.s32 $0xA;
	[sflag:s11] =	ssyncset.done $0x0  }
.LBB2_4:
0x28: {  	s17 =	sadd.s32 s15, s9  }
0x29: {  	[sflag:s11] =	ssyncadd.s32 $0xFFFFFB00;
	s15 =	smov.u32 s16;
	s18 =	sadd.s32 $0xA, s16  }
0x2a: {  	[tilespmem:s12], [sflag:$0x1] =	stream.linear.gather [hbm4b:s17+s2], $0x50, $0x38;
	[tilespmem:$0xEF90] =	vst v63  }
0x2b: {  	p1 =	sne.s32 s16, $0x4D8;
	_ =	swait.ge [sflag:s11], $0x50  }
.Ltmp1:
0x2c: {  	[sflag:s11] =	ssyncset.done $0x0;
	(pc) =	sbr.rel @p1 .LBB2_4-.Ltmp1, $4  }
0x2d: {  	[sflag:s11] =	ssyncadd.s32 $0xFFFFFFB0  }
0x2e: {  	[spmem:s1] =	stream.indirect.scatter.add.f32 [tilespmem:s10], [sflag:$0x1], $0x10, s12, s13, $0xb8;
	[tilespmem:$0xEF90] =	vst v63  }
0x2f: {  	_ =	swait.ge [sflag:s11], $0x500  }
0x30: {  	s16 =	smov.u32 s18;
	[sflag:s11] =	ssyncset.done $0x0  }
0x31: {  	s15 =	sadd.s32 s15, s9;
	[sflag:s11] =	ssyncadd.s32 $0xFFFFFB00  }
0x32: {  	[tilespmem:s12], [sflag:$0x1] =	stream.linear.gather [hbm4b:s15+s2], $0x50, $0x38;
	[tilespmem:$0xEF90] =	vst v63  }
0x33: {  	_ =	swait.ge [sflag:s11], $0x50  }
0x34: {  	[sflag:s11] =	ssyncset.done $0x0  }
0x35: {  	[sflag:s11] =	ssyncadd.s32 $0xFFFFFFB0  }
0x36: {  	[spmem:s1] =	stream.indirect.scatter.add.f32 [tilespmem:s10], [sflag:$0x1], $0x10, s12, s13, $0xb8;
	[tilespmem:$0xEF90] =	vst v63  }
0x37: {  	_ =	swait.ge [sflag:s11], $0x500  }
0x38: {  	[sflag:s11] =	ssyncset.done $0x0  }
0x39: {  	[sflag:s11] =	ssyncadd.s32 $0xFFFFFB00  }
0x3a: {  	[bflag:$0x0] =	sbarrier.arrive $0xFFFF  }
0x3b: {  	[tilespmem:s10], [sflag:$0x1] =	stream.linear.gather [spmem:s4], $0xC800, $0x38;
	[tilespmem:$0xEF90] =	vst v63  }
0x3c: {  	_ =	swait.ge [sflag:s11], $0xC800  }
0x3d: {  	[sflag:s11] =	ssyncset.done $0x0  }
0x3e: {  	[sflag:s11] =	ssyncadd.s32 $0xFFFF3800  }
0x3f: {  	[hbm4b:s7+s2] =	stream.linear.scatter [tilespmem:s10], [sflag:$0x1], $0xC800, $0x38;
	[tilespmem:$0xEF90] =	vst v63  }
0x40: {  	_ =	swait.ge [sflag:s11], $0xC800  }
0x41: {  	[sflag:s11] =	ssyncset.done $0x0  }
0x42: {  	s16 =	simm.s32 @!p0 $0x1;
	s15 =	simm.s32 @!p0 $0x2710;
	[sflag:s11] =	ssyncadd.s32 $0xFFFF3800  }
0x43: {  	[tilespmem:s15], [sflag:$0x1] =	stream.linear.gather @!p0 [spmem:s5], $0xC800, $0x38;
	[tilespmem:$0xEF90] =	vst v63  }
0x44: {  	s14 =	sadd.s32 $0x1, s14;
	_ =	swait.ge @!p0 [sflag:s16], $0xC800  }
0x45: {  	p1 =	sne.s32 s14, s6;
	[sflag:s16] =	ssyncset.done @!p0 $0x0  }
.Ltmp2:
0x46: {  	s17 =	simm.s32 @!p0 $0x0;
	[sflag:s16] =	ssyncadd.s32 @!p0 $0xFFFF3800;
	(pc) =	sbr.rel @p1 .LBB2_1-.Ltmp2, $4  }
0x47: {  	[hbm4b:s8+s17] =	stream.linear.scatter @!p0 [tilespmem:s15], [sflag:$0x1], $0xC800, $0x38;
	[tilespmem:$0xEF90] =	vst v63  }
0x48: {  	_ =	swait.ge @!p0 [sflag:s16], $0xC800  }
0x49: {  	[sflag:s16] =	ssyncset.done @!p0 $0x0  }
0x4a: {  	[sflag:s16] =	ssyncadd.s32 @!p0 $0xFFFF3800  }
0x4b: {  	_ =	sfence.sel $0x180000  }
0x4c: {  	[bflag:$0x0] =	sbarrier.arrive $0xFFFF  }
0x4d: {  	p0 =	sne.s32 s3, $0x0;
	_ =	strace $0x90000047  }
0x4e: {  	s0 =	sadd.s32 @!p0 $0x100000, s0;
	[bflag:$0x2] =	sbarrier.arrive $0xFFFF  }
0x4f: {  	[sflag:s0] =	ssyncadd.tile.s32 @!p0 $0x1;
	_ =	shalt  }
.Lfunc_end2:
_tile_overlayer_lowered:
.L_overlay_start_2:
0x50: {  	(tag) =	ssettag $0x2  }
0x51: {  	s0 =	rddreg [dreg:$0x0];
	s2 =	stileid.u32  }
0x52: {  	s1 =	rddreg [dreg:$0x1];
	p0 =	sne.s32 s2, $0x0  }
0x53: {  	s3 =	rddreg [dreg:$0x2];
	[bflag:$0x3] =	sbarrier.arrive $0xFFFF;
	s2 =	simm.s32 @!p0 $0x1C01  }
0x54: {  	[timem:s3], [sflag:s2] =	dma.local @!p0 [hbm:s0], s1  }
0x55: {  	s0 =	simm.s32 @!p0 $0x1  }
0x56: {  	_ =	swait.ge @!p0 [sflag:s0], s1  }
0x57: {  	s1 =	ssub.s32 @!p0 $0x0, s1;
	[sflag:s0] =	ssyncset.done @!p0 $0x0  }
0x58: {  	[sflag:s0] =	ssyncadd.s32 @!p0 s1  }
0x59: {  	[bflag:$0x3] =	sbarrier.arrive $0xFFFF  }
0x5a: {  	_ =	shalt  }

// kernel: kernel.17.cloned.1.call-start
scs
__scs_entry_jumppad:
0x0: {  	(pc) =	sbr.rel $0x88, $3  }
0x1: {  	(tag) =	ssettag $0x0;
	lr =	simm.s32 $0x1  }
0x2: {  	[smem:$0x3F94] =	sst lr;
	_ =	strace $0xD0000000  }
0x3: {  	_ = 	snop  }
0x4: {  	_ = 	snop  }
0x5: {  	_ = 	snop  }
0x6: {  	_ = 	snop  }
0x7: {  	_ = 	snop  }
__scs_overlays_trampoline_lowered:
0x8: {  	[smem:$0x3FA3] =	sst s0  }
0x9: {  	[smem:$0x3FA4] =	sst s1  }
0xa: {  	[smem:$0x3FA5] =	sst s2  }
0xb: {  	[smem:$0x3FA6] =	sst s3  }
0xc: {  	[smem:$0x3FA7] =	sst s4  }
0xd: {  	[smem:$0x3FA8] =	sst s5  }
0xe: {  	[smem:$0x3FA9] =	sst s6  }
0xf: {  	[smem:$0x3FAA] =	sst s7  }
0x10: {  	[smem:$0x3FAB] =	sst s8  }
0x11: {  	[smem:$0x3FAC] =	sst s9;
	s0 =	simm.s32 @!p0 $0x0  }
0x12: {  	s1 =	sld [smem:$0x3F92];
	s0 =	simm.s32 @p0 $0x1  }
0x13: {  	[smem:$0x3FAD] =	sst s0;
	s0 =	simm.s32 @!p1 $0x0  }
0x14: {  	s2 =	sld [smem:$0x3F91];
	s0 =	simm.s32 @p1 $0x1  }
0x15: {  	[smem:$0x3FAE] =	sst s0;
	s0 =	simm.s32 @!p2 $0x0  }
0x16: {  	s3 =	sld [smem:$0x3FDB];
	s0 =	simm.s32 @p2 $0x1  }
0x17: {  	s4 =	simm.s32 $0x1BF5;
	[smem:$0x3FB0] =	sst s0  }
0x18: {  	s0 =	sld [smem:$0x3F93];
	_ =	swait.ge [sflag:s4], $0x0  }
0x19: {  	s7 =	sld [smem:$0x3F94]  }
0x1a: {  	s8 =	sadd.s32 $0xFFFFE003, lr  }
0x1b: {  	s9 =	sadd.s32 $0xFFFFFEF7, lr;
	s5 =	simm.s32 $0xFFFFFFFF;
	p2 =	slt.u32 s8, $0xFFFFF086  }
0x1c: {  	p1 =	slt.u32 s9, $0xF7A;
	s5 =	simm.s32 @!p2 $0x0  }
0x1d: {  	s5 =	simm.s32 @p1 $0x1;
	p0 =	seq.s32 s7, s2  }
0x1e: {  	s7 =	smul.u32 @!p0 $0xF7A, s2;
	p2 =	seq.s32 @!p0 s5, $0x0  }
0x1f: {  	s9 =	smul.u32 $0xF7A, s1;
	s8 =	simm.s32 @!p0 $0x1BF5;
	p2 =	por !p2, p0  }
0x20: {  	[sflag:s8] =	ssyncset.s32 @!p0 $0xFFFFF086;
	s6 =	sadd.s32 @!p0 s3, s7;
	s7 =	simm.s32 @!p0 $0x108  }
0x21: {  	s3 =	sadd.s32 s3, s9;
	s6 =	sadd.s32 @!p0 $0x88, s6;
	s7 =	simm.s32 @p2 $0x1082  }
0x22: {  	[simem:s7], [sflag:s8] =	dma.local @!p0 [hbm:s6], $0xF7A  }
0x23: {  	s9 =	sor.u32 $0xD0000000, s2;
	s6 =	simm.s32 $0x108;
	_ =	swait.ge @!p0 [sflag:s8], $0x0  }
0x24: {  	s3 =	sadd.s32 $0x88, s3;
	s6 =	simm.s32 @!p1 $0x1082;
	[sflag:s4] =	ssyncset.s32 $0xFFFFF086  }
0x25: {  	[simem:s6], [sflag:s4] =	dma.local [hbm:s3], $0xF7A  }
0x26: {  	[smem:$0x3F94] =	sst s1;
	(tag) =	ssettag s2;
	_ =	strace s9  }
0x27: {  	s1 =	sld [smem:$0x3FA4]  }
0x28: {  	s2 =	sld [smem:$0x3FA5]  }
0x29: {  	s4 =	sld [smem:$0x3FA7]  }
0x2a: {  	p0 =	seq.s32 s5, $0x0;
	s5 =	sld [smem:$0x3FA8]  }
0x2b: {  	s6 =	sld [smem:$0x3FA9]  }
0x2c: {  	s7 =	sld [smem:$0x3FAA]  }
0x2d: {  	s3 =	simm.s32 $0x108;
	s8 =	sld [smem:$0x3FAB]  }
0x2e: {  	s3 =	simm.s32 @!p0 $0x1082;
	s9 =	sld [smem:$0x3FAC]  }
0x2f: {  	lr =	sadd.s32 s0, s3;
	s0 =	sld [smem:$0x3FA3]  }
0x30: {  	s3 =	sld [smem:$0x3FA6]  }
0x31: {  	[smem:$0x3FAF] =	sst s10  }
0x32: {  	s10 =	sld [smem:$0x3FAD];
	_ =	sdelay $0x3  }
0x33: {  	p0 =	seq.s32 s10, $0x1;
	s10 =	sld [smem:$0x3FAF];
	_ =	sdelay $0x3  }
0x34: {  	[smem:$0x3FAF] =	sst s10  }
0x35: {  	s10 =	sld [smem:$0x3FAE];
	_ =	sdelay $0x3  }
0x36: {  	p1 =	seq.s32 s10, $0x1;
	s10 =	sld [smem:$0x3FAF];
	_ =	sdelay $0x3  }
0x37: {  	[smem:$0x3FAF] =	sst s10  }
0x38: {  	s10 =	sld [smem:$0x3FB0]  }
0x39: {  	_ = 	snop;
	(pc) =	sbr.ind lr, $3  }
0x3a: {  	_ = 	snop  }
0x3b: {  	_ = 	snop  }
0x3c: {  	p2 =	seq.s32 s10, $0x1;
	s10 =	sld [smem:$0x3FAF]  }
0x3d: {  	_ =	shalt  }
0x3e: {  	_ =	shalt  }
0x3f: {  	_ =	shalt  }
0x40: {  	_ =	shalt  }
0x41: {  	_ =	shalt  }
0x42: {  	_ =	shalt  }
0x43: {  	_ =	shalt  }
0x44: {  	_ =	shalt  }
0x45: {  	_ =	shalt  }
0x46: {  	_ =	shalt  }
0x47: {  	_ =	shalt  }
0x48: {  	_ =	shalt  }
0x49: {  	_ =	shalt  }
0x4a: {  	_ =	shalt  }
0x4b: {  	_ =	shalt  }
0x4c: {  	_ =	shalt  }
0x4d: {  	_ =	shalt  }
0x4e: {  	_ =	shalt  }
0x4f: {  	_ =	shalt  }
0x50: {  	_ =	shalt  }
0x51: {  	_ =	shalt  }
0x52: {  	_ =	shalt  }
0x53: {  	_ =	shalt  }
0x54: {  	_ =	shalt  }
0x55: {  	_ =	shalt  }
0x56: {  	_ =	shalt  }
0x57: {  	_ =	shalt  }
0x58: {  	_ =	shalt  }
0x59: {  	_ =	shalt  }
0x5a: {  	_ =	shalt  }
0x5b: {  	_ =	shalt  }
0x5c: {  	_ =	shalt  }
0x5d: {  	_ =	shalt  }
0x5e: {  	_ =	shalt  }
0x5f: {  	_ =	shalt  }
0x60: {  	_ =	shalt  }
0x61: {  	_ =	shalt  }
0x62: {  	_ =	shalt  }
0x63: {  	_ =	shalt  }
0x64: {  	_ =	shalt  }
0x65: {  	_ =	shalt  }
0x66: {  	_ =	shalt  }
0x67: {  	_ =	shalt  }
0x68: {  	_ =	shalt  }
0x69: {  	_ =	shalt  }
0x6a: {  	_ =	shalt  }
0x6b: {  	_ =	shalt  }
0x6c: {  	_ =	shalt  }
0x6d: {  	_ =	shalt  }
0x6e: {  	_ =	shalt  }
0x6f: {  	_ =	shalt  }
0x70: {  	_ =	shalt  }
0x71: {  	_ =	shalt  }
0x72: {  	_ =	shalt  }
0x73: {  	_ =	shalt  }
0x74: {  	_ =	shalt  }
0x75: {  	_ =	shalt  }
0x76: {  	_ =	shalt  }
0x77: {  	_ =	shalt  }
0x78: {  	_ =	shalt  }
0x79: {  	_ =	shalt  }
0x7a: {  	_ =	shalt  }
0x7b: {  	_ =	shalt  }
0x7c: {  	_ =	shalt  }
0x7d: {  	_ =	shalt  }
0x7e: {  	_ =	shalt  }
0x7f: {  	_ =	shalt  }
0x80: {  	_ =	shalt  }
0x81: {  	_ =	shalt  }
0x82: {  	_ =	shalt  }
0x83: {  	_ =	shalt  }
0x84: {  	_ =	shalt  }
0x85: {  	_ =	shalt  }
0x86: {  	_ =	shalt  }
0x87: {  	_ =	shalt  }
.Lfunc_end0:
.L_simem_size_0:
called_computation.1_lowered:
.L_overlay_start_0:
0x88: {  	s2 =	sld [smem:$0x3FD9]  }
0x89: {  	s3 =	sld [smem:$0x3FFE];
	_ =	sdelay $0x1  }
0x8a: {  	s1 =	srdreg.scid  }
0x8b: {  	s0 =	sand.u32 $0x1, s1  }
0x8c: {  	s17 =	sshll.u32 s0, $0xA;
	s2 =	sadd.s32 s3, s2  }
0x8d: {  	s2 =	sadd.s32 s2, s17  }
0x8e: {  	[smem:$0x3FBB] =	sst s2  }
0x8f: {  	_ = 	snop  }
0x90: {  	s2 =	sld [smem:$0x3FD0];
	(tm) =	ssettm $0x1  }
0x91: {  	s18 =	sld [smem:$0x3FFB];
	_ =	sdelay $0x3  }
0x92: {  	_ =	strace s18  }
0x93: {  	s3 =	sld [smem:$0x3FFC];
	_ =	sdelay $0x3  }
0x94: {  	_ =	strace s3  }
0x95: {  	s3 =	sld [smem:$0x3FFD];
	_ =	sdelay $0x3  }
0x96: {  	_ =	strace s3  }
0x97: {  	_ =	strace $0x8FFFFFFF  }
0x98: {  	s19 =	sld [smem:$0x3FDB];
	_ =	sdelay $0x1  }
0x99: {  	s4 =	simm.s32 $_scs_section_size  }
0x9a: {  	s5 =	simm.s32 $_size__tile_overlayer_lowered;
	s6 =	simm.s32 $_tile_overlayer_lowered  }
0x9b: {  	s22 =	simm.s32 $0x1BFF;
	s21 =	sshll.u32 s6, $0x1;
	s3 =	sadd.s32 s4, s19  }
0x9c: {  	s7 =	simm.s32 $0x0;
	s20 =	sshll.u32 s5, $0x1;
	s5 =	sadd.s32 s21, s3  }
0x9d: {  	[timem:s7], [sflag:s22] =	dma.local [hbm:s5], s20  }
0x9e: {  	_ =	swait.ge [sflag:s22], s20  }
0x9f: {  	s4 =	ssub.s32 $0x0, s20;
	[sflag:s22] =	ssyncset.done $0x0  }
0xa0: {  	[sflag:s22] =	ssyncadd.s32 s4;
	_ =	sdelay $0x1  }
0xa1: {  	s23 =	simm.s32 $0x1B8B  }
0xa2: {  	_ =	swait.ge [sflag:s23], $0x1  }
0xa3: {  	[sflag:s23] =	ssyncset.done $0x0  }
0xa4: {  	s25 =	simm.s32 $0x1B8E;
	s24 =	sld [smem:$0x3FFE];
	[sflag:s23] =	ssyncadd.s32 $0xFFFFFFFF  }
0xa5: {  	s26 =	simm.s32 $execute0_lowered;
	[smem:$0x3FD2] =	sst s25  }
0xa6: {  	s5 =	sshll.u32 s26, $0x1;
	_ =	strace $0x80000049;
	[dreg:$0x1] =	wrdreg $0xFFFFFFFF  }
0xa7: {  	s28 =	simm.s32 $_size_execute0_lowered;
	s3 =	sadd.s32 s3, s5;
	[dreg:$0x0] =	wrdreg $0x0  }
0xa8: {  	s5 =	sshll.u32 s28, $0x1;
	[dreg:$0x2] =	wrdreg s3  }
0xa9: {  	[dreg:$0x3] =	wrdreg s5  }
0xaa: {  	[dreg:$0x4] =	wrdreg $0xC0  }
0xab: {  	_ =	task [dreg:s7], $0x5FFFF  }
0xac: {  	[dreg:$0x1] =	wrdreg $0xFFFFFFFF  }
0xad: {  	[dreg:$0x0] =	wrdreg $0x60  }
0xae: {  	[dreg:$0x2] =	wrdreg s2  }
0xaf: {  	[dreg:$0x3] =	wrdreg s24  }
0xb0: {  	[dreg:$0x4] =	wrdreg $0x0  }
0xb1: {  	[dreg:$0x5] =	wrdreg $0x9  }
0xb2: {  	_ =	task.clear_ibuf [dreg:s7], $0x6FFFF;
	_ =	strace $0x90000049  }
0xb3: {  	s29 =	simm.s32 $0x9;
	_ =	strace $0x8000004B  }
0xb4: {  	_ =	swait.ge [sflag:s29], $0x1  }
0xb5: {  	[sflag:s29] =	ssyncadd.s32 $0xFFFFFFFF  }
0xb6: {  	_ =	strace $0x9000004B  }
0xb7: {  	_ =	sfence  }
0xb8: {  	s30 =	sld [smem:$0x0];
	_ =	sdelay $0x2  }
0xb9: {  	s31 =	sshll.u32 s1, $0xD;
	s1 =	sshrl.u32 s1, $0x2  }
0xba: {  	s3 =	sand.u32 $0x4000, s31;
	s1 =	sadd.s32 s1, s30  }
0xbb: {  	s0 =	sor.u32 s3, s0;
	s1 =	sshll.u32 s1, $0x11  }
0xbc: {  	s0 =	sor.u32 s1, s0  }
0xbd: {  	s0 =	sadd.s32 $0x8F2B, s0  }
0xbe: {  	[sflag:s0] =	ssyncadd.remote.s32 $0x1  }
0xbf: {  	_ =	sfence.sel $0xFFFF  }
0xc0: {  	[dreg:$0x0] =	wrdreg $0xFFFFFFFF;
	(pc) =	sbr.abs _section_cstart, $3  }
0xc1: {  	[dreg:$0x1] =	wrdreg $0xFFFFFFFF  }
0xc2: {  	_ =	task.clear_ibuf [dreg:s7], $0x2FFFF;
	_ =	strace $0x9FFFFFFF  }
0xc3: {  	(tm) =	ssettm $0x7FFFFFFF  }
tec
execute0_lowered:
.L_overlay_start_1:
0x0: {  	(tag) =	ssettag $0x1  }
0x1: {  	s8 =	rddreg [dreg:$0x0]  }
0x2: {  	s4 =	rddreg [dreg:$0x1]  }
0x3: {  	s2 =	rddreg [dreg:$0x2]  }
0x4: {  	s0 =	rddreg [dreg:$0x3]  }
0x5: {  	s3 =	simm.s32 $0x0;
	s1 =	stileid.u32;
	s6 =	srdreg.scid  }
0x6: {  	s18 =	simm.s32 $0x50;
	s19 =	simm.s32 $0x13880;
	s20 =	simm.s32 $0x1  }
0x7: {  	s21 =	simm.s32 $0x2;
	s22 =	simm.s32 $0x0;
	s5 =	smul.u32 $0x4E2, s1  }
0x8: {  	[smem:$0x7FF] =	sst s3;
	s7 =	sshll.u32 s1, $0xB;
	s11 =	smul.u32 $0x32000, s1  }
0x9: {  	s6 =	sand.u32 $0x1, s6;
	s10 =	sadd.s32 $0x46600, s4;
	s13 =	smul.u32 $0x190, s1  }
0xa: {  	s14 =	sor.u32 $0x10, s1;
	p0 =	sgt.u32 s1, $0x8;
	s9 =	smul.u32 $0x2710, s6  }
0xb: {  	s31 =	sshll.u32 s1, $0x6;
	_ =	strace $0x8000004A;
	s15 =	smul.u32 $0x32000, s14  }
0xc: {  	s7 =	sadd.s32 s7, s4;
	s26 =	ssub.s32 $0x2, s6;
	s14 =	smul.u32 $0x190, s14  }
0xd: {  	s30 =	smul.u32 $0x27100, s6;
	s5 =	sadd.s32 s5, s4;
	s12 =	sshrl.u32 s26, $0x1  }
0xe: {  	s11 =	sshrl.u32 s11, $0x2;
	s12 =	ssub.s32 s26, s12;
	s4 =	sadd.s32 $0x12400, s5  }
0xf: {  	s13 =	sadd.s32 s13, s9;
	s5 =	sadd.s32 $0x3E600, s7;
	s16 =	sadd.s32 s11, s2  }
0x10: {  	s29 =	sshrl.u32 s15, $0x2;
	s9 =	sadd.s32 s9, s14;
	s15 =	sor.u32 $0x1C03, s31  }
.Ltmp0:
0x11: {  	s28 =	sshll.u32 s13, $0x4;
	s17 =	sadd.s32 s29, s2;
	(pc) =	sbr.rel .LBB2_1-.Ltmp0, $4  }
0x12: {  	s14 =	sshll.u32 s9, $0x4;
	s11 =	smax.u32 s12, $0x1;
	s12 =	simm.s32 $0x18880  }
0x13: {  	s13 =	simm.s32 $0x3;
	s16 =	sshrl.u32 s16, $0x3;
	s6 =	sadd.s32 s8, s28  }
0x14: {  	s7 =	sadd.s32 s8, s14;
	s8 =	sadd.s32 s8, s30;
	s9 =	sadd.s32 s10, s28  }
0x15: {  	s10 =	sadd.s32 s10, s14;
	s14 =	simm.s32 $0x1B000;
	s17 =	sshrl.u32 @!p0 s17, $0x3  }
.LBB2_7:
0x16: {  	_ =	swait.ge [sflag:s21], $0x5000  }
0x17: {  	[sflag:s21] =	ssyncset.done $0x0  }
0x18: {  	[sflag:s21] =	ssyncadd.s32 $0xFFFFB000  }
0x19: {  	[bflag:$0x0] =	sbarrier.arrive $0xFFFF  }
0x1a: {  	[hbm:s9], [sflag:s15] =	dma.local [spmem:s16], $0x1900  }
0x1b: {  	s22 =	sadd.s32 $0x1, s22;
	_ =	swait.ge [sflag:s13], $0x1900  }
0x1c: {  	p1 =	sne.s32 s22, s11;
	[sflag:s13] =	ssyncset.done $0x0  }
.Ltmp1:
0x1d: {  	s23 =	simm.s32 @!p0 $0x3;
	[sflag:s13] =	ssyncadd.s32 $0xFFFFE700;
	(pc) =	sbr.rel @!p1 .LBB2_8-.Ltmp1, $4  }
0x1e: {  	[hbm:s10], [sflag:s15] =	dma.local @!p0 [spmem:s17], $0x1900  }
0x1f: {  	_ =	swait.ge @!p0 [sflag:s23], $0x1900  }
0x20: {  	[sflag:s23] =	ssyncset.done @!p0 $0x0  }
0x21: {  	[sflag:s23] =	ssyncadd.s32 @!p0 $0xFFFFE700  }
.LBB2_1:
0x22: {  	[tilespmem:s12], [sflag:$0x3] =	stream.linear.gather [hbm4b:s4+s3], $0x2710, $0x38;
	[tilespmem:$0x1F000] =	vst v63  }
0x23: {  	_ =	swait.ge [sflag:s13], $0x2710  }
0x24: {  	[sflag:s13] =	ssyncset.done $0x0  }
0x25: {  	[sflag:s13] =	ssyncadd.s32 $0xFFFFD8F0  }
0x26: {  	[tilespmem:s14], [sflag:$0x3] =	stream.linear.gather [hbm4b:s5+s3], $0x3E80, $0x38;
	[tilespmem:$0x1F000] =	vst v63  }
0x27: {  	_ =	swait.ge [sflag:s13], $0x3E80  }
0x28: {  	[sflag:s13] =	ssyncset.done $0x0  }
0x29: {  	[sflag:s13] =	ssyncadd.s32 $0xFFFFC180  }
0x2a: {  	[spmem:s16], [sflag:s15] =	dma.local [hbm:s6], $0x1900  }
0x2b: {  	_ =	swait.ge [sflag:s13], $0x1900  }
0x2c: {  	[sflag:s13] =	ssyncset.done $0x0  }
0x2d: {  	s23 =	simm.s32 @!p0 $0x3;
	[sflag:s13] =	ssyncadd.s32 $0xFFFFE700  }
0x2e: {  	[spmem:s17], [sflag:s15] =	dma.local @!p0 [hbm:s7], $0x1900  }
.Ltmp2:
0x2f: {  	_ =	swait.ge @!p0 [sflag:s23], $0x1900;
	(pc) =	sbr.rel .LBB2_2-.Ltmp2, $4  }
0x30: {  	[sflag:s23] =	ssyncset.done @!p0 $0x0  }
0x31: {  	s24 =	simm.s32 $0x1B000;
	[sflag:s23] =	ssyncadd.s32 @!p0 $0xFFFFE700  }
0x32: {  	s25 =	simm.s32 $0x0;
	s23 =	simm.s32 $0x188D0;
	[bflag:$0x0] =	sbarrier.arrive $0xFFFF  }
0x33: {  	[tilespmem:s19], [sflag:$0x1] =	stream.indirect.gather [hbm4b:s8+s18], $0x80, s12, s18, $0xb8;
	[tilespmem:$0x1F000] =	vst v63  }
.LBB2_5:
0x34: {  	s28 =	sxor.u32 $0x1, s26  }
0x35: {  	s28 =	smul.u32 $0xA000, s28;
	_ =	sdelay $0x1  }
0x36: {  	s28 =	sshrl.u32 s28, $0x2  }
0x37: {  	s28 =	sadd.s32 $0x13880, s28  }
0x38: {  	[tilespmem:s28], [sflag:$0x1] =	stream.indirect.gather [hbm4b:s8+s18], $0x80, s23, s18, $0xb8;
	[tilespmem:$0x1F000] =	vst v63  }
.LBB2_6:
0x39: {  	s25 =	sadd.s32 $0x1, s25  }
0x3a: {  	s26 =	smul.u32 $0xA000, s26;
	p1 =	sne.s32 s25, $0x7D  }
.Ltmp3:
0x3b: {  	_ =	swait.ge [sflag:s20], $0x2800;
	(pc) =	sbr.rel @!p1 .LBB2_7-.Ltmp3, $4  }
0x3c: {  	[sflag:s20] =	ssyncset.done $0x0;
	s26 =	sshrl.u32 s26, $0x2  }
0x3d: {  	[sflag:s20] =	ssyncadd.s32 $0xFFFFD800;
	s26 =	sadd.s32 $0x13880, s26  }
0x3e: {  	[spmem:s2] =	stream.indirect.scatter.add.f32 [tilespmem:s26], [sflag:$0x2], $0x80, s24, s18, $0xb8;
	[tilespmem:$0x1F000] =	vst v63  }
0x3f: {  	s23 =	sadd.s32 $0x50, s23;
	s24 =	sadd.s32 $0x80, s24  }
.LBB2_2:
0x40: {  	p1 =	seq.s32 s25, $0x0  }
.Ltmp4:
0x41: {  	_ = 	snop;
	(pc) =	sbr.rel @p1 .LBB2_5-.Ltmp4, $2  }
0x42: {  	_ =	sdelay $0x2  }
0x43: {  	s26 =	sand.u32 $0x1, s25  }
0x44: {  	p1 =	seq.s32 s25, $0x7C  }
.Ltmp5:
0x45: {  	_ = 	snop;
	(pc) =	sbr.rel @p1 .LBB2_6-.Ltmp5, $1  }
0x46: {  	_ =	sdelay $0x3  }
.Ltmp6:
0x47: {  	(pc) =	sbr.rel .LBB2_5-.Ltmp6, $4  }
0x48: {  	_ = 	snop  }
0x49: {  	_ =	swait.ge [sflag:s21], $0x2800  }
0x4a: {  	[sflag:s21] =	ssyncset.done $0x0  }
0x4b: {  	[sflag:s21] =	ssyncadd.s32 $0xFFFFD800  }
.LBB2_8:
0x4c: {  	_ =	sfence.sel $0x180000  }
0x4d: {  	[bflag:$0x0] =	sbarrier.arrive $0xFFFF  }
0x4e: {  	p0 =	sne.s32 s1, $0x0;
	_ =	strace $0x9000004A  }
0x4f: {  	s0 =	sadd.s32 @!p0 $0x100000, s0;
	[bflag:$0x2] =	sbarrier.arrive $0xFFFF  }
0x50: {  	[sflag:s0] =	ssyncadd.tile.s32 @!p0 $0x1;
	_ =	shalt  }
.Lfunc_end2:
_tile_overlayer_lowered:
.L_overlay_start_2:
0x51: {  	(tag) =	ssettag $0x2  }
0x52: {  	s0 =	rddreg [dreg:$0x0];
	s2 =	stileid.u32  }
0x53: {  	s1 =	rddreg [dreg:$0x1];
	p0 =	sne.s32 s2, $0x0  }
0x54: {  	s3 =	rddreg [dreg:$0x2];
	[bflag:$0x3] =	sbarrier.arrive $0xFFFF;
	s2 =	simm.s32 @!p0 $0x1C03  }
0x55: {  	[timem:s3], [sflag:s2] =	dma.local @!p0 [hbm:s0], s1  }
0x56: {  	s0 =	simm.s32 @!p0 $0x3  }
0x57: {  	_ =	swait.ge @!p0 [sflag:s0], s1  }
0x58: {  	s1 =	ssub.s32 @!p0 $0x0, s1;
	[sflag:s0] =	ssyncset.done @!p0 $0x0  }
0x59: {  	[sflag:s0] =	ssyncadd.s32 @!p0 s1  }
0x5a: {  	[bflag:$0x3] =	sbarrier.arrive $0xFFFF  }
0x5b: {  	_ =	shalt  }

// kernel: kernel.20.cloned.1.call-start
scs
__scs_entry_jumppad:
0x0: {  	(pc) =	sbr.rel $0x88, $3  }
0x1: {  	(tag) =	ssettag $0x0;
	lr =	simm.s32 $0x1  }
0x2: {  	[smem:$0x3F94] =	sst lr;
	_ =	strace $0xD0000000  }
0x3: {  	_ = 	snop  }
0x4: {  	_ = 	snop  }
0x5: {  	_ = 	snop  }
0x6: {  	_ = 	snop  }
0x7: {  	_ = 	snop  }
__scs_overlays_trampoline_lowered:
0x8: {  	[smem:$0x3FA3] =	sst s0  }
0x9: {  	[smem:$0x3FA4] =	sst s1  }
0xa: {  	[smem:$0x3FA5] =	sst s2  }
0xb: {  	[smem:$0x3FA6] =	sst s3  }
0xc: {  	[smem:$0x3FA7] =	sst s4  }
0xd: {  	[smem:$0x3FA8] =	sst s5  }
0xe: {  	[smem:$0x3FA9] =	sst s6  }
0xf: {  	[smem:$0x3FAA] =	sst s7  }
0x10: {  	[smem:$0x3FAB] =	sst s8  }
0x11: {  	[smem:$0x3FAC] =	sst s9;
	s0 =	simm.s32 @!p0 $0x0  }
0x12: {  	s1 =	sld [smem:$0x3F92];
	s0 =	simm.s32 @p0 $0x1  }
0x13: {  	[smem:$0x3FAD] =	sst s0;
	s0 =	simm.s32 @!p1 $0x0  }
0x14: {  	s2 =	sld [smem:$0x3F91];
	s0 =	simm.s32 @p1 $0x1  }
0x15: {  	[smem:$0x3FAE] =	sst s0;
	s0 =	simm.s32 @!p2 $0x0  }
0x16: {  	s3 =	sld [smem:$0x3FDB];
	s0 =	simm.s32 @p2 $0x1  }
0x17: {  	s4 =	simm.s32 $0x1BF5;
	[smem:$0x3FB0] =	sst s0  }
0x18: {  	s0 =	sld [smem:$0x3F93];
	_ =	swait.ge [sflag:s4], $0x0  }
0x19: {  	s7 =	sld [smem:$0x3F94]  }
0x1a: {  	s8 =	sadd.s32 $0xFFFFE003, lr  }
0x1b: {  	s9 =	sadd.s32 $0xFFFFFEF7, lr;
	s5 =	simm.s32 $0xFFFFFFFF;
	p2 =	slt.u32 s8, $0xFFFFF086  }
0x1c: {  	p1 =	slt.u32 s9, $0xF7A;
	s5 =	simm.s32 @!p2 $0x0  }
0x1d: {  	s5 =	simm.s32 @p1 $0x1;
	p0 =	seq.s32 s7, s2  }
0x1e: {  	s7 =	smul.u32 @!p0 $0xF7A, s2;
	p2 =	seq.s32 @!p0 s5, $0x0  }
0x1f: {  	s9 =	smul.u32 $0xF7A, s1;
	s8 =	simm.s32 @!p0 $0x1BF5;
	p2 =	por !p2, p0  }
0x20: {  	[sflag:s8] =	ssyncset.s32 @!p0 $0xFFFFF086;
	s6 =	sadd.s32 @!p0 s3, s7;
	s7 =	simm.s32 @!p0 $0x108  }
0x21: {  	s3 =	sadd.s32 s3, s9;
	s6 =	sadd.s32 @!p0 $0x88, s6;
	s7 =	simm.s32 @p2 $0x1082  }
0x22: {  	[simem:s7], [sflag:s8] =	dma.local @!p0 [hbm:s6], $0xF7A  }
0x23: {  	s9 =	sor.u32 $0xD0000000, s2;
	s6 =	simm.s32 $0x108;
	_ =	swait.ge @!p0 [sflag:s8], $0x0  }
0x24: {  	s3 =	sadd.s32 $0x88, s3;
	s6 =	simm.s32 @!p1 $0x1082;
	[sflag:s4] =	ssyncset.s32 $0xFFFFF086  }
0x25: {  	[simem:s6], [sflag:s4] =	dma.local [hbm:s3], $0xF7A  }
0x26: {  	[smem:$0x3F94] =	sst s1;
	(tag) =	ssettag s2;
	_ =	strace s9  }
0x27: {  	s1 =	sld [smem:$0x3FA4]  }
0x28: {  	s2 =	sld [smem:$0x3FA5]  }
0x29: {  	s4 =	sld [smem:$0x3FA7]  }
0x2a: {  	p0 =	seq.s32 s5, $0x0;
	s5 =	sld [smem:$0x3FA8]  }
0x2b: {  	s6 =	sld [smem:$0x3FA9]  }
0x2c: {  	s7 =	sld [smem:$0x3FAA]  }
0x2d: {  	s3 =	simm.s32 $0x108;
	s8 =	sld [smem:$0x3FAB]  }
0x2e: {  	s3 =	simm.s32 @!p0 $0x1082;
	s9 =	sld [smem:$0x3FAC]  }
0x2f: {  	lr =	sadd.s32 s0, s3;
	s0 =	sld [smem:$0x3FA3]  }
0x30: {  	s3 =	sld [smem:$0x3FA6]  }
0x31: {  	[smem:$0x3FAF] =	sst s10  }
0x32: {  	s10 =	sld [smem:$0x3FAD];
	_ =	sdelay $0x3  }
0x33: {  	p0 =	seq.s32 s10, $0x1;
	s10 =	sld [smem:$0x3FAF];
	_ =	sdelay $0x3  }
0x34: {  	[smem:$0x3FAF] =	sst s10  }
0x35: {  	s10 =	sld [smem:$0x3FAE];
	_ =	sdelay $0x3  }
0x36: {  	p1 =	seq.s32 s10, $0x1;
	s10 =	sld [smem:$0x3FAF];
	_ =	sdelay $0x3  }
0x37: {  	[smem:$0x3FAF] =	sst s10  }
0x38: {  	s10 =	sld [smem:$0x3FB0]  }
0x39: {  	_ = 	snop;
	(pc) =	sbr.ind lr, $3  }
0x3a: {  	_ = 	snop  }
0x3b: {  	_ = 	snop  }
0x3c: {  	p2 =	seq.s32 s10, $0x1;
	s10 =	sld [smem:$0x3FAF]  }
0x3d: {  	_ =	shalt  }
0x3e: {  	_ =	shalt  }
0x3f: {  	_ =	shalt  }
0x40: {  	_ =	shalt  }
0x41: {  	_ =	shalt  }
0x42: {  	_ =	shalt  }
0x43: {  	_ =	shalt  }
0x44: {  	_ =	shalt  }
0x45: {  	_ =	shalt  }
0x46: {  	_ =	shalt  }
0x47: {  	_ =	shalt  }
0x48: {  	_ =	shalt  }
0x49: {  	_ =	shalt  }
0x4a: {  	_ =	shalt  }
0x4b: {  	_ =	shalt  }
0x4c: {  	_ =	shalt  }
0x4d: {  	_ =	shalt  }
0x4e: {  	_ =	shalt  }
0x4f: {  	_ =	shalt  }
0x50: {  	_ =	shalt  }
0x51: {  	_ =	shalt  }
0x52: {  	_ =	shalt  }
0x53: {  	_ =	shalt  }
0x54: {  	_ =	shalt  }
0x55: {  	_ =	shalt  }
0x56: {  	_ =	shalt  }
0x57: {  	_ =	shalt  }
0x58: {  	_ =	shalt  }
0x59: {  	_ =	shalt  }
0x5a: {  	_ =	shalt  }
0x5b: {  	_ =	shalt  }
0x5c: {  	_ =	shalt  }
0x5d: {  	_ =	shalt  }
0x5e: {  	_ =	shalt  }
0x5f: {  	_ =	shalt  }
0x60: {  	_ =	shalt  }
0x61: {  	_ =	shalt  }
0x62: {  	_ =	shalt  }
0x63: {  	_ =	shalt  }
0x64: {  	_ =	shalt  }
0x65: {  	_ =	shalt  }
0x66: {  	_ =	shalt  }
0x67: {  	_ =	shalt  }
0x68: {  	_ =	shalt  }
0x69: {  	_ =	shalt  }
0x6a: {  	_ =	shalt  }
0x6b: {  	_ =	shalt  }
0x6c: {  	_ =	shalt  }
0x6d: {  	_ =	shalt  }
0x6e: {  	_ =	shalt  }
0x6f: {  	_ =	shalt  }
0x70: {  	_ =	shalt  }
0x71: {  	_ =	shalt  }
0x72: {  	_ =	shalt  }
0x73: {  	_ =	shalt  }
0x74: {  	_ =	shalt  }
0x75: {  	_ =	shalt  }
0x76: {  	_ =	shalt  }
0x77: {  	_ =	shalt  }
0x78: {  	_ =	shalt  }
0x79: {  	_ =	shalt  }
0x7a: {  	_ =	shalt  }
0x7b: {  	_ =	shalt  }
0x7c: {  	_ =	shalt  }
0x7d: {  	_ =	shalt  }
0x7e: {  	_ =	shalt  }
0x7f: {  	_ =	shalt  }
0x80: {  	_ =	shalt  }
0x81: {  	_ =	shalt  }
0x82: {  	_ =	shalt  }
0x83: {  	_ =	shalt  }
0x84: {  	_ =	shalt  }
0x85: {  	_ =	shalt  }
0x86: {  	_ =	shalt  }
0x87: {  	_ =	shalt  }
.Lfunc_end0:
.L_simem_size_0:
called_computation.2_lowered:
.L_overlay_start_0:
0x88: {  	s2 =	sld [smem:$0x3FD9]  }
0x89: {  	s3 =	sld [smem:$0x3FFE];
	_ =	sdelay $0x1  }
0x8a: {  	s1 =	srdreg.scid  }
0x8b: {  	s0 =	sand.u32 $0x1, s1  }
0x8c: {  	s17 =	sshll.u32 s0, $0xA;
	s2 =	sadd.s32 s3, s2  }
0x8d: {  	s2 =	sadd.s32 s2, s17  }
0x8e: {  	[smem:$0x3FBB] =	sst s2  }
0x8f: {  	_ = 	snop  }
0x90: {  	s2 =	sld [smem:$0x3FD0];
	(tm) =	ssettm $0x1  }
0x91: {  	s18 =	sld [smem:$0x3FFB];
	_ =	sdelay $0x3  }
0x92: {  	_ =	strace s18  }
0x93: {  	s3 =	sld [smem:$0x3FFC];
	_ =	sdelay $0x3  }
0x94: {  	_ =	strace s3  }
0x95: {  	s3 =	sld [smem:$0x3FFD];
	_ =	sdelay $0x3  }
0x96: {  	_ =	strace s3  }
0x97: {  	_ =	strace $0x8FFFFFFF  }
0x98: {  	s19 =	sld [smem:$0x3FDB];
	_ =	sdelay $0x1  }
0x99: {  	s4 =	simm.s32 $_scs_section_size  }
0x9a: {  	s5 =	simm.s32 $_size__tile_overlayer_lowered;
	s6 =	simm.s32 $_tile_overlayer_lowered  }
0x9b: {  	s22 =	simm.s32 $0x1BFF;
	s21 =	sshll.u32 s6, $0x1;
	s3 =	sadd.s32 s4, s19  }
0x9c: {  	s7 =	simm.s32 $0x0;
	s20 =	sshll.u32 s5, $0x1;
	s5 =	sadd.s32 s21, s3  }
0x9d: {  	[timem:s7], [sflag:s22] =	dma.local [hbm:s5], s20  }
0x9e: {  	_ =	swait.ge [sflag:s22], s20  }
0x9f: {  	s4 =	ssub.s32 $0x0, s20;
	[sflag:s22] =	ssyncset.done $0x0  }
0xa0: {  	[sflag:s22] =	ssyncadd.s32 s4;
	_ =	sdelay $0x1  }
0xa1: {  	s23 =	simm.s32 $0x1B8B  }
0xa2: {  	_ =	swait.ge [sflag:s23], $0x1  }
0xa3: {  	[sflag:s23] =	ssyncset.done $0x0  }
0xa4: {  	s25 =	simm.s32 $0x1B8E;
	s24 =	sld [smem:$0x3FFE];
	[sflag:s23] =	ssyncadd.s32 $0xFFFFFFFF  }
0xa5: {  	s26 =	simm.s32 $execute0_lowered;
	[smem:$0x3FD2] =	sst s25  }
0xa6: {  	s5 =	sshll.u32 s26, $0x1;
	_ =	strace $0x8000004C;
	[dreg:$0x1] =	wrdreg $0xFFFFFFFF  }
0xa7: {  	s28 =	simm.s32 $_size_execute0_lowered;
	s3 =	sadd.s32 s3, s5;
	[dreg:$0x0] =	wrdreg $0x0  }
0xa8: {  	s5 =	sshll.u32 s28, $0x1;
	[dreg:$0x2] =	wrdreg s3  }
0xa9: {  	[dreg:$0x3] =	wrdreg s5  }
0xaa: {  	[dreg:$0x4] =	wrdreg $0xC0  }
0xab: {  	_ =	task [dreg:s7], $0x5FFFF  }
0xac: {  	[dreg:$0x1] =	wrdreg $0xFFFFFFFF  }
0xad: {  	[dreg:$0x0] =	wrdreg $0x60  }
0xae: {  	[dreg:$0x2] =	wrdreg s2  }
0xaf: {  	[dreg:$0x3] =	wrdreg s24  }
0xb0: {  	[dreg:$0x4] =	wrdreg $0x0  }
0xb1: {  	[dreg:$0x5] =	wrdreg $0x9  }
0xb2: {  	_ =	task.clear_ibuf [dreg:s7], $0x6FFFF;
	_ =	strace $0x9000004C  }
0xb3: {  	s29 =	simm.s32 $0x9;
	_ =	strace $0x8000004E  }
0xb4: {  	_ =	swait.ge [sflag:s29], $0x1  }
0xb5: {  	[sflag:s29] =	ssyncadd.s32 $0xFFFFFFFF  }
0xb6: {  	_ =	strace $0x9000004E  }
0xb7: {  	_ =	sfence  }
0xb8: {  	s30 =	sld [smem:$0x0];
	_ =	sdelay $0x2  }
0xb9: {  	s31 =	sshll.u32 s1, $0xD;
	s1 =	sshrl.u32 s1, $0x2  }
0xba: {  	s3 =	sand.u32 $0x4000, s31;
	s1 =	sadd.s32 s1, s30  }
0xbb: {  	s0 =	sor.u32 s3, s0;
	s1 =	sshll.u32 s1, $0x11  }
0xbc: {  	s0 =	sor.u32 s1, s0  }
0xbd: {  	s0 =	sadd.s32 $0x8F2B, s0  }
0xbe: {  	[sflag:s0] =	ssyncadd.remote.s32 $0x1  }
0xbf: {  	_ =	sfence.sel $0xFFFF  }
0xc0: {  	[dreg:$0x0] =	wrdreg $0xFFFFFFFF;
	(pc) =	sbr.abs _section_cstart, $3  }
0xc1: {  	[dreg:$0x1] =	wrdreg $0xFFFFFFFF  }
0xc2: {  	_ =	task.clear_ibuf [dreg:s7], $0x2FFFF;
	_ =	strace $0x9FFFFFFF  }
0xc3: {  	(tm) =	ssettm $0x7FFFFFFF  }
tec
execute0_lowered:
.L_overlay_start_1:
0x0: {  	(tag) =	ssettag $0x1  }
0x1: {  	s8 =	rddreg [dreg:$0x0]  }
0x2: {  	s4 =	rddreg [dreg:$0x1]  }
0x3: {  	s2 =	rddreg [dreg:$0x2]  }
0x4: {  	s0 =	rddreg [dreg:$0x3]  }
0x5: {  	s3 =	simm.s32 $0x0;
	s1 =	stileid.u32;
	s6 =	srdreg.scid  }
0x6: {  	s18 =	simm.s32 $0x50;
	s19 =	simm.s32 $0x13880;
	s20 =	simm.s32 $0x1  }
0x7: {  	s21 =	simm.s32 $0x2;
	s22 =	simm.s32 $0x0;
	s5 =	smul.u32 $0x4E2, s1  }
0x8: {  	[smem:$0x7FF] =	sst s3;
	s7 =	sshll.u32 s1, $0xB;
	s11 =	smul.u32 $0x32000, s1  }
0x9: {  	s6 =	sand.u32 $0x1, s6;
	s10 =	sadd.s32 $0x46600, s4;
	s13 =	smul.u32 $0x190, s1  }
0xa: {  	s14 =	sor.u32 $0x10, s1;
	p0 =	sgt.u32 s1, $0x8;
	s9 =	smul.u32 $0x2710, s6  }
0xb: {  	s31 =	sshll.u32 s1, $0x6;
	_ =	strace $0x8000004D;
	s15 =	smul.u32 $0x32000, s14  }
0xc: {  	s7 =	sadd.s32 s7, s4;
	s26 =	ssub.s32 $0x2, s6;
	s14 =	smul.u32 $0x190, s14  }
0xd: {  	s30 =	smul.u32 $0x27100, s6;
	s5 =	sadd.s32 s5, s4;
	s12 =	sshrl.u32 s26, $0x1  }
0xe: {  	s11 =	sshrl.u32 s11, $0x2;
	s12 =	ssub.s32 s26, s12;
	s4 =	sadd.s32 $0xD400, s5  }
0xf: {  	s13 =	sadd.s32 s13, s9;
	s5 =	sadd.s32 $0x3400, s7;
	s16 =	sadd.s32 s11, s2  }
0x10: {  	s29 =	sshrl.u32 s15, $0x2;
	s9 =	sadd.s32 s9, s14;
	s15 =	sor.u32 $0x1C03, s31  }
.Ltmp0:
0x11: {  	s28 =	sshll.u32 s13, $0x4;
	s17 =	sadd.s32 s29, s2;
	(pc) =	sbr.rel .LBB2_1-.Ltmp0, $4  }
0x12: {  	s14 =	sshll.u32 s9, $0x4;
	s11 =	smax.u32 s12, $0x1;
	s12 =	simm.s32 $0x18880  }
0x13: {  	s13 =	simm.s32 $0x3;
	s16 =	sshrl.u32 s16, $0x3;
	s6 =	sadd.s32 s8, s28  }
0x14: {  	s7 =	sadd.s32 s8, s14;
	s8 =	sadd.s32 s8, s30;
	s9 =	sadd.s32 s10, s28  }
0x15: {  	s10 =	sadd.s32 s10, s14;
	s14 =	simm.s32 $0x1B000;
	s17 =	sshrl.u32 @!p0 s17, $0x3  }
.LBB2_7:
0x16: {  	_ =	swait.ge [sflag:s21], $0x5000  }
0x17: {  	[sflag:s21] =	ssyncset.done $0x0  }
0x18: {  	[sflag:s21] =	ssyncadd.s32 $0xFFFFB000  }
0x19: {  	[bflag:$0x0] =	sbarrier.arrive $0xFFFF  }
0x1a: {  	[hbm:s9], [sflag:s15] =	dma.local [spmem:s16], $0x1900  }
0x1b: {  	s22 =	sadd.s32 $0x1, s22;
	_ =	swait.ge [sflag:s13], $0x1900  }
0x1c: {  	p1 =	sne.s32 s22, s11;
	[sflag:s13] =	ssyncset.done $0x0  }
.Ltmp1:
0x1d: {  	s23 =	simm.s32 @!p0 $0x3;
	[sflag:s13] =	ssyncadd.s32 $0xFFFFE700;
	(pc) =	sbr.rel @!p1 .LBB2_8-.Ltmp1, $4  }
0x1e: {  	[hbm:s10], [sflag:s15] =	dma.local @!p0 [spmem:s17], $0x1900  }
0x1f: {  	_ =	swait.ge @!p0 [sflag:s23], $0x1900  }
0x20: {  	[sflag:s23] =	ssyncset.done @!p0 $0x0  }
0x21: {  	[sflag:s23] =	ssyncadd.s32 @!p0 $0xFFFFE700  }
.LBB2_1:
0x22: {  	[tilespmem:s12], [sflag:$0x3] =	stream.linear.gather [hbm4b:s4+s3], $0x2710, $0x38;
	[tilespmem:$0x1F000] =	vst v63  }
0x23: {  	_ =	swait.ge [sflag:s13], $0x2710  }
0x24: {  	[sflag:s13] =	ssyncset.done $0x0  }
0x25: {  	[sflag:s13] =	ssyncadd.s32 $0xFFFFD8F0  }
0x26: {  	[tilespmem:s14], [sflag:$0x3] =	stream.linear.gather [hbm4b:s5+s3], $0x3E80, $0x38;
	[tilespmem:$0x1F000] =	vst v63  }
0x27: {  	_ =	swait.ge [sflag:s13], $0x3E80  }
0x28: {  	[sflag:s13] =	ssyncset.done $0x0  }
0x29: {  	[sflag:s13] =	ssyncadd.s32 $0xFFFFC180  }
0x2a: {  	[spmem:s16], [sflag:s15] =	dma.local [hbm:s6], $0x1900  }
0x2b: {  	_ =	swait.ge [sflag:s13], $0x1900  }
0x2c: {  	[sflag:s13] =	ssyncset.done $0x0  }
0x2d: {  	s23 =	simm.s32 @!p0 $0x3;
	[sflag:s13] =	ssyncadd.s32 $0xFFFFE700  }
0x2e: {  	[spmem:s17], [sflag:s15] =	dma.local @!p0 [hbm:s7], $0x1900  }
.Ltmp2:
0x2f: {  	_ =	swait.ge @!p0 [sflag:s23], $0x1900;
	(pc) =	sbr.rel .LBB2_2-.Ltmp2, $4  }
0x30: {  	[sflag:s23] =	ssyncset.done @!p0 $0x0  }
0x31: {  	s24 =	simm.s32 $0x1B000;
	[sflag:s23] =	ssyncadd.s32 @!p0 $0xFFFFE700  }
0x32: {  	s25 =	simm.s32 $0x0;
	s23 =	simm.s32 $0x188D0;
	[bflag:$0x0] =	sbarrier.arrive $0xFFFF  }
0x33: {  	[tilespmem:s19], [sflag:$0x1] =	stream.indirect.gather [hbm4b:s8+s18], $0x80, s12, s18, $0xb8;
	[tilespmem:$0x1F000] =	vst v63  }
.LBB2_5:
0x34: {  	s28 =	sxor.u32 $0x1, s26  }
0x35: {  	s28 =	smul.u32 $0xA000, s28;
	_ =	sdelay $0x1  }
0x36: {  	s28 =	sshrl.u32 s28, $0x2  }
0x37: {  	s28 =	sadd.s32 $0x13880, s28  }
0x38: {  	[tilespmem:s28], [sflag:$0x1] =	stream.indirect.gather [hbm4b:s8+s18], $0x80, s23, s18, $0xb8;
	[tilespmem:$0x1F000] =	vst v63  }
.LBB2_6:
0x39: {  	s25 =	sadd.s32 $0x1, s25  }
0x3a: {  	s26 =	smul.u32 $0xA000, s26;
	p1 =	sne.s32 s25, $0x7D  }
.Ltmp3:
0x3b: {  	_ =	swait.ge [sflag:s20], $0x2800;
	(pc) =	sbr.rel @!p1 .LBB2_7-.Ltmp3, $4  }
0x3c: {  	[sflag:s20] =	ssyncset.done $0x0;
	s26 =	sshrl.u32 s26, $0x2  }
0x3d: {  	[sflag:s20] =	ssyncadd.s32 $0xFFFFD800;
	s26 =	sadd.s32 $0x13880, s26  }
0x3e: {  	[spmem:s2] =	stream.indirect.scatter.add.f32 [tilespmem:s26], [sflag:$0x2], $0x80, s24, s18, $0xb8;
	[tilespmem:$0x1F000] =	vst v63  }
0x3f: {  	s23 =	sadd.s32 $0x50, s23;
	s24 =	sadd.s32 $0x80, s24  }
.LBB2_2:
0x40: {  	p1 =	seq.s32 s25, $0x0  }
.Ltmp4:
0x41: {  	_ = 	snop;
	(pc) =	sbr.rel @p1 .LBB2_5-.Ltmp4, $2  }
0x42: {  	_ =	sdelay $0x2  }
0x43: {  	s26 =	sand.u32 $0x1, s25  }
0x44: {  	p1 =	seq.s32 s25, $0x7C  }
.Ltmp5:
0x45: {  	_ = 	snop;
	(pc) =	sbr.rel @p1 .LBB2_6-.Ltmp5, $1  }
0x46: {  	_ =	sdelay $0x3  }
.Ltmp6:
0x47: {  	(pc) =	sbr.rel .LBB2_5-.Ltmp6, $4  }
0x48: {  	_ = 	snop  }
0x49: {  	_ =	swait.ge [sflag:s21], $0x2800  }
0x4a: {  	[sflag:s21] =	ssyncset.done $0x0  }
0x4b: {  	[sflag:s21] =	ssyncadd.s32 $0xFFFFD800  }
.LBB2_8:
0x4c: {  	_ =	sfence.sel $0x180000  }
0x4d: {  	[bflag:$0x0] =	sbarrier.arrive $0xFFFF  }
0x4e: {  	p0 =	sne.s32 s1, $0x0;
	_ =	strace $0x9000004D  }
0x4f: {  	s0 =	sadd.s32 @!p0 $0x100000, s0;
	[bflag:$0x2] =	sbarrier.arrive $0xFFFF  }
0x50: {  	[sflag:s0] =	ssyncadd.tile.s32 @!p0 $0x1;
	_ =	shalt  }
.Lfunc_end2:
_tile_overlayer_lowered:
.L_overlay_start_2:
0x51: {  	(tag) =	ssettag $0x2  }
0x52: {  	s0 =	rddreg [dreg:$0x0];
	s2 =	stileid.u32  }
0x53: {  	s1 =	rddreg [dreg:$0x1];
	p0 =	sne.s32 s2, $0x0  }
0x54: {  	s3 =	rddreg [dreg:$0x2];
	[bflag:$0x3] =	sbarrier.arrive $0xFFFF;
	s2 =	simm.s32 @!p0 $0x1C03  }
0x55: {  	[timem:s3], [sflag:s2] =	dma.local @!p0 [hbm:s0], s1  }
0x56: {  	s0 =	simm.s32 @!p0 $0x3  }
0x57: {  	_ =	swait.ge @!p0 [sflag:s0], s1  }
0x58: {  	s1 =	ssub.s32 @!p0 $0x0, s1;
	[sflag:s0] =	ssyncset.done @!p0 $0x0  }
0x59: {  	[sflag:s0] =	ssyncadd.s32 @!p0 s1  }
0x5a: {  	[bflag:$0x3] =	sbarrier.arrive $0xFFFF  }
0x5b: {  	_ =	shalt  }

// kernel: kernel.23.cloned.1.call-start
scs
__scs_entry_jumppad:
0x0: {  	(pc) =	sbr.rel $0x88, $3  }
0x1: {  	(tag) =	ssettag $0x0;
	lr =	simm.s32 $0x1  }
0x2: {  	[smem:$0x3F94] =	sst lr;
	_ =	strace $0xD0000000  }
0x3: {  	_ = 	snop  }
0x4: {  	_ = 	snop  }
0x5: {  	_ = 	snop  }
0x6: {  	_ = 	snop  }
0x7: {  	_ = 	snop  }
__scs_overlays_trampoline_lowered:
0x8: {  	[smem:$0x3FA3] =	sst s0  }
0x9: {  	[smem:$0x3FA4] =	sst s1  }
0xa: {  	[smem:$0x3FA5] =	sst s2  }
0xb: {  	[smem:$0x3FA6] =	sst s3  }
0xc: {  	[smem:$0x3FA7] =	sst s4  }
0xd: {  	[smem:$0x3FA8] =	sst s5  }
0xe: {  	[smem:$0x3FA9] =	sst s6  }
0xf: {  	[smem:$0x3FAA] =	sst s7  }
0x10: {  	[smem:$0x3FAB] =	sst s8  }
0x11: {  	[smem:$0x3FAC] =	sst s9;
	s0 =	simm.s32 @!p0 $0x0  }
0x12: {  	s1 =	sld [smem:$0x3F92];
	s0 =	simm.s32 @p0 $0x1  }
0x13: {  	[smem:$0x3FAD] =	sst s0;
	s0 =	simm.s32 @!p1 $0x0  }
0x14: {  	s2 =	sld [smem:$0x3F91];
	s0 =	simm.s32 @p1 $0x1  }
0x15: {  	[smem:$0x3FAE] =	sst s0;
	s0 =	simm.s32 @!p2 $0x0  }
0x16: {  	s3 =	sld [smem:$0x3FDB];
	s0 =	simm.s32 @p2 $0x1  }
0x17: {  	s4 =	simm.s32 $0x1BF5;
	[smem:$0x3FB0] =	sst s0  }
0x18: {  	s0 =	sld [smem:$0x3F93];
	_ =	swait.ge [sflag:s4], $0x0  }
0x19: {  	s7 =	sld [smem:$0x3F94]  }
0x1a: {  	s8 =	sadd.s32 $0xFFFFE003, lr  }
0x1b: {  	s9 =	sadd.s32 $0xFFFFFEF7, lr;
	s5 =	simm.s32 $0xFFFFFFFF;
	p2 =	slt.u32 s8, $0xFFFFF086  }
0x1c: {  	p1 =	slt.u32 s9, $0xF7A;
	s5 =	simm.s32 @!p2 $0x0  }
0x1d: {  	s5 =	simm.s32 @p1 $0x1;
	p0 =	seq.s32 s7, s2  }
0x1e: {  	s7 =	smul.u32 @!p0 $0xF7A, s2;
	p2 =	seq.s32 @!p0 s5, $0x0  }
0x1f: {  	s9 =	smul.u32 $0xF7A, s1;
	s8 =	simm.s32 @!p0 $0x1BF5;
	p2 =	por !p2, p0  }
0x20: {  	[sflag:s8] =	ssyncset.s32 @!p0 $0xFFFFF086;
	s6 =	sadd.s32 @!p0 s3, s7;
	s7 =	simm.s32 @!p0 $0x108  }
0x21: {  	s3 =	sadd.s32 s3, s9;
	s6 =	sadd.s32 @!p0 $0x88, s6;
	s7 =	simm.s32 @p2 $0x1082  }
0x22: {  	[simem:s7], [sflag:s8] =	dma.local @!p0 [hbm:s6], $0xF7A  }
0x23: {  	s9 =	sor.u32 $0xD0000000, s2;
	s6 =	simm.s32 $0x108;
	_ =	swait.ge @!p0 [sflag:s8], $0x0  }
0x24: {  	s3 =	sadd.s32 $0x88, s3;
	s6 =	simm.s32 @!p1 $0x1082;
	[sflag:s4] =	ssyncset.s32 $0xFFFFF086  }
0x25: {  	[simem:s6], [sflag:s4] =	dma.local [hbm:s3], $0xF7A  }
0x26: {  	[smem:$0x3F94] =	sst s1;
	(tag) =	ssettag s2;
	_ =	strace s9  }
0x27: {  	s1 =	sld [smem:$0x3FA4]  }
0x28: {  	s2 =	sld [smem:$0x3FA5]  }
0x29: {  	s4 =	sld [smem:$0x3FA7]  }
0x2a: {  	p0 =	seq.s32 s5, $0x0;
	s5 =	sld [smem:$0x3FA8]  }
0x2b: {  	s6 =	sld [smem:$0x3FA9]  }
0x2c: {  	s7 =	sld [smem:$0x3FAA]  }
0x2d: {  	s3 =	simm.s32 $0x108;
	s8 =	sld [smem:$0x3FAB]  }
0x2e: {  	s3 =	simm.s32 @!p0 $0x1082;
	s9 =	sld [smem:$0x3FAC]  }
0x2f: {  	lr =	sadd.s32 s0, s3;
	s0 =	sld [smem:$0x3FA3]  }
0x30: {  	s3 =	sld [smem:$0x3FA6]  }
0x31: {  	[smem:$0x3FAF] =	sst s10  }
0x32: {  	s10 =	sld [smem:$0x3FAD];
	_ =	sdelay $0x3  }
0x33: {  	p0 =	seq.s32 s10, $0x1;
	s10 =	sld [smem:$0x3FAF];
	_ =	sdelay $0x3  }
0x34: {  	[smem:$0x3FAF] =	sst s10  }
0x35: {  	s10 =	sld [smem:$0x3FAE];
	_ =	sdelay $0x3  }
0x36: {  	p1 =	seq.s32 s10, $0x1;
	s10 =	sld [smem:$0x3FAF];
	_ =	sdelay $0x3  }
0x37: {  	[smem:$0x3FAF] =	sst s10  }
0x38: {  	s10 =	sld [smem:$0x3FB0]  }
0x39: {  	_ = 	snop;
	(pc) =	sbr.ind lr, $3  }
0x3a: {  	_ = 	snop  }
0x3b: {  	_ = 	snop  }
0x3c: {  	p2 =	seq.s32 s10, $0x1;
	s10 =	sld [smem:$0x3FAF]  }
0x3d: {  	_ =	shalt  }
0x3e: {  	_ =	shalt  }
0x3f: {  	_ =	shalt  }
0x40: {  	_ =	shalt  }
0x41: {  	_ =	shalt  }
0x42: {  	_ =	shalt  }
0x43: {  	_ =	shalt  }
0x44: {  	_ =	shalt  }
0x45: {  	_ =	shalt  }
0x46: {  	_ =	shalt  }
0x47: {  	_ =	shalt  }
0x48: {  	_ =	shalt  }
0x49: {  	_ =	shalt  }
0x4a: {  	_ =	shalt  }
0x4b: {  	_ =	shalt  }
0x4c: {  	_ =	shalt  }
0x4d: {  	_ =	shalt  }
0x4e: {  	_ =	shalt  }
0x4f: {  	_ =	shalt  }
0x50: {  	_ =	shalt  }
0x51: {  	_ =	shalt  }
0x52: {  	_ =	shalt  }
0x53: {  	_ =	shalt  }
0x54: {  	_ =	shalt  }
0x55: {  	_ =	shalt  }
0x56: {  	_ =	shalt  }
0x57: {  	_ =	shalt  }
0x58: {  	_ =	shalt  }
0x59: {  	_ =	shalt  }
0x5a: {  	_ =	shalt  }
0x5b: {  	_ =	shalt  }
0x5c: {  	_ =	shalt  }
0x5d: {  	_ =	shalt  }
0x5e: {  	_ =	shalt  }
0x5f: {  	_ =	shalt  }
0x60: {  	_ =	shalt  }
0x61: {  	_ =	shalt  }
0x62: {  	_ =	shalt  }
0x63: {  	_ =	shalt  }
0x64: {  	_ =	shalt  }
0x65: {  	_ =	shalt  }
0x66: {  	_ =	shalt  }
0x67: {  	_ =	shalt  }
0x68: {  	_ =	shalt  }
0x69: {  	_ =	shalt  }
0x6a: {  	_ =	shalt  }
0x6b: {  	_ =	shalt  }
0x6c: {  	_ =	shalt  }
0x6d: {  	_ =	shalt  }
0x6e: {  	_ =	shalt  }
0x6f: {  	_ =	shalt  }
0x70: {  	_ =	shalt  }
0x71: {  	_ =	shalt  }
0x72: {  	_ =	shalt  }
0x73: {  	_ =	shalt  }
0x74: {  	_ =	shalt  }
0x75: {  	_ =	shalt  }
0x76: {  	_ =	shalt  }
0x77: {  	_ =	shalt  }
0x78: {  	_ =	shalt  }
0x79: {  	_ =	shalt  }
0x7a: {  	_ =	shalt  }
0x7b: {  	_ =	shalt  }
0x7c: {  	_ =	shalt  }
0x7d: {  	_ =	shalt  }
0x7e: {  	_ =	shalt  }
0x7f: {  	_ =	shalt  }
0x80: {  	_ =	shalt  }
0x81: {  	_ =	shalt  }
0x82: {  	_ =	shalt  }
0x83: {  	_ =	shalt  }
0x84: {  	_ =	shalt  }
0x85: {  	_ =	shalt  }
0x86: {  	_ =	shalt  }
0x87: {  	_ =	shalt  }
.Lfunc_end0:
.L_simem_size_0:
called_computation.3_lowered:
.L_overlay_start_0:
0x88: {  	s2 =	sld [smem:$0x3FD9]  }
0x89: {  	s3 =	sld [smem:$0x3FFE];
	_ =	sdelay $0x1  }
0x8a: {  	s1 =	srdreg.scid  }
0x8b: {  	s0 =	sand.u32 $0x1, s1  }
0x8c: {  	s17 =	sshll.u32 s0, $0xA;
	s2 =	sadd.s32 s3, s2  }
0x8d: {  	s2 =	sadd.s32 s2, s17  }
0x8e: {  	[smem:$0x3FBB] =	sst s2  }
0x8f: {  	_ = 	snop  }
0x90: {  	s2 =	sld [smem:$0x3FD0];
	(tm) =	ssettm $0x1  }
0x91: {  	s18 =	sld [smem:$0x3FFB];
	_ =	sdelay $0x3  }
0x92: {  	_ =	strace s18  }
0x93: {  	s3 =	sld [smem:$0x3FFC];
	_ =	sdelay $0x3  }
0x94: {  	_ =	strace s3  }
0x95: {  	s3 =	sld [smem:$0x3FFD];
	_ =	sdelay $0x3  }
0x96: {  	_ =	strace s3  }
0x97: {  	_ =	strace $0x8FFFFFFF  }
0x98: {  	s19 =	sld [smem:$0x3FDB];
	_ =	sdelay $0x1  }
0x99: {  	s4 =	simm.s32 $_scs_section_size  }
0x9a: {  	s5 =	simm.s32 $_size__tile_overlayer_lowered;
	s6 =	simm.s32 $_tile_overlayer_lowered  }
0x9b: {  	s22 =	simm.s32 $0x1BFF;
	s21 =	sshll.u32 s6, $0x1;
	s3 =	sadd.s32 s4, s19  }
0x9c: {  	s7 =	simm.s32 $0x0;
	s20 =	sshll.u32 s5, $0x1;
	s5 =	sadd.s32 s21, s3  }
0x9d: {  	[timem:s7], [sflag:s22] =	dma.local [hbm:s5], s20  }
0x9e: {  	_ =	swait.ge [sflag:s22], s20  }
0x9f: {  	s4 =	ssub.s32 $0x0, s20;
	[sflag:s22] =	ssyncset.done $0x0  }
0xa0: {  	[sflag:s22] =	ssyncadd.s32 s4;
	_ =	sdelay $0x1  }
0xa1: {  	s23 =	simm.s32 $0x1B8B  }
0xa2: {  	_ =	swait.ge [sflag:s23], $0x1  }
0xa3: {  	[sflag:s23] =	ssyncset.done $0x0  }
0xa4: {  	s25 =	simm.s32 $0x1B8E;
	s24 =	sld [smem:$0x3FFE];
	[sflag:s23] =	ssyncadd.s32 $0xFFFFFFFF  }
0xa5: {  	s26 =	simm.s32 $execute0_lowered;
	[smem:$0x3FD2] =	sst s25  }
0xa6: {  	s5 =	sshll.u32 s26, $0x1;
	_ =	strace $0x8000004F;
	[dreg:$0x1] =	wrdreg $0xFFFFFFFF  }
0xa7: {  	s28 =	simm.s32 $_size_execute0_lowered;
	s3 =	sadd.s32 s3, s5;
	[dreg:$0x0] =	wrdreg $0x0  }
0xa8: {  	s5 =	sshll.u32 s28, $0x1;
	[dreg:$0x2] =	wrdreg s3  }
0xa9: {  	[dreg:$0x3] =	wrdreg s5  }
0xaa: {  	[dreg:$0x4] =	wrdreg $0xC0  }
0xab: {  	_ =	task [dreg:s7], $0x5FFFF  }
0xac: {  	[dreg:$0x1] =	wrdreg $0xFFFFFFFF  }
0xad: {  	[dreg:$0x0] =	wrdreg $0x60  }
0xae: {  	[dreg:$0x2] =	wrdreg s2  }
0xaf: {  	[dreg:$0x3] =	wrdreg s24  }
0xb0: {  	[dreg:$0x4] =	wrdreg $0x0  }
0xb1: {  	[dreg:$0x5] =	wrdreg $0x9  }
0xb2: {  	_ =	task.clear_ibuf [dreg:s7], $0x6FFFF;
	_ =	strace $0x9000004F  }
0xb3: {  	s29 =	simm.s32 $0x9;
	_ =	strace $0x80000051  }
0xb4: {  	_ =	swait.ge [sflag:s29], $0x1  }
0xb5: {  	[sflag:s29] =	ssyncadd.s32 $0xFFFFFFFF  }
0xb6: {  	_ =	strace $0x90000051  }
0xb7: {  	_ =	sfence  }
0xb8: {  	s30 =	sld [smem:$0x0];
	_ =	sdelay $0x2  }
0xb9: {  	s31 =	sshll.u32 s1, $0xD;
	s1 =	sshrl.u32 s1, $0x2  }
0xba: {  	s3 =	sand.u32 $0x4000, s31;
	s1 =	sadd.s32 s1, s30  }
0xbb: {  	s0 =	sor.u32 s3, s0;
	s1 =	sshll.u32 s1, $0x11  }
0xbc: {  	s0 =	sor.u32 s1, s0  }
0xbd: {  	s0 =	sadd.s32 $0x8F2B, s0  }
0xbe: {  	[sflag:s0] =	ssyncadd.remote.s32 $0x1  }
0xbf: {  	_ =	sfence.sel $0xFFFF  }
0xc0: {  	[dreg:$0x0] =	wrdreg $0xFFFFFFFF;
	(pc) =	sbr.abs _section_cstart, $3  }
0xc1: {  	[dreg:$0x1] =	wrdreg $0xFFFFFFFF  }
0xc2: {  	_ =	task.clear_ibuf [dreg:s7], $0x2FFFF;
	_ =	strace $0x9FFFFFFF  }
0xc3: {  	(tm) =	ssettm $0x7FFFFFFF  }
tec
execute0_lowered:
.L_overlay_start_1:
0x0: {  	(tag) =	ssettag $0x1  }
0x1: {  	s8 =	rddreg [dreg:$0x0]  }
0x2: {  	s4 =	rddreg [dreg:$0x1]  }
0x3: {  	s2 =	rddreg [dreg:$0x2]  }
0x4: {  	s0 =	rddreg [dreg:$0x3]  }
0x5: {  	s3 =	simm.s32 $0x0;
	s1 =	stileid.u32;
	s6 =	srdreg.scid  }
0x6: {  	s18 =	simm.s32 $0x50;
	s19 =	simm.s32 $0x13880;
	s20 =	simm.s32 $0x1  }
0x7: {  	s21 =	simm.s32 $0x2;
	s22 =	simm.s32 $0x0;
	s5 =	smul.u32 $0x4E2, s1  }
0x8: {  	[smem:$0x7FF] =	sst s3;
	s7 =	sshll.u32 s1, $0xB;
	s11 =	smul.u32 $0x32000, s1  }
0x9: {  	s6 =	sand.u32 $0x1, s6;
	s10 =	sadd.s32 $0x46600, s4;
	s13 =	smul.u32 $0x190, s1  }
0xa: {  	s14 =	sor.u32 $0x10, s1;
	p0 =	sgt.u32 s1, $0x8;
	s9 =	smul.u32 $0x2710, s6  }
0xb: {  	s31 =	sshll.u32 s1, $0x6;
	_ =	strace $0x80000050;
	s15 =	smul.u32 $0x32000, s14  }
0xc: {  	s7 =	sadd.s32 s7, s4;
	s26 =	ssub.s32 $0x2, s6;
	s14 =	smul.u32 $0x190, s14  }
0xd: {  	s30 =	smul.u32 $0x27100, s6;
	s5 =	sadd.s32 s5, s4;
	s12 =	sshrl.u32 s26, $0x1  }
0xe: {  	s11 =	sshrl.u32 s11, $0x2;
	s12 =	ssub.s32 s26, s12;
	s4 =	sadd.s32 $0x12400, s5  }
0xf: {  	s13 =	sadd.s32 s13, s9;
	s5 =	sadd.s32 $0x3E600, s7;
	s16 =	sadd.s32 s11, s2  }
0x10: {  	s29 =	sshrl.u32 s15, $0x2;
	s9 =	sadd.s32 s9, s14;
	s15 =	sor.u32 $0x1C03, s31  }
.Ltmp0:
0x11: {  	s28 =	sshll.u32 s13, $0x4;
	s17 =	sadd.s32 s29, s2;
	(pc) =	sbr.rel .LBB2_1-.Ltmp0, $4  }
0x12: {  	s14 =	sshll.u32 s9, $0x4;
	s11 =	smax.u32 s12, $0x1;
	s12 =	simm.s32 $0x18880  }
0x13: {  	s13 =	simm.s32 $0x3;
	s16 =	sshrl.u32 s16, $0x3;
	s6 =	sadd.s32 s8, s28  }
0x14: {  	s7 =	sadd.s32 s8, s14;
	s8 =	sadd.s32 s8, s30;
	s9 =	sadd.s32 s10, s28  }
0x15: {  	s10 =	sadd.s32 s10, s14;
	s14 =	simm.s32 $0x1B000;
	s17 =	sshrl.u32 @!p0 s17, $0x3  }
.LBB2_7:
0x16: {  	_ =	swait.ge [sflag:s21], $0x5000  }
0x17: {  	[sflag:s21] =	ssyncset.done $0x0  }
0x18: {  	[sflag:s21] =	ssyncadd.s32 $0xFFFFB000  }
0x19: {  	[bflag:$0x0] =	sbarrier.arrive $0xFFFF  }
0x1a: {  	[hbm:s9], [sflag:s15] =	dma.local [spmem:s16], $0x1900  }
0x1b: {  	s22 =	sadd.s32 $0x1, s22;
	_ =	swait.ge [sflag:s13], $0x1900  }
0x1c: {  	p1 =	sne.s32 s22, s11;
	[sflag:s13] =	ssyncset.done $0x0  }
.Ltmp1:
0x1d: {  	s23 =	simm.s32 @!p0 $0x3;
	[sflag:s13] =	ssyncadd.s32 $0xFFFFE700;
	(pc) =	sbr.rel @!p1 .LBB2_8-.Ltmp1, $4  }
0x1e: {  	[hbm:s10], [sflag:s15] =	dma.local @!p0 [spmem:s17], $0x1900  }
0x1f: {  	_ =	swait.ge @!p0 [sflag:s23], $0x1900  }
0x20: {  	[sflag:s23] =	ssyncset.done @!p0 $0x0  }
0x21: {  	[sflag:s23] =	ssyncadd.s32 @!p0 $0xFFFFE700  }
.LBB2_1:
0x22: {  	[tilespmem:s12], [sflag:$0x3] =	stream.linear.gather [hbm4b:s4+s3], $0x2710, $0x38;
	[tilespmem:$0x1F000] =	vst v63  }
0x23: {  	_ =	swait.ge [sflag:s13], $0x2710  }
0x24: {  	[sflag:s13] =	ssyncset.done $0x0  }
0x25: {  	[sflag:s13] =	ssyncadd.s32 $0xFFFFD8F0  }
0x26: {  	[tilespmem:s14], [sflag:$0x3] =	stream.linear.gather [hbm4b:s5+s3], $0x3E80, $0x38;
	[tilespmem:$0x1F000] =	vst v63  }
0x27: {  	_ =	swait.ge [sflag:s13], $0x3E80  }
0x28: {  	[sflag:s13] =	ssyncset.done $0x0  }
0x29: {  	[sflag:s13] =	ssyncadd.s32 $0xFFFFC180  }
0x2a: {  	[spmem:s16], [sflag:s15] =	dma.local [hbm:s6], $0x1900  }
0x2b: {  	_ =	swait.ge [sflag:s13], $0x1900  }
0x2c: {  	[sflag:s13] =	ssyncset.done $0x0  }
0x2d: {  	s23 =	simm.s32 @!p0 $0x3;
	[sflag:s13] =	ssyncadd.s32 $0xFFFFE700  }
0x2e: {  	[spmem:s17], [sflag:s15] =	dma.local @!p0 [hbm:s7], $0x1900  }
.Ltmp2:
0x2f: {  	_ =	swait.ge @!p0 [sflag:s23], $0x1900;
	(pc) =	sbr.rel .LBB2_2-.Ltmp2, $4  }
0x30: {  	[sflag:s23] =	ssyncset.done @!p0 $0x0  }
0x31: {  	s24 =	simm.s32 $0x1B000;
	[sflag:s23] =	ssyncadd.s32 @!p0 $0xFFFFE700  }
0x32: {  	s25 =	simm.s32 $0x0;
	s23 =	simm.s32 $0x188D0;
	[bflag:$0x0] =	sbarrier.arrive $0xFFFF  }
0x33: {  	[tilespmem:s19], [sflag:$0x1] =	stream.indirect.gather [hbm4b:s8+s18], $0x80, s12, s18, $0xb8;
	[tilespmem:$0x1F000] =	vst v63  }
.LBB2_5:
0x34: {  	s28 =	sxor.u32 $0x1, s26  }
0x35: {  	s28 =	smul.u32 $0xA000, s28;
	_ =	sdelay $0x1  }
0x36: {  	s28 =	sshrl.u32 s28, $0x2  }
0x37: {  	s28 =	sadd.s32 $0x13880, s28  }
0x38: {  	[tilespmem:s28], [sflag:$0x1] =	stream.indirect.gather [hbm4b:s8+s18], $0x80, s23, s18, $0xb8;
	[tilespmem:$0x1F000] =	vst v63  }
.LBB2_6:
0x39: {  	s25 =	sadd.s32 $0x1, s25  }
0x3a: {  	s26 =	smul.u32 $0xA000, s26;
	p1 =	sne.s32 s25, $0x7D  }
.Ltmp3:
0x3b: {  	_ =	swait.ge [sflag:s20], $0x2800;
	(pc) =	sbr.rel @!p1 .LBB2_7-.Ltmp3, $4  }
0x3c: {  	[sflag:s20] =	ssyncset.done $0x0;
	s26 =	sshrl.u32 s26, $0x2  }
0x3d: {  	[sflag:s20] =	ssyncadd.s32 $0xFFFFD800;
	s26 =	sadd.s32 $0x13880, s26  }
0x3e: {  	[spmem:s2] =	stream.indirect.scatter.add.f32 [tilespmem:s26], [sflag:$0x2], $0x80, s24, s18, $0xb8;
	[tilespmem:$0x1F000] =	vst v63  }
0x3f: {  	s23 =	sadd.s32 $0x50, s23;
	s24 =	sadd.s32 $0x80, s24  }
.LBB2_2:
0x40: {  	p1 =	seq.s32 s25, $0x0  }
.Ltmp4:
0x41: {  	_ = 	snop;
	(pc) =	sbr.rel @p1 .LBB2_5-.Ltmp4, $2  }
0x42: {  	_ =	sdelay $0x2  }
0x43: {  	s26 =	sand.u32 $0x1, s25  }
0x44: {  	p1 =	seq.s32 s25, $0x7C  }
.Ltmp5:
0x45: {  	_ = 	snop;
	(pc) =	sbr.rel @p1 .LBB2_6-.Ltmp5, $1  }
0x46: {  	_ =	sdelay $0x3  }
.Ltmp6:
0x47: {  	(pc) =	sbr.rel .LBB2_5-.Ltmp6, $4  }
0x48: {  	_ = 	snop  }
0x49: {  	_ =	swait.ge [sflag:s21], $0x2800  }
0x4a: {  	[sflag:s21] =	ssyncset.done $0x0  }
0x4b: {  	[sflag:s21] =	ssyncadd.s32 $0xFFFFD800  }
.LBB2_8:
0x4c: {  	_ =	sfence.sel $0x180000  }
0x4d: {  	[bflag:$0x0] =	sbarrier.arrive $0xFFFF  }
0x4e: {  	p0 =	sne.s32 s1, $0x0;
	_ =	strace $0x90000050  }
0x4f: {  	s0 =	sadd.s32 @!p0 $0x100000, s0;
	[bflag:$0x2] =	sbarrier.arrive $0xFFFF  }
0x50: {  	[sflag:s0] =	ssyncadd.tile.s32 @!p0 $0x1;
	_ =	shalt  }
.Lfunc_end2:
_tile_overlayer_lowered:
.L_overlay_start_2:
0x51: {  	(tag) =	ssettag $0x2  }
0x52: {  	s0 =	rddreg [dreg:$0x0];
	s2 =	stileid.u32  }
0x53: {  	s1 =	rddreg [dreg:$0x1];
	p0 =	sne.s32 s2, $0x0  }
0x54: {  	s3 =	rddreg [dreg:$0x2];
	[bflag:$0x3] =	sbarrier.arrive $0xFFFF;
	s2 =	simm.s32 @!p0 $0x1C03  }
0x55: {  	[timem:s3], [sflag:s2] =	dma.local @!p0 [hbm:s0], s1  }
0x56: {  	s0 =	simm.s32 @!p0 $0x3  }
0x57: {  	_ =	swait.ge @!p0 [sflag:s0], s1  }
0x58: {  	s1 =	ssub.s32 @!p0 $0x0, s1;
	[sflag:s0] =	ssyncset.done @!p0 $0x0  }
0x59: {  	[sflag:s0] =	ssyncadd.s32 @!p0 s1  }
0x5a: {  	[bflag:$0x3] =	sbarrier.arrive $0xFFFF  }
0x5b: {  	_ =	shalt  }

// kernel: kernel.26.cloned.1.call-start
scs
__scs_entry_jumppad:
0x0: {  	(pc) =	sbr.rel $0x88, $3  }
0x1: {  	(tag) =	ssettag $0x0;
	lr =	simm.s32 $0x1  }
0x2: {  	[smem:$0x3F94] =	sst lr;
	_ =	strace $0xD0000000  }
0x3: {  	_ = 	snop  }
0x4: {  	_ = 	snop  }
0x5: {  	_ = 	snop  }
0x6: {  	_ = 	snop  }
0x7: {  	_ = 	snop  }
__scs_overlays_trampoline_lowered:
0x8: {  	[smem:$0x3FA3] =	sst s0  }
0x9: {  	[smem:$0x3FA4] =	sst s1  }
0xa: {  	[smem:$0x3FA5] =	sst s2  }
0xb: {  	[smem:$0x3FA6] =	sst s3  }
0xc: {  	[smem:$0x3FA7] =	sst s4  }
0xd: {  	[smem:$0x3FA8] =	sst s5  }
0xe: {  	[smem:$0x3FA9] =	sst s6  }
0xf: {  	[smem:$0x3FAA] =	sst s7  }
0x10: {  	[smem:$0x3FAB] =	sst s8  }
0x11: {  	[smem:$0x3FAC] =	sst s9;
	s0 =	simm.s32 @!p0 $0x0  }
0x12: {  	s1 =	sld [smem:$0x3F92];
	s0 =	simm.s32 @p0 $0x1  }
0x13: {  	[smem:$0x3FAD] =	sst s0;
	s0 =	simm.s32 @!p1 $0x0  }
0x14: {  	s2 =	sld [smem:$0x3F91];
	s0 =	simm.s32 @p1 $0x1  }
0x15: {  	[smem:$0x3FAE] =	sst s0;
	s0 =	simm.s32 @!p2 $0x0  }
0x16: {  	s3 =	sld [smem:$0x3FDB];
	s0 =	simm.s32 @p2 $0x1  }
0x17: {  	s4 =	simm.s32 $0x1BF5;
	[smem:$0x3FB0] =	sst s0  }
0x18: {  	s0 =	sld [smem:$0x3F93];
	_ =	swait.ge [sflag:s4], $0x0  }
0x19: {  	s7 =	sld [smem:$0x3F94]  }
0x1a: {  	s8 =	sadd.s32 $0xFFFFE003, lr  }
0x1b: {  	s9 =	sadd.s32 $0xFFFFFEF7, lr;
	s5 =	simm.s32 $0xFFFFFFFF;
	p2 =	slt.u32 s8, $0xFFFFF086  }
0x1c: {  	p1 =	slt.u32 s9, $0xF7A;
	s5 =	simm.s32 @!p2 $0x0  }
0x1d: {  	s5 =	simm.s32 @p1 $0x1;
	p0 =	seq.s32 s7, s2  }
0x1e: {  	s7 =	smul.u32 @!p0 $0xF7A, s2;
	p2 =	seq.s32 @!p0 s5, $0x0  }
0x1f: {  	s9 =	smul.u32 $0xF7A, s1;
	s8 =	simm.s32 @!p0 $0x1BF5;
	p2 =	por !p2, p0  }
0x20: {  	[sflag:s8] =	ssyncset.s32 @!p0 $0xFFFFF086;
	s6 =	sadd.s32 @!p0 s3, s7;
	s7 =	simm.s32 @!p0 $0x108  }
0x21: {  	s3 =	sadd.s32 s3, s9;
	s6 =	sadd.s32 @!p0 $0x88, s6;
	s7 =	simm.s32 @p2 $0x1082  }
0x22: {  	[simem:s7], [sflag:s8] =	dma.local @!p0 [hbm:s6], $0xF7A  }
0x23: {  	s9 =	sor.u32 $0xD0000000, s2;
	s6 =	simm.s32 $0x108;
	_ =	swait.ge @!p0 [sflag:s8], $0x0  }
0x24: {  	s3 =	sadd.s32 $0x88, s3;
	s6 =	simm.s32 @!p1 $0x1082;
	[sflag:s4] =	ssyncset.s32 $0xFFFFF086  }
0x25: {  	[simem:s6], [sflag:s4] =	dma.local [hbm:s3], $0xF7A  }
0x26: {  	[smem:$0x3F94] =	sst s1;
	(tag) =	ssettag s2;
	_ =	strace s9  }
0x27: {  	s1 =	sld [smem:$0x3FA4]  }
0x28: {  	s2 =	sld [smem:$0x3FA5]  }
0x29: {  	s4 =	sld [smem:$0x3FA7]  }
0x2a: {  	p0 =	seq.s32 s5, $0x0;
	s5 =	sld [smem:$0x3FA8]  }
0x2b: {  	s6 =	sld [smem:$0x3FA9]  }
0x2c: {  	s7 =	sld [smem:$0x3FAA]  }
0x2d: {  	s3 =	simm.s32 $0x108;
	s8 =	sld [smem:$0x3FAB]  }
0x2e: {  	s3 =	simm.s32 @!p0 $0x1082;
	s9 =	sld [smem:$0x3FAC]  }
0x2f: {  	lr =	sadd.s32 s0, s3;
	s0 =	sld [smem:$0x3FA3]  }
0x30: {  	s3 =	sld [smem:$0x3FA6]  }
0x31: {  	[smem:$0x3FAF] =	sst s10  }
0x32: {  	s10 =	sld [smem:$0x3FAD];
	_ =	sdelay $0x3  }
0x33: {  	p0 =	seq.s32 s10, $0x1;
	s10 =	sld [smem:$0x3FAF];
	_ =	sdelay $0x3  }
0x34: {  	[smem:$0x3FAF] =	sst s10  }
0x35: {  	s10 =	sld [smem:$0x3FAE];
	_ =	sdelay $0x3  }
0x36: {  	p1 =	seq.s32 s10, $0x1;
	s10 =	sld [smem:$0x3FAF];
	_ =	sdelay $0x3  }
0x37: {  	[smem:$0x3FAF] =	sst s10  }
0x38: {  	s10 =	sld [smem:$0x3FB0]  }
0x39: {  	_ = 	snop;
	(pc) =	sbr.ind lr, $3  }
0x3a: {  	_ = 	snop  }
0x3b: {  	_ = 	snop  }
0x3c: {  	p2 =	seq.s32 s10, $0x1;
	s10 =	sld [smem:$0x3FAF]  }
0x3d: {  	_ =	shalt  }
0x3e: {  	_ =	shalt  }
0x3f: {  	_ =	shalt  }
0x40: {  	_ =	shalt  }
0x41: {  	_ =	shalt  }
0x42: {  	_ =	shalt  }
0x43: {  	_ =	shalt  }
0x44: {  	_ =	shalt  }
0x45: {  	_ =	shalt  }
0x46: {  	_ =	shalt  }
0x47: {  	_ =	shalt  }
0x48: {  	_ =	shalt  }
0x49: {  	_ =	shalt  }
0x4a: {  	_ =	shalt  }
0x4b: {  	_ =	shalt  }
0x4c: {  	_ =	shalt  }
0x4d: {  	_ =	shalt  }
0x4e: {  	_ =	shalt  }
0x4f: {  	_ =	shalt  }
0x50: {  	_ =	shalt  }
0x51: {  	_ =	shalt  }
0x52: {  	_ =	shalt  }
0x53: {  	_ =	shalt  }
0x54: {  	_ =	shalt  }
0x55: {  	_ =	shalt  }
0x56: {  	_ =	shalt  }
0x57: {  	_ =	shalt  }
0x58: {  	_ =	shalt  }
0x59: {  	_ =	shalt  }
0x5a: {  	_ =	shalt  }
0x5b: {  	_ =	shalt  }
0x5c: {  	_ =	shalt  }
0x5d: {  	_ =	shalt  }
0x5e: {  	_ =	shalt  }
0x5f: {  	_ =	shalt  }
0x60: {  	_ =	shalt  }
0x61: {  	_ =	shalt  }
0x62: {  	_ =	shalt  }
0x63: {  	_ =	shalt  }
0x64: {  	_ =	shalt  }
0x65: {  	_ =	shalt  }
0x66: {  	_ =	shalt  }
0x67: {  	_ =	shalt  }
0x68: {  	_ =	shalt  }
0x69: {  	_ =	shalt  }
0x6a: {  	_ =	shalt  }
0x6b: {  	_ =	shalt  }
0x6c: {  	_ =	shalt  }
0x6d: {  	_ =	shalt  }
0x6e: {  	_ =	shalt  }
0x6f: {  	_ =	shalt  }
0x70: {  	_ =	shalt  }
0x71: {  	_ =	shalt  }
0x72: {  	_ =	shalt  }
0x73: {  	_ =	shalt  }
0x74: {  	_ =	shalt  }
0x75: {  	_ =	shalt  }
0x76: {  	_ =	shalt  }
0x77: {  	_ =	shalt  }
0x78: {  	_ =	shalt  }
0x79: {  	_ =	shalt  }
0x7a: {  	_ =	shalt  }
0x7b: {  	_ =	shalt  }
0x7c: {  	_ =	shalt  }
0x7d: {  	_ =	shalt  }
0x7e: {  	_ =	shalt  }
0x7f: {  	_ =	shalt  }
0x80: {  	_ =	shalt  }
0x81: {  	_ =	shalt  }
0x82: {  	_ =	shalt  }
0x83: {  	_ =	shalt  }
0x84: {  	_ =	shalt  }
0x85: {  	_ =	shalt  }
0x86: {  	_ =	shalt  }
0x87: {  	_ =	shalt  }
.Lfunc_end0:
.L_simem_size_0:
called_computation.4_lowered:
.L_overlay_start_0:
0x88: {  	s2 =	sld [smem:$0x3FD9]  }
0x89: {  	s3 =	sld [smem:$0x3FFE];
	_ =	sdelay $0x1  }
0x8a: {  	s1 =	srdreg.scid  }
0x8b: {  	s0 =	sand.u32 $0x1, s1  }
0x8c: {  	s17 =	sshll.u32 s0, $0xA;
	s2 =	sadd.s32 s3, s2  }
0x8d: {  	s2 =	sadd.s32 s2, s17  }
0x8e: {  	[smem:$0x3FBB] =	sst s2  }
0x8f: {  	_ = 	snop  }
0x90: {  	s2 =	sld [smem:$0x3FD0];
	(tm) =	ssettm $0x1  }
0x91: {  	s18 =	sld [smem:$0x3FFB];
	_ =	sdelay $0x3  }
0x92: {  	_ =	strace s18  }
0x93: {  	s3 =	sld [smem:$0x3FFC];
	_ =	sdelay $0x3  }
0x94: {  	_ =	strace s3  }
0x95: {  	s3 =	sld [smem:$0x3FFD];
	_ =	sdelay $0x3  }
0x96: {  	_ =	strace s3  }
0x97: {  	_ =	strace $0x8FFFFFFF  }
0x98: {  	s19 =	sld [smem:$0x3FDB];
	_ =	sdelay $0x1  }
0x99: {  	s4 =	simm.s32 $_scs_section_size  }
0x9a: {  	s5 =	simm.s32 $_size__tile_overlayer_lowered;
	s6 =	simm.s32 $_tile_overlayer_lowered  }
0x9b: {  	s22 =	simm.s32 $0x1BFF;
	s21 =	sshll.u32 s6, $0x1;
	s3 =	sadd.s32 s4, s19  }
0x9c: {  	s7 =	simm.s32 $0x0;
	s20 =	sshll.u32 s5, $0x1;
	s5 =	sadd.s32 s21, s3  }
0x9d: {  	[timem:s7], [sflag:s22] =	dma.local [hbm:s5], s20  }
0x9e: {  	_ =	swait.ge [sflag:s22], s20  }
0x9f: {  	s4 =	ssub.s32 $0x0, s20;
	[sflag:s22] =	ssyncset.done $0x0  }
0xa0: {  	[sflag:s22] =	ssyncadd.s32 s4;
	_ =	sdelay $0x1  }
0xa1: {  	s23 =	simm.s32 $0x1B8B  }
0xa2: {  	_ =	swait.ge [sflag:s23], $0x1  }
0xa3: {  	[sflag:s23] =	ssyncset.done $0x0  }
0xa4: {  	s25 =	simm.s32 $0x1B8E;
	s24 =	sld [smem:$0x3FFE];
	[sflag:s23] =	ssyncadd.s32 $0xFFFFFFFF  }
0xa5: {  	s26 =	simm.s32 $execute0_lowered;
	[smem:$0x3FD2] =	sst s25  }
0xa6: {  	s5 =	sshll.u32 s26, $0x1;
	_ =	strace $0x80000052;
	[dreg:$0x1] =	wrdreg $0xFFFFFFFF  }
0xa7: {  	s28 =	simm.s32 $_size_execute0_lowered;
	s3 =	sadd.s32 s3, s5;
	[dreg:$0x0] =	wrdreg $0x0  }
0xa8: {  	s5 =	sshll.u32 s28, $0x1;
	[dreg:$0x2] =	wrdreg s3  }
0xa9: {  	[dreg:$0x3] =	wrdreg s5  }
0xaa: {  	[dreg:$0x4] =	wrdreg $0xC0  }
0xab: {  	_ =	task [dreg:s7], $0x5FFFF  }
0xac: {  	[dreg:$0x1] =	wrdreg $0xFFFFFFFF  }
0xad: {  	[dreg:$0x0] =	wrdreg $0x60  }
0xae: {  	[dreg:$0x2] =	wrdreg s2  }
0xaf: {  	[dreg:$0x3] =	wrdreg s24  }
0xb0: {  	[dreg:$0x4] =	wrdreg $0x0  }
0xb1: {  	[dreg:$0x5] =	wrdreg $0x9  }
0xb2: {  	_ =	task.clear_ibuf [dreg:s7], $0x6FFFF;
	_ =	strace $0x90000052  }
0xb3: {  	s29 =	simm.s32 $0x9;
	_ =	strace $0x80000054  }
0xb4: {  	_ =	swait.ge [sflag:s29], $0x1  }
0xb5: {  	[sflag:s29] =	ssyncadd.s32 $0xFFFFFFFF  }
0xb6: {  	_ =	strace $0x90000054  }
0xb7: {  	_ =	sfence  }
0xb8: {  	s30 =	sld [smem:$0x0];
	_ =	sdelay $0x2  }
0xb9: {  	s31 =	sshll.u32 s1, $0xD;
	s1 =	sshrl.u32 s1, $0x2  }
0xba: {  	s3 =	sand.u32 $0x4000, s31;
	s1 =	sadd.s32 s1, s30  }
0xbb: {  	s0 =	sor.u32 s3, s0;
	s1 =	sshll.u32 s1, $0x11  }
0xbc: {  	s0 =	sor.u32 s1, s0  }
0xbd: {  	s0 =	sadd.s32 $0x8F2B, s0  }
0xbe: {  	[sflag:s0] =	ssyncadd.remote.s32 $0x1  }
0xbf: {  	_ =	sfence.sel $0xFFFF  }
0xc0: {  	[dreg:$0x0] =	wrdreg $0xFFFFFFFF;
	(pc) =	sbr.abs _section_cstart, $3  }
0xc1: {  	[dreg:$0x1] =	wrdreg $0xFFFFFFFF  }
0xc2: {  	_ =	task.clear_ibuf [dreg:s7], $0x2FFFF;
	_ =	strace $0x9FFFFFFF  }
0xc3: {  	(tm) =	ssettm $0x7FFFFFFF  }
tec
execute0_lowered:
.L_overlay_start_1:
0x0: {  	(tag) =	ssettag $0x1  }
0x1: {  	s8 =	rddreg [dreg:$0x0]  }
0x2: {  	s4 =	rddreg [dreg:$0x1]  }
0x3: {  	s2 =	rddreg [dreg:$0x2]  }
0x4: {  	s0 =	rddreg [dreg:$0x3]  }
0x5: {  	s3 =	simm.s32 $0x0;
	s1 =	stileid.u32;
	s6 =	srdreg.scid  }
0x6: {  	s18 =	simm.s32 $0x50;
	s19 =	simm.s32 $0x13880;
	s20 =	simm.s32 $0x1  }
0x7: {  	s21 =	simm.s32 $0x2;
	s22 =	simm.s32 $0x0;
	s5 =	smul.u32 $0x4E2, s1  }
0x8: {  	[smem:$0x7FF] =	sst s3;
	s7 =	sshll.u32 s1, $0xB;
	s11 =	smul.u32 $0x32000, s1  }
0x9: {  	s6 =	sand.u32 $0x1, s6;
	s10 =	sadd.s32 $0x46600, s4;
	s13 =	smul.u32 $0x190, s1  }
0xa: {  	s14 =	sor.u32 $0x10, s1;
	p0 =	sgt.u32 s1, $0x8;
	s9 =	smul.u32 $0x2710, s6  }
0xb: {  	s31 =	sshll.u32 s1, $0x6;
	_ =	strace $0x80000053;
	s15 =	smul.u32 $0x32000, s14  }
0xc: {  	s7 =	sadd.s32 s7, s4;
	s26 =	ssub.s32 $0x2, s6;
	s14 =	smul.u32 $0x190, s14  }
0xd: {  	s30 =	smul.u32 $0x27100, s6;
	s5 =	sadd.s32 s5, s4;
	s12 =	sshrl.u32 s26, $0x1  }
0xe: {  	s11 =	sshrl.u32 s11, $0x2;
	s12 =	ssub.s32 s26, s12;
	s4 =	sadd.s32 $0xD400, s5  }
0xf: {  	s13 =	sadd.s32 s13, s9;
	s5 =	sadd.s32 $0x3400, s7;
	s16 =	sadd.s32 s11, s2  }
0x10: {  	s29 =	sshrl.u32 s15, $0x2;
	s9 =	sadd.s32 s9, s14;
	s15 =	sor.u32 $0x1C03, s31  }
.Ltmp0:
0x11: {  	s28 =	sshll.u32 s13, $0x4;
	s17 =	sadd.s32 s29, s2;
	(pc) =	sbr.rel .LBB2_1-.Ltmp0, $4  }
0x12: {  	s14 =	sshll.u32 s9, $0x4;
	s11 =	smax.u32 s12, $0x1;
	s12 =	simm.s32 $0x18880  }
0x13: {  	s13 =	simm.s32 $0x3;
	s16 =	sshrl.u32 s16, $0x3;
	s6 =	sadd.s32 s8, s28  }
0x14: {  	s7 =	sadd.s32 s8, s14;
	s8 =	sadd.s32 s8, s30;
	s9 =	sadd.s32 s10, s28  }
0x15: {  	s10 =	sadd.s32 s10, s14;
	s14 =	simm.s32 $0x1B000;
	s17 =	sshrl.u32 @!p0 s17, $0x3  }
.LBB2_7:
0x16: {  	_ =	swait.ge [sflag:s21], $0x5000  }
0x17: {  	[sflag:s21] =	ssyncset.done $0x0  }
0x18: {  	[sflag:s21] =	ssyncadd.s32 $0xFFFFB000  }
0x19: {  	[bflag:$0x0] =	sbarrier.arrive $0xFFFF  }
0x1a: {  	[hbm:s9], [sflag:s15] =	dma.local [spmem:s16], $0x1900  }
0x1b: {  	s22 =	sadd.s32 $0x1, s22;
	_ =	swait.ge [sflag:s13], $0x1900  }
0x1c: {  	p1 =	sne.s32 s22, s11;
	[sflag:s13] =	ssyncset.done $0x0  }
.Ltmp1:
0x1d: {  	s23 =	simm.s32 @!p0 $0x3;
	[sflag:s13] =	ssyncadd.s32 $0xFFFFE700;
	(pc) =	sbr.rel @!p1 .LBB2_8-.Ltmp1, $4  }
0x1e: {  	[hbm:s10], [sflag:s15] =	dma.local @!p0 [spmem:s17], $0x1900  }
0x1f: {  	_ =	swait.ge @!p0 [sflag:s23], $0x1900  }
0x20: {  	[sflag:s23] =	ssyncset.done @!p0 $0x0  }
0x21: {  	[sflag:s23] =	ssyncadd.s32 @!p0 $0xFFFFE700  }
.LBB2_1:
0x22: {  	[tilespmem:s12], [sflag:$0x3] =	stream.linear.gather [hbm4b:s4+s3], $0x2710, $0x38;
	[tilespmem:$0x1F000] =	vst v63  }
0x23: {  	_ =	swait.ge [sflag:s13], $0x2710  }
0x24: {  	[sflag:s13] =	ssyncset.done $0x0  }
0x25: {  	[sflag:s13] =	ssyncadd.s32 $0xFFFFD8F0  }
0x26: {  	[tilespmem:s14], [sflag:$0x3] =	stream.linear.gather [hbm4b:s5+s3], $0x3E80, $0x38;
	[tilespmem:$0x1F000] =	vst v63  }
0x27: {  	_ =	swait.ge [sflag:s13], $0x3E80  }
0x28: {  	[sflag:s13] =	ssyncset.done $0x0  }
0x29: {  	[sflag:s13] =	ssyncadd.s32 $0xFFFFC180  }
0x2a: {  	[spmem:s16], [sflag:s15] =	dma.local [hbm:s6], $0x1900  }
0x2b: {  	_ =	swait.ge [sflag:s13], $0x1900  }
0x2c: {  	[sflag:s13] =	ssyncset.done $0x0  }
0x2d: {  	s23 =	simm.s32 @!p0 $0x3;
	[sflag:s13] =	ssyncadd.s32 $0xFFFFE700  }
0x2e: {  	[spmem:s17], [sflag:s15] =	dma.local @!p0 [hbm:s7], $0x1900  }
.Ltmp2:
0x2f: {  	_ =	swait.ge @!p0 [sflag:s23], $0x1900;
	(pc) =	sbr.rel .LBB2_2-.Ltmp2, $4  }
0x30: {  	[sflag:s23] =	ssyncset.done @!p0 $0x0  }
0x31: {  	s24 =	simm.s32 $0x1B000;
	[sflag:s23] =	ssyncadd.s32 @!p0 $0xFFFFE700  }
0x32: {  	s25 =	simm.s32 $0x0;
	s23 =	simm.s32 $0x188D0;
	[bflag:$0x0] =	sbarrier.arrive $0xFFFF  }
0x33: {  	[tilespmem:s19], [sflag:$0x1] =	stream.indirect.gather [hbm4b:s8+s18], $0x80, s12, s18, $0xb8;
	[tilespmem:$0x1F000] =	vst v63  }
.LBB2_5:
0x34: {  	s28 =	sxor.u32 $0x1, s26  }
0x35: {  	s28 =	smul.u32 $0xA000, s28;
	_ =	sdelay $0x1  }
0x36: {  	s28 =	sshrl.u32 s28, $0x2  }
0x37: {  	s28 =	sadd.s32 $0x13880, s28  }
0x38: {  	[tilespmem:s28], [sflag:$0x1] =	stream.indirect.gather [hbm4b:s8+s18], $0x80, s23, s18, $0xb8;
	[tilespmem:$0x1F000] =	vst v63  }
.LBB2_6:
0x39: {  	s25 =	sadd.s32 $0x1, s25  }
0x3a: {  	s26 =	smul.u32 $0xA000, s26;
	p1 =	sne.s32 s25, $0x7D  }
.Ltmp3:
0x3b: {  	_ =	swait.ge [sflag:s20], $0x2800;
	(pc) =	sbr.rel @!p1 .LBB2_7-.Ltmp3, $4  }
0x3c: {  	[sflag:s20] =	ssyncset.done $0x0;
	s26 =	sshrl.u32 s26, $0x2  }
0x3d: {  	[sflag:s20] =	ssyncadd.s32 $0xFFFFD800;
	s26 =	sadd.s32 $0x13880, s26  }
0x3e: {  	[spmem:s2] =	stream.indirect.scatter.add.f32 [tilespmem:s26], [sflag:$0x2], $0x80, s24, s18, $0xb8;
	[tilespmem:$0x1F000] =	vst v63  }
0x3f: {  	s23 =	sadd.s32 $0x50, s23;
	s24 =	sadd.s32 $0x80, s24  }
.LBB2_2:
0x40: {  	p1 =	seq.s32 s25, $0x0  }
.Ltmp4:
0x41: {  	_ = 	snop;
	(pc) =	sbr.rel @p1 .LBB2_5-.Ltmp4, $2  }
0x42: {  	_ =	sdelay $0x2  }
0x43: {  	s26 =	sand.u32 $0x1, s25  }
0x44: {  	p1 =	seq.s32 s25, $0x7C  }
.Ltmp5:
0x45: {  	_ = 	snop;
	(pc) =	sbr.rel @p1 .LBB2_6-.Ltmp5, $1  }
0x46: {  	_ =	sdelay $0x3  }
.Ltmp6:
0x47: {  	(pc) =	sbr.rel .LBB2_5-.Ltmp6, $4  }
0x48: {  	_ = 	snop  }
0x49: {  	_ =	swait.ge [sflag:s21], $0x2800  }
0x4a: {  	[sflag:s21] =	ssyncset.done $0x0  }
0x4b: {  	[sflag:s21] =	ssyncadd.s32 $0xFFFFD800  }
.LBB2_8:
0x4c: {  	_ =	sfence.sel $0x180000  }
0x4d: {  	[bflag:$0x0] =	sbarrier.arrive $0xFFFF  }
0x4e: {  	p0 =	sne.s32 s1, $0x0;
	_ =	strace $0x90000053  }
0x4f: {  	s0 =	sadd.s32 @!p0 $0x100000, s0;
	[bflag:$0x2] =	sbarrier.arrive $0xFFFF  }
0x50: {  	[sflag:s0] =	ssyncadd.tile.s32 @!p0 $0x1;
	_ =	shalt  }
.Lfunc_end2:
_tile_overlayer_lowered:
.L_overlay_start_2:
0x51: {  	(tag) =	ssettag $0x2  }
0x52: {  	s0 =	rddreg [dreg:$0x0];
	s2 =	stileid.u32  }
0x53: {  	s1 =	rddreg [dreg:$0x1];
	p0 =	sne.s32 s2, $0x0  }
0x54: {  	s3 =	rddreg [dreg:$0x2];
	[bflag:$0x3] =	sbarrier.arrive $0xFFFF;
	s2 =	simm.s32 @!p0 $0x1C03  }
0x55: {  	[timem:s3], [sflag:s2] =	dma.local @!p0 [hbm:s0], s1  }
0x56: {  	s0 =	simm.s32 @!p0 $0x3  }
0x57: {  	_ =	swait.ge @!p0 [sflag:s0], s1  }
0x58: {  	s1 =	ssub.s32 @!p0 $0x0, s1;
	[sflag:s0] =	ssyncset.done @!p0 $0x0  }
0x59: {  	[sflag:s0] =	ssyncadd.s32 @!p0 s1  }
0x5a: {  	[bflag:$0x3] =	sbarrier.arrive $0xFFFF  }
0x5b: {  	_ =	shalt  }

// kernel: kernel.29.cloned.1.call-start
scs
__scs_entry_jumppad:
0x0: {  	(pc) =	sbr.rel $0x88, $3  }
0x1: {  	(tag) =	ssettag $0x0;
	lr =	simm.s32 $0x1  }
0x2: {  	[smem:$0x3F94] =	sst lr;
	_ =	strace $0xD0000000  }
0x3: {  	_ = 	snop  }
0x4: {  	_ = 	snop  }
0x5: {  	_ = 	snop  }
0x6: {  	_ = 	snop  }
0x7: {  	_ = 	snop  }
__scs_overlays_trampoline_lowered:
0x8: {  	[smem:$0x3FA3] =	sst s0  }
0x9: {  	[smem:$0x3FA4] =	sst s1  }
0xa: {  	[smem:$0x3FA5] =	sst s2  }
0xb: {  	[smem:$0x3FA6] =	sst s3  }
0xc: {  	[smem:$0x3FA7] =	sst s4  }
0xd: {  	[smem:$0x3FA8] =	sst s5  }
0xe: {  	[smem:$0x3FA9] =	sst s6  }
0xf: {  	[smem:$0x3FAA] =	sst s7  }
0x10: {  	[smem:$0x3FAB] =	sst s8  }
0x11: {  	[smem:$0x3FAC] =	sst s9;
	s0 =	simm.s32 @!p0 $0x0  }
0x12: {  	s1 =	sld [smem:$0x3F92];
	s0 =	simm.s32 @p0 $0x1  }
0x13: {  	[smem:$0x3FAD] =	sst s0;
	s0 =	simm.s32 @!p1 $0x0  }
0x14: {  	s2 =	sld [smem:$0x3F91];
	s0 =	simm.s32 @p1 $0x1  }
0x15: {  	[smem:$0x3FAE] =	sst s0;
	s0 =	simm.s32 @!p2 $0x0  }
0x16: {  	s3 =	sld [smem:$0x3FDB];
	s0 =	simm.s32 @p2 $0x1  }
0x17: {  	s4 =	simm.s32 $0x1BF5;
	[smem:$0x3FB0] =	sst s0  }
0x18: {  	s0 =	sld [smem:$0x3F93];
	_ =	swait.ge [sflag:s4], $0x0  }
0x19: {  	s7 =	sld [smem:$0x3F94]  }
0x1a: {  	s8 =	sadd.s32 $0xFFFFE003, lr  }
0x1b: {  	s9 =	sadd.s32 $0xFFFFFEF7, lr;
	s5 =	simm.s32 $0xFFFFFFFF;
	p2 =	slt.u32 s8, $0xFFFFF086  }
0x1c: {  	p1 =	slt.u32 s9, $0xF7A;
	s5 =	simm.s32 @!p2 $0x0  }
0x1d: {  	s5 =	simm.s32 @p1 $0x1;
	p0 =	seq.s32 s7, s2  }
0x1e: {  	s7 =	smul.u32 @!p0 $0xF7A, s2;
	p2 =	seq.s32 @!p0 s5, $0x0  }
0x1f: {  	s9 =	smul.u32 $0xF7A, s1;
	s8 =	simm.s32 @!p0 $0x1BF5;
	p2 =	por !p2, p0  }
0x20: {  	[sflag:s8] =	ssyncset.s32 @!p0 $0xFFFFF086;
	s6 =	sadd.s32 @!p0 s3, s7;
	s7 =	simm.s32 @!p0 $0x108  }
0x21: {  	s3 =	sadd.s32 s3, s9;
	s6 =	sadd.s32 @!p0 $0x88, s6;
	s7 =	simm.s32 @p2 $0x1082  }
0x22: {  	[simem:s7], [sflag:s8] =	dma.local @!p0 [hbm:s6], $0xF7A  }
0x23: {  	s9 =	sor.u32 $0xD0000000, s2;
	s6 =	simm.s32 $0x108;
	_ =	swait.ge @!p0 [sflag:s8], $0x0  }
0x24: {  	s3 =	sadd.s32 $0x88, s3;
	s6 =	simm.s32 @!p1 $0x1082;
	[sflag:s4] =	ssyncset.s32 $0xFFFFF086  }
0x25: {  	[simem:s6], [sflag:s4] =	dma.local [hbm:s3], $0xF7A  }
0x26: {  	[smem:$0x3F94] =	sst s1;
	(tag) =	ssettag s2;
	_ =	strace s9  }
0x27: {  	s1 =	sld [smem:$0x3FA4]  }
0x28: {  	s2 =	sld [smem:$0x3FA5]  }
0x29: {  	s4 =	sld [smem:$0x3FA7]  }
0x2a: {  	p0 =	seq.s32 s5, $0x0;
	s5 =	sld [smem:$0x3FA8]  }
0x2b: {  	s6 =	sld [smem:$0x3FA9]  }
0x2c: {  	s7 =	sld [smem:$0x3FAA]  }
0x2d: {  	s3 =	simm.s32 $0x108;
	s8 =	sld [smem:$0x3FAB]  }
0x2e: {  	s3 =	simm.s32 @!p0 $0x1082;
	s9 =	sld [smem:$0x3FAC]  }
0x2f: {  	lr =	sadd.s32 s0, s3;
	s0 =	sld [smem:$0x3FA3]  }
0x30: {  	s3 =	sld [smem:$0x3FA6]  }
0x31: {  	[smem:$0x3FAF] =	sst s10  }
0x32: {  	s10 =	sld [smem:$0x3FAD];
	_ =	sdelay $0x3  }
0x33: {  	p0 =	seq.s32 s10, $0x1;
	s10 =	sld [smem:$0x3FAF];
	_ =	sdelay $0x3  }
0x34: {  	[smem:$0x3FAF] =	sst s10  }
0x35: {  	s10 =	sld [smem:$0x3FAE];
	_ =	sdelay $0x3  }
0x36: {  	p1 =	seq.s32 s10, $0x1;
	s10 =	sld [smem:$0x3FAF];
	_ =	sdelay $0x3  }
0x37: {  	[smem:$0x3FAF] =	sst s10  }
0x38: {  	s10 =	sld [smem:$0x3FB0]  }
0x39: {  	_ = 	snop;
	(pc) =	sbr.ind lr, $3  }
0x3a: {  	_ = 	snop  }
0x3b: {  	_ = 	snop  }
0x3c: {  	p2 =	seq.s32 s10, $0x1;
	s10 =	sld [smem:$0x3FAF]  }
0x3d: {  	_ =	shalt  }
0x3e: {  	_ =	shalt  }
0x3f: {  	_ =	shalt  }
0x40: {  	_ =	shalt  }
0x41: {  	_ =	shalt  }
0x42: {  	_ =	shalt  }
0x43: {  	_ =	shalt  }
0x44: {  	_ =	shalt  }
0x45: {  	_ =	shalt  }
0x46: {  	_ =	shalt  }
0x47: {  	_ =	shalt  }
0x48: {  	_ =	shalt  }
0x49: {  	_ =	shalt  }
0x4a: {  	_ =	shalt  }
0x4b: {  	_ =	shalt  }
0x4c: {  	_ =	shalt  }
0x4d: {  	_ =	shalt  }
0x4e: {  	_ =	shalt  }
0x4f: {  	_ =	shalt  }
0x50: {  	_ =	shalt  }
0x51: {  	_ =	shalt  }
0x52: {  	_ =	shalt  }
0x53: {  	_ =	shalt  }
0x54: {  	_ =	shalt  }
0x55: {  	_ =	shalt  }
0x56: {  	_ =	shalt  }
0x57: {  	_ =	shalt  }
0x58: {  	_ =	shalt  }
0x59: {  	_ =	shalt  }
0x5a: {  	_ =	shalt  }
0x5b: {  	_ =	shalt  }
0x5c: {  	_ =	shalt  }
0x5d: {  	_ =	shalt  }
0x5e: {  	_ =	shalt  }
0x5f: {  	_ =	shalt  }
0x60: {  	_ =	shalt  }
0x61: {  	_ =	shalt  }
0x62: {  	_ =	shalt  }
0x63: {  	_ =	shalt  }
0x64: {  	_ =	shalt  }
0x65: {  	_ =	shalt  }
0x66: {  	_ =	shalt  }
0x67: {  	_ =	shalt  }
0x68: {  	_ =	shalt  }
0x69: {  	_ =	shalt  }
0x6a: {  	_ =	shalt  }
0x6b: {  	_ =	shalt  }
0x6c: {  	_ =	shalt  }
0x6d: {  	_ =	shalt  }
0x6e: {  	_ =	shalt  }
0x6f: {  	_ =	shalt  }
0x70: {  	_ =	shalt  }
0x71: {  	_ =	shalt  }
0x72: {  	_ =	shalt  }
0x73: {  	_ =	shalt  }
0x74: {  	_ =	shalt  }
0x75: {  	_ =	shalt  }
0x76: {  	_ =	shalt  }
0x77: {  	_ =	shalt  }
0x78: {  	_ =	shalt  }
0x79: {  	_ =	shalt  }
0x7a: {  	_ =	shalt  }
0x7b: {  	_ =	shalt  }
0x7c: {  	_ =	shalt  }
0x7d: {  	_ =	shalt  }
0x7e: {  	_ =	shalt  }
0x7f: {  	_ =	shalt  }
0x80: {  	_ =	shalt  }
0x81: {  	_ =	shalt  }
0x82: {  	_ =	shalt  }
0x83: {  	_ =	shalt  }
0x84: {  	_ =	shalt  }
0x85: {  	_ =	shalt  }
0x86: {  	_ =	shalt  }
0x87: {  	_ =	shalt  }
.Lfunc_end0:
.L_simem_size_0:
called_computation.5_lowered:
.L_overlay_start_0:
0x88: {  	s2 =	sld [smem:$0x3FD9]  }
0x89: {  	s3 =	sld [smem:$0x3FFE];
	_ =	sdelay $0x1  }
0x8a: {  	s1 =	srdreg.scid  }
0x8b: {  	s0 =	sand.u32 $0x1, s1  }
0x8c: {  	s17 =	sshll.u32 s0, $0xA;
	s2 =	sadd.s32 s3, s2  }
0x8d: {  	s2 =	sadd.s32 s2, s17  }
0x8e: {  	[smem:$0x3FBB] =	sst s2  }
0x8f: {  	_ = 	snop  }
0x90: {  	s2 =	sld [smem:$0x3FD0];
	(tm) =	ssettm $0x1  }
0x91: {  	s18 =	sld [smem:$0x3FFB];
	_ =	sdelay $0x3  }
0x92: {  	_ =	strace s18  }
0x93: {  	s3 =	sld [smem:$0x3FFC];
	_ =	sdelay $0x3  }
0x94: {  	_ =	strace s3  }
0x95: {  	s3 =	sld [smem:$0x3FFD];
	_ =	sdelay $0x3  }
0x96: {  	_ =	strace s3  }
0x97: {  	_ =	strace $0x8FFFFFFF  }
0x98: {  	s19 =	sld [smem:$0x3FDB];
	_ =	sdelay $0x1  }
0x99: {  	s4 =	simm.s32 $_scs_section_size  }
0x9a: {  	s5 =	simm.s32 $_size__tile_overlayer_lowered;
	s6 =	simm.s32 $_tile_overlayer_lowered  }
0x9b: {  	s22 =	simm.s32 $0x1BFF;
	s21 =	sshll.u32 s6, $0x1;
	s3 =	sadd.s32 s4, s19  }
0x9c: {  	s7 =	simm.s32 $0x0;
	s20 =	sshll.u32 s5, $0x1;
	s5 =	sadd.s32 s21, s3  }
0x9d: {  	[timem:s7], [sflag:s22] =	dma.local [hbm:s5], s20  }
0x9e: {  	_ =	swait.ge [sflag:s22], s20  }
0x9f: {  	s4 =	ssub.s32 $0x0, s20;
	[sflag:s22] =	ssyncset.done $0x0  }
0xa0: {  	[sflag:s22] =	ssyncadd.s32 s4;
	_ =	sdelay $0x1  }
0xa1: {  	s23 =	simm.s32 $0x1B8B  }
0xa2: {  	_ =	swait.ge [sflag:s23], $0x1  }
0xa3: {  	[sflag:s23] =	ssyncset.done $0x0  }
0xa4: {  	s25 =	simm.s32 $0x1B8E;
	s24 =	sld [smem:$0x3FFE];
	[sflag:s23] =	ssyncadd.s32 $0xFFFFFFFF  }
0xa5: {  	s26 =	simm.s32 $execute0_lowered;
	[smem:$0x3FD2] =	sst s25  }
0xa6: {  	s5 =	sshll.u32 s26, $0x1;
	_ =	strace $0x80000055;
	[dreg:$0x1] =	wrdreg $0xFFFFFFFF  }
0xa7: {  	s28 =	simm.s32 $_size_execute0_lowered;
	s3 =	sadd.s32 s3, s5;
	[dreg:$0x0] =	wrdreg $0x0  }
0xa8: {  	s5 =	sshll.u32 s28, $0x1;
	[dreg:$0x2] =	wrdreg s3  }
0xa9: {  	[dreg:$0x3] =	wrdreg s5  }
0xaa: {  	[dreg:$0x4] =	wrdreg $0xC0  }
0xab: {  	_ =	task [dreg:s7], $0x5FFFF  }
0xac: {  	[dreg:$0x1] =	wrdreg $0xFFFFFFFF  }
0xad: {  	[dreg:$0x0] =	wrdreg $0x60  }
0xae: {  	[dreg:$0x2] =	wrdreg s2  }
0xaf: {  	[dreg:$0x3] =	wrdreg s24  }
0xb0: {  	[dreg:$0x4] =	wrdreg $0x0  }
0xb1: {  	[dreg:$0x5] =	wrdreg $0x9  }
0xb2: {  	_ =	task.clear_ibuf [dreg:s7], $0x6FFFF;
	_ =	strace $0x90000055  }
0xb3: {  	s29 =	simm.s32 $0x9;
	_ =	strace $0x80000057  }
0xb4: {  	_ =	swait.ge [sflag:s29], $0x1  }
0xb5: {  	[sflag:s29] =	ssyncadd.s32 $0xFFFFFFFF  }
0xb6: {  	_ =	strace $0x90000057  }
0xb7: {  	_ =	sfence  }
0xb8: {  	s30 =	sld [smem:$0x0];
	_ =	sdelay $0x2  }
0xb9: {  	s31 =	sshll.u32 s1, $0xD;
	s1 =	sshrl.u32 s1, $0x2  }
0xba: {  	s3 =	sand.u32 $0x4000, s31;
	s1 =	sadd.s32 s1, s30  }
0xbb: {  	s0 =	sor.u32 s3, s0;
	s1 =	sshll.u32 s1, $0x11  }
0xbc: {  	s0 =	sor.u32 s1, s0  }
0xbd: {  	s0 =	sadd.s32 $0x8F2B, s0  }
0xbe: {  	[sflag:s0] =	ssyncadd.remote.s32 $0x1  }
0xbf: {  	_ =	sfence.sel $0xFFFF  }
0xc0: {  	[dreg:$0x0] =	wrdreg $0xFFFFFFFF;
	(pc) =	sbr.abs _section_cstart, $3  }
0xc1: {  	[dreg:$0x1] =	wrdreg $0xFFFFFFFF  }
0xc2: {  	_ =	task.clear_ibuf [dreg:s7], $0x2FFFF;
	_ =	strace $0x9FFFFFFF  }
0xc3: {  	(tm) =	ssettm $0x7FFFFFFF  }
tec
execute0_lowered:
.L_overlay_start_1:
0x0: {  	(tag) =	ssettag $0x1  }
0x1: {  	s8 =	rddreg [dreg:$0x0]  }
0x2: {  	s4 =	rddreg [dreg:$0x1]  }
0x3: {  	s2 =	rddreg [dreg:$0x2]  }
0x4: {  	s0 =	rddreg [dreg:$0x3]  }
0x5: {  	s3 =	simm.s32 $0x0;
	s1 =	stileid.u32;
	s6 =	srdreg.scid  }
0x6: {  	s18 =	simm.s32 $0x50;
	s19 =	simm.s32 $0x13880;
	s20 =	simm.s32 $0x1  }
0x7: {  	s21 =	simm.s32 $0x2;
	s22 =	simm.s32 $0x0;
	s5 =	smul.u32 $0x4E2, s1  }
0x8: {  	[smem:$0x7FF] =	sst s3;
	s7 =	sshll.u32 s1, $0xB;
	s11 =	smul.u32 $0x32000, s1  }
0x9: {  	s6 =	sand.u32 $0x1, s6;
	s10 =	sadd.s32 $0x46600, s4;
	s13 =	smul.u32 $0x190, s1  }
0xa: {  	s14 =	sor.u32 $0x10, s1;
	p0 =	sgt.u32 s1, $0x8;
	s9 =	smul.u32 $0x2710, s6  }
0xb: {  	s31 =	sshll.u32 s1, $0x6;
	_ =	strace $0x80000056;
	s15 =	smul.u32 $0x32000, s14  }
0xc: {  	s7 =	sadd.s32 s7, s4;
	s26 =	ssub.s32 $0x2, s6;
	s14 =	smul.u32 $0x190, s14  }
0xd: {  	s30 =	smul.u32 $0x27100, s6;
	s5 =	sadd.s32 s5, s4;
	s12 =	sshrl.u32 s26, $0x1  }
0xe: {  	s11 =	sshrl.u32 s11, $0x2;
	s12 =	ssub.s32 s26, s12;
	s4 =	sadd.s32 $0x12400, s5  }
0xf: {  	s13 =	sadd.s32 s13, s9;
	s5 =	sadd.s32 $0x3E600, s7;
	s16 =	sadd.s32 s11, s2  }
0x10: {  	s29 =	sshrl.u32 s15, $0x2;
	s9 =	sadd.s32 s9, s14;
	s15 =	sor.u32 $0x1C03, s31  }
.Ltmp0:
0x11: {  	s28 =	sshll.u32 s13, $0x4;
	s17 =	sadd.s32 s29, s2;
	(pc) =	sbr.rel .LBB2_1-.Ltmp0, $4  }
0x12: {  	s14 =	sshll.u32 s9, $0x4;
	s11 =	smax.u32 s12, $0x1;
	s12 =	simm.s32 $0x18880  }
0x13: {  	s13 =	simm.s32 $0x3;
	s16 =	sshrl.u32 s16, $0x3;
	s6 =	sadd.s32 s8, s28  }
0x14: {  	s7 =	sadd.s32 s8, s14;
	s8 =	sadd.s32 s8, s30;
	s9 =	sadd.s32 s10, s28  }
0x15: {  	s10 =	sadd.s32 s10, s14;
	s14 =	simm.s32 $0x1B000;
	s17 =	sshrl.u32 @!p0 s17, $0x3  }
.LBB2_7:
0x16: {  	_ =	swait.ge [sflag:s21], $0x5000  }
0x17: {  	[sflag:s21] =	ssyncset.done $0x0  }
0x18: {  	[sflag:s21] =	ssyncadd.s32 $0xFFFFB000  }
0x19: {  	[bflag:$0x0] =	sbarrier.arrive $0xFFFF  }
0x1a: {  	[hbm:s9], [sflag:s15] =	dma.local [spmem:s16], $0x1900  }
0x1b: {  	s22 =	sadd.s32 $0x1, s22;
	_ =	swait.ge [sflag:s13], $0x1900  }
0x1c: {  	p1 =	sne.s32 s22, s11;
	[sflag:s13] =	ssyncset.done $0x0  }
.Ltmp1:
0x1d: {  	s23 =	simm.s32 @!p0 $0x3;
	[sflag:s13] =	ssyncadd.s32 $0xFFFFE700;
	(pc) =	sbr.rel @!p1 .LBB2_8-.Ltmp1, $4  }
0x1e: {  	[hbm:s10], [sflag:s15] =	dma.local @!p0 [spmem:s17], $0x1900  }
0x1f: {  	_ =	swait.ge @!p0 [sflag:s23], $0x1900  }
0x20: {  	[sflag:s23] =	ssyncset.done @!p0 $0x0  }
0x21: {  	[sflag:s23] =	ssyncadd.s32 @!p0 $0xFFFFE700  }
.LBB2_1:
0x22: {  	[tilespmem:s12], [sflag:$0x3] =	stream.linear.gather [hbm4b:s4+s3], $0x2710, $0x38;
	[tilespmem:$0x1F000] =	vst v63  }
0x23: {  	_ =	swait.ge [sflag:s13], $0x2710  }
0x24: {  	[sflag:s13] =	ssyncset.done $0x0  }
0x25: {  	[sflag:s13] =	ssyncadd.s32 $0xFFFFD8F0  }
0x26: {  	[tilespmem:s14], [sflag:$0x3] =	stream.linear.gather [hbm4b:s5+s3], $0x3E80, $0x38;
	[tilespmem:$0x1F000] =	vst v63  }
0x27: {  	_ =	swait.ge [sflag:s13], $0x3E80  }
0x28: {  	[sflag:s13] =	ssyncset.done $0x0  }
0x29: {  	[sflag:s13] =	ssyncadd.s32 $0xFFFFC180  }
0x2a: {  	[spmem:s16], [sflag:s15] =	dma.local [hbm:s6], $0x1900  }
0x2b: {  	_ =	swait.ge [sflag:s13], $0x1900  }
0x2c: {  	[sflag:s13] =	ssyncset.done $0x0  }
0x2d: {  	s23 =	simm.s32 @!p0 $0x3;
	[sflag:s13] =	ssyncadd.s32 $0xFFFFE700  }
0x2e: {  	[spmem:s17], [sflag:s15] =	dma.local @!p0 [hbm:s7], $0x1900  }
.Ltmp2:
0x2f: {  	_ =	swait.ge @!p0 [sflag:s23], $0x1900;
	(pc) =	sbr.rel .LBB2_2-.Ltmp2, $4  }
0x30: {  	[sflag:s23] =	ssyncset.done @!p0 $0x0  }
0x31: {  	s24 =	simm.s32 $0x1B000;
	[sflag:s23] =	ssyncadd.s32 @!p0 $0xFFFFE700  }
0x32: {  	s25 =	simm.s32 $0x0;
	s23 =	simm.s32 $0x188D0;
	[bflag:$0x0] =	sbarrier.arrive $0xFFFF  }
0x33: {  	[tilespmem:s19], [sflag:$0x1] =	stream.indirect.gather [hbm4b:s8+s18], $0x80, s12, s18, $0xb8;
	[tilespmem:$0x1F000] =	vst v63  }
.LBB2_5:
0x34: {  	s28 =	sxor.u32 $0x1, s26  }
0x35: {  	s28 =	smul.u32 $0xA000, s28;
	_ =	sdelay $0x1  }
0x36: {  	s28 =	sshrl.u32 s28, $0x2  }
0x37: {  	s28 =	sadd.s32 $0x13880, s28  }
0x38: {  	[tilespmem:s28], [sflag:$0x1] =	stream.indirect.gather [hbm4b:s8+s18], $0x80, s23, s18, $0xb8;
	[tilespmem:$0x1F000] =	vst v63  }
.LBB2_6:
0x39: {  	s25 =	sadd.s32 $0x1, s25  }
0x3a: {  	s26 =	smul.u32 $0xA000, s26;
	p1 =	sne.s32 s25, $0x7D  }
.Ltmp3:
0x3b: {  	_ =	swait.ge [sflag:s20], $0x2800;
	(pc) =	sbr.rel @!p1 .LBB2_7-.Ltmp3, $4  }
0x3c: {  	[sflag:s20] =	ssyncset.done $0x0;
	s26 =	sshrl.u32 s26, $0x2  }
0x3d: {  	[sflag:s20] =	ssyncadd.s32 $0xFFFFD800;
	s26 =	sadd.s32 $0x13880, s26  }
0x3e: {  	[spmem:s2] =	stream.indirect.scatter.add.f32 [tilespmem:s26], [sflag:$0x2], $0x80, s24, s18, $0xb8;
	[tilespmem:$0x1F000] =	vst v63  }
0x3f: {  	s23 =	sadd.s32 $0x50, s23;
	s24 =	sadd.s32 $0x80, s24  }
.LBB2_2:
0x40: {  	p1 =	seq.s32 s25, $0x0  }
.Ltmp4:
0x41: {  	_ = 	snop;
	(pc) =	sbr.rel @p1 .LBB2_5-.Ltmp4, $2  }
0x42: {  	_ =	sdelay $0x2  }
0x43: {  	s26 =	sand.u32 $0x1, s25  }
0x44: {  	p1 =	seq.s32 s25, $0x7C  }
.Ltmp5:
0x45: {  	_ = 	snop;
	(pc) =	sbr.rel @p1 .LBB2_6-.Ltmp5, $1  }
0x46: {  	_ =	sdelay $0x3  }
.Ltmp6:
0x47: {  	(pc) =	sbr.rel .LBB2_5-.Ltmp6, $4  }
0x48: {  	_ = 	snop  }
0x49: {  	_ =	swait.ge [sflag:s21], $0x2800  }
0x4a: {  	[sflag:s21] =	ssyncset.done $0x0  }
0x4b: {  	[sflag:s21] =	ssyncadd.s32 $0xFFFFD800  }
.LBB2_8:
0x4c: {  	_ =	sfence.sel $0x180000  }
0x4d: {  	[bflag:$0x0] =	sbarrier.arrive $0xFFFF  }
0x4e: {  	p0 =	sne.s32 s1, $0x0;
	_ =	strace $0x90000056  }
0x4f: {  	s0 =	sadd.s32 @!p0 $0x100000, s0;
	[bflag:$0x2] =	sbarrier.arrive $0xFFFF  }
0x50: {  	[sflag:s0] =	ssyncadd.tile.s32 @!p0 $0x1;
	_ =	shalt  }
.Lfunc_end2:
_tile_overlayer_lowered:
.L_overlay_start_2:
0x51: {  	(tag) =	ssettag $0x2  }
0x52: {  	s0 =	rddreg [dreg:$0x0];
	s2 =	stileid.u32  }
0x53: {  	s1 =	rddreg [dreg:$0x1];
	p0 =	sne.s32 s2, $0x0  }
0x54: {  	s3 =	rddreg [dreg:$0x2];
	[bflag:$0x3] =	sbarrier.arrive $0xFFFF;
	s2 =	simm.s32 @!p0 $0x1C03  }
0x55: {  	[timem:s3], [sflag:s2] =	dma.local @!p0 [hbm:s0], s1  }
0x56: {  	s0 =	simm.s32 @!p0 $0x3  }
0x57: {  	_ =	swait.ge @!p0 [sflag:s0], s1  }
0x58: {  	s1 =	ssub.s32 @!p0 $0x0, s1;
	[sflag:s0] =	ssyncset.done @!p0 $0x0  }
0x59: {  	[sflag:s0] =	ssyncadd.s32 @!p0 s1  }
0x5a: {  	[bflag:$0x3] =	sbarrier.arrive $0xFFFF  }
0x5b: {  	_ =	shalt  }

</sc_bundles>
